<compile_context>
chip_gen: v7x
topology: tpu7x:2x2x1
jax: 0.10.2.dev20260603
libtpu: 0.0.44.dev20260713+nightly
codegen_flags: <defaults>
</compile_context>

<pallas_src>
import functools

import jax
import jax.numpy as jnp
from jax import lax
from jax.experimental import pallas as pl
from jax.experimental.pallas import tpu as pltpu
from jax.experimental.pallas import tpu_sc as plsc

BATCH = 16384
EMBED = 64
NC = 2
NS = 16
NW = NC * NS
RPW = BATCH // NW
GROUPS = RPW // 16
EPS2 = 1e-24


def _rsqrt_newton(x):
    i = plsc.bitcast(x, jnp.int32)
    i = jnp.int32(0x5F3759DF) - (i >> 1)
    y = plsc.bitcast(i, jnp.float32)
    for _ in range(3):
        y = y * (1.5 - 0.5 * x * y * y)
    return y


def _make_sc_kernel():
    mesh = plsc.VectorSubcoreMesh(core_axis_name="c", subcore_axis_name="s")

    @functools.partial(
        pl.kernel,
        mesh=mesh,
        out_type=jax.ShapeDtypeStruct((NC * 8, 128), jnp.float32),
        scratch_types=[
            pltpu.VMEM((8, 128), jnp.int32),
            pltpu.VMEM((RPW // 2, 128), jnp.float32),
            pltpu.VMEM((RPW, EMBED), jnp.float32),
            pltpu.VMEM((8, 128), jnp.float32),
            pltpu.VMEM((NS * 8, 128), jnp.float32),
            pltpu.VMEM_SHARED((NS * 8, 128), jnp.float32),
            pltpu.SemaphoreType.DMA,
        ],
        compiler_params=pltpu.CompilerParams(
            needs_layout_passes=False, use_tc_tiling_on_sc=True
        ),
    )
    def sc_kernel(feat_hbm, lab_hbm, cent_hbm, out_hbm,
                  lab_v, feat_v, cent_v, part_v, red_v, shared, sem):
        cid = lax.axis_index("c")
        sid = lax.axis_index("s")
        wid = sid * NC + cid

        fbase = pl.multiple_of(wid * (RPW // 2), RPW // 2)
        pltpu.sync_copy(feat_hbm.at[pl.ds(fbase, RPW // 2)], feat_v)

        blk = pl.multiple_of((wid // 2) * 8, 8)
        rowoff = (wid % 2) * 4
        pltpu.sync_copy(lab_hbm.at[pl.ds(blk, 8)], lab_v)

        lanes = lax.iota(jnp.int32, 16)

        def gather_round(j, carry):
            pos = j + 32 * lanes
            lvec = plsc.load_gather(lab_v, [rowoff + pos // 128, pos % 128])
            copies = []
            for k in range(16):
                l = jnp.sum(jnp.where(lanes == k, lvec, 0))
                copies.append(pltpu.async_copy(
                    cent_hbm.at[pl.ds(l, 1)],
                    cent_v.at[pl.ds(k * 32 + j, 1)],
                    sem,
                ))
            for cp in copies:
                cp.wait()
            return carry

        lax.fori_loop(0, 32, gather_round, 0)

        def group_body(g, acc):
            rows = g * 16 + lanes
            frow = rows >> 1
            fcolbase = (rows & 1) * EMBED
            d = None
            for e in range(EMBED):
                col = jnp.full((16,), e, jnp.int32)
                fv = plsc.load_gather(feat_v, [frow, fcolbase + e])
                cv = plsc.load_gather(cent_v, [rows, col])
                if d is None:
                    d = fv * cv
                    ff = fv * fv
                    cc = cv * cv
                else:
                    d = d + fv * cv
                    ff = ff + fv * fv
                    cc = cc + cv * cv
            rf = _rsqrt_newton(jnp.maximum(ff, EPS2))
            rc = _rsqrt_newton(jnp.maximum(cc, EPS2))
            cos = d * rf * rc
            cos = jnp.minimum(jnp.maximum(cos, -1.0), 1.0)
            return acc + (1.0 - cos)

        acc = lax.fori_loop(0, GROUPS, group_body, jnp.zeros((16,), jnp.float32))
        part_v[0, pl.ds(0, 16)] = acc * (1.0 / BATCH)

        sblk = pl.multiple_of(sid * 8, 8)
        pltpu.sync_copy(part_v, shared.at[pl.ds(sblk, 8)])
        plsc.subcore_barrier()

        @pl.when(sid == 0)
        def _():
            pltpu.sync_copy(shared, red_v)
            tot = red_v[0, pl.ds(0, 16)]
            for i in range(1, NS):
                tot = tot + red_v[i * 8, pl.ds(0, 16)]
            total = jnp.sum(tot, axis=0)
            part_v[0, pl.ds(0, 16)] = jnp.broadcast_to(total, (16,))
            cblk = pl.multiple_of(cid * 8, 8)
            pltpu.sync_copy(part_v, out_hbm.at[pl.ds(cblk, 8)])

    return sc_kernel


_SC_KERNEL = _make_sc_kernel()


def kernel(features, labels, centers):
    feat2d = features.reshape(BATCH // 2, 128)
    lab2d = labels.astype(jnp.int32).reshape(128, 128)
    out = _SC_KERNEL(feat2d, lab2d, centers)
    return out[0, 0] + out[8, 0]

# --- scband reference (transcript-rebuilt; emitter-appended) ---
"""Pipeline reference for scband-center-loss-4226247819398 (READ-ONLY COPY).

The authoritative reference and input builder live on the scoring server;
editing this copy changes nothing except your own understanding.
"""

import jax, jax.numpy as jnp
import numpy as np

NUM_CLASSES = 1000000
EMBED_SIZE = 64
BATCH = 16384


def _l2_normalize(x, axis, eps=1e-12):
    # matches torch.nn.functional.normalize(p=2)
    norm = jnp.sqrt(jnp.sum(x * x, axis=axis, keepdims=True))
    return x / jnp.maximum(norm, eps)


def setup_inputs(seed: int = 0) -> dict:
    key = jax.random.key(seed)
    k1, k2, k3 = jax.random.split(key, 3)
    features = jax.random.normal(k1, (BATCH, EMBED_SIZE), dtype=jnp.float32)
    labels = jax.random.randint(k2, (BATCH,), 0, NUM_CLASSES, dtype=jnp.int64 if jax.config.jax_enable_x64 else jnp.int32)
    centers = jax.random.normal(k3, (NUM_CLASSES, EMBED_SIZE), dtype=jnp.float32)
    return {"features": features, "labels": labels, "centers": centers}


def reference(features, labels, centers):
    features_n = _l2_normalize(features, axis=1)
    centers_n = _l2_normalize(centers, axis=1)
    centers_batch = jnp.take(centers_n, labels, axis=0)
    cos_sim = jnp.sum(features_n * centers_batch, axis=1)
    cos_diff = 1.0 - jnp.clip(cos_sim, -1.0, 1.0)
    batch_size = labels.shape[0]
    center_loss = jnp.sum(cos_diff) / batch_size
    return center_loss

if __name__ == "__main__":
    import jax
    _d = setup_inputs()
    print(jax.jit(kernel)(*tuple(_d.values())))

</pallas_src>

<mosaic_0001>
#map = affine_map<(d0, d1) -> (0, 0)>
module attributes {stable_mosaic.version = 14 : i64} {
  func.func @sc_kernel(%arg0: i32, %arg1: i32, %arg2: memref<8192x128xf32, #tpu.memory_space<hbm>>, %arg3: memref<128x128xi32, #tpu.memory_space<hbm>>, %arg4: memref<1000000x64xf32, #tpu.memory_space<hbm>>, %arg5: memref<16x128xf32, #tpu.memory_space<hbm>>, %arg6: memref<8x128xi32, #tpu.memory_space<vmem>>, %arg7: memref<256x128xf32, #tpu.memory_space<vmem>>, %arg8: memref<512x64xf32, #tpu.memory_space<vmem>>, %arg9: memref<8x128xf32, #tpu.memory_space<vmem>>, %arg10: memref<128x128xf32, #tpu.memory_space<vmem>>, %arg11: memref<128x128xf32, #tpu.memory_space<vmem_shared>>, %arg12: memref<!tpu.dma_semaphore, #tpu.memory_space<semaphore_mem>>) attributes {dimension_semantics = [#tpu.dimension_semantics<core_parallel>, #tpu.dimension_semantics<subcore_parallel>], iteration_bounds = array<i64: 2, 16>, scalar_prefetch = 0 : i64, scratch_operands = 7 : i64, tpu.core_type = #tpu.core_type<sc_vector_subcore>, window_params = [{transform_indices = #map}, {transform_indices = #map}, {transform_indices = #map}, {transform_indices = #map}]} {
    %mul3A = arith.constant 2 : i32
    %mul3A_0 = arith.muli %arg1, %mul3A : i32
    %add3A = arith.addi %mul3A_0, %arg0 : i32
    %mul3A_1 = arith.constant 256 : i32
    %mul3A_2 = arith.muli %add3A, %mul3A_1 : i32
    %multiple_of3A = tpu.assume_multiple %mul3A_2, 256 : i32
    "tpu.region"() ({
      %run_scoped3A = tpu.sem_alloc : memref<!tpu.dma_semaphore, #tpu.memory_space<semaphore_mem>>
      %dma_start3A = arith.constant 0 : i32
      %dma_start3A_62 = tpu.memref_slice %arg2[%multiple_of3A, %dma_start3A] : memref<8192x128xf32, #tpu.memory_space<hbm>> -> memref<256x128xf32, #tpu.memory_space<hbm>>
      %dma_start3A_63 = arith.constant 0 : i32
      %dma_start3A_64 = tpu.memref_slice %arg2[%multiple_of3A, %dma_start3A_63] : memref<8192x128xf32, #tpu.memory_space<hbm>> -> memref<256x128xf32, #tpu.memory_space<hbm>>
      tpu.enqueue_dma source(%dma_start3A_64 : memref<256x128xf32, #tpu.memory_space<hbm>>) target(%arg7 : memref<256x128xf32, #tpu.memory_space<vmem>>) target_semaphore(%run_scoped3A : memref<!tpu.dma_semaphore, #tpu.memory_space<semaphore_mem>>)
      %dma_wait3A = arith.constant 0 : i32
      %dma_wait3A_65 = tpu.memref_slice %arg2[%multiple_of3A, %dma_wait3A] : memref<8192x128xf32, #tpu.memory_space<hbm>> -> memref<256x128xf32, #tpu.memory_space<hbm>>
      %dma_wait3A_66 = arith.constant 0 : i32
      %dma_wait3A_67 = tpu.memref_slice %arg2[%multiple_of3A, %dma_wait3A_66] : memref<8192x128xf32, #tpu.memory_space<hbm>> -> memref<256x128xf32, #tpu.memory_space<hbm>>
      tpu.wait_dma2 semaphore(%run_scoped3A : memref<!tpu.dma_semaphore, #tpu.memory_space<semaphore_mem>>) src(%dma_wait3A_67 : memref<256x128xf32, #tpu.memory_space<hbm>>) dst(%arg7 : memref<256x128xf32, #tpu.memory_space<vmem>>)
      tpu.yield
    }) : () -> ()
    %jit3A = arith.constant 2 : i32
    %div3A = arith.divsi %add3A, %jit3A : i32
    %sign3A = arith.constant 0 : i32
    %sign3A_3 = arith.cmpi sgt, %add3A, %sign3A : i32
    %sign3A_4 = arith.extui %sign3A_3 : i1 to i32
    %sign3A_5 = arith.constant 0 : i32
    %sign3A_6 = arith.cmpi slt, %add3A, %sign3A_5 : i32
    %sign3A_7 = arith.extui %sign3A_6 : i1 to i32
    %sign3A_8 = arith.subi %sign3A_4, %sign3A_7 : i32
    %sign3A_9 = arith.constant 0 : i32
    %sign3A_10 = arith.cmpi sgt, %jit3A, %sign3A_9 : i32
    %sign3A_11 = arith.extui %sign3A_10 : i1 to i32
    %sign3A_12 = arith.constant 0 : i32
    %sign3A_13 = arith.cmpi slt, %jit3A, %sign3A_12 : i32
    %sign3A_14 = arith.extui %sign3A_13 : i1 to i32
    %sign3A_15 = arith.subi %sign3A_11, %sign3A_14 : i32
    %ne3A = arith.cmpi ne, %sign3A_8, %sign3A_15 : i32
    %rem3A = arith.remsi %add3A, %jit3A : i32
    %ne3A_16 = arith.constant 0 : i32
    %ne3A_17 = arith.cmpi ne, %rem3A, %ne3A_16 : i32
    %and3A = arith.andi %ne3A, %ne3A_17 : i1
    %sub3A = arith.constant 1 : i32
    %sub3A_18 = arith.subi %div3A, %sub3A : i32
    %select_n3A = arith.select %and3A, %sub3A_18, %div3A : i32
    %mul3A_19 = arith.constant 8 : i32
    %mul3A_20 = arith.muli %select_n3A, %mul3A_19 : i32
    %multiple_of3A_21 = tpu.assume_multiple %mul3A_20, 8 : i32
    %jit3A_22 = arith.constant 2 : i32
    %eq3A = arith.constant 0 : i32
    %eq3A_23 = arith.cmpi eq, %jit3A_22, %eq3A : i32
    %jit3A_24 = arith.constant 1 : i32
    %select_n3A_25 = arith.select %eq3A_23, %jit3A_24, %jit3A_22 : i32
    %rem3A_26 = arith.remsi %add3A, %select_n3A_25 : i32
    %ne3A_27 = arith.constant 0 : i32
    %ne3A_28 = arith.cmpi ne, %rem3A_26, %ne3A_27 : i32
    %lt3A = arith.constant 0 : i32
    %lt3A_29 = arith.cmpi slt, %rem3A_26, %lt3A : i32
    %lt3A_30 = arith.constant 0 : i32
    %lt3A_31 = arith.cmpi slt, %select_n3A_25, %lt3A_30 : i32
    %ne3A_32 = arith.xori %lt3A_29, %lt3A_31 : i1
    %and3A_33 = arith.andi %ne3A_32, %ne3A_28 : i1
    %add3A_34 = arith.addi %rem3A_26, %select_n3A_25 : i32
    %select_n3A_35 = arith.select %and3A_33, %add3A_34, %rem3A_26 : i32
    %mul3A_36 = arith.constant 4 : i32
    %mul3A_37 = arith.muli %select_n3A_35, %mul3A_36 : i32
    "tpu.region"() ({
      %run_scoped3A = tpu.sem_alloc : memref<!tpu.dma_semaphore, #tpu.memory_space<semaphore_mem>>
      %dma_start3A = arith.constant 0 : i32
      %dma_start3A_62 = tpu.memref_slice %arg3[%multiple_of3A_21, %dma_start3A] : memref<128x128xi32, #tpu.memory_space<hbm>> -> memref<8x128xi32, #tpu.memory_space<hbm>>
      %dma_start3A_63 = arith.constant 0 : i32
      %dma_start3A_64 = tpu.memref_slice %arg3[%multiple_of3A_21, %dma_start3A_63] : memref<128x128xi32, #tpu.memory_space<hbm>> -> memref<8x128xi32, #tpu.memory_space<hbm>>
      tpu.enqueue_dma source(%dma_start3A_64 : memref<8x128xi32, #tpu.memory_space<hbm>>) target(%arg6 : memref<8x128xi32, #tpu.memory_space<vmem>>) target_semaphore(%run_scoped3A : memref<!tpu.dma_semaphore, #tpu.memory_space<semaphore_mem>>)
      %dma_wait3A = arith.constant 0 : i32
      %dma_wait3A_65 = tpu.memref_slice %arg3[%multiple_of3A_21, %dma_wait3A] : memref<128x128xi32, #tpu.memory_space<hbm>> -> memref<8x128xi32, #tpu.memory_space<hbm>>
      %dma_wait3A_66 = arith.constant 0 : i32
      %dma_wait3A_67 = tpu.memref_slice %arg3[%multiple_of3A_21, %dma_wait3A_66] : memref<128x128xi32, #tpu.memory_space<hbm>> -> memref<8x128xi32, #tpu.memory_space<hbm>>
      tpu.wait_dma2 semaphore(%run_scoped3A : memref<!tpu.dma_semaphore, #tpu.memory_space<semaphore_mem>>) src(%dma_wait3A_67 : memref<8x128xi32, #tpu.memory_space<hbm>>) dst(%arg6 : memref<8x128xi32, #tpu.memory_space<vmem>>)
      tpu.yield
    }) : () -> ()
    %iota3A = tpu.iota {dimensions = array<i32: 0>} : vector<16xi32>
    %scan3A = arith.constant 0 : i32
    %scan3A_38 = arith.constant 0 : i32
    %scan3A_39 = arith.constant 32 : i32
    %scan3A_40 = arith.addi %scan3A_38, %scan3A_39 : i32
    %scan3A_41 = arith.constant 1 : i32
    scf.for %scan3A_62 = %scan3A_38 to %scan3A_40 step %scan3A_41  : i32 {
      %mul3A_63 = arith.constant 32 : i32
      %mul3A_64 = vector.broadcast %mul3A_63 : i32 to vector<16xi32>
      %mul3A_65 = arith.muli %mul3A_64, %iota3A : vector<16xi32>
      %add3A_66 = vector.broadcast %scan3A_62 : i32 to vector<16xi32>
      %add3A_67 = arith.addi %add3A_66, %mul3A_65 : vector<16xi32>
      %jit3A_68 = arith.constant 128 : i32
      %div3A_69 = vector.broadcast %jit3A_68 : i32 to vector<16xi32>
      %div3A_70 = arith.divsi %add3A_67, %div3A_69 : vector<16xi32>
      %sign3A_71 = arith.constant 0 : i32
      %sign3A_72 = vector.broadcast %sign3A_71 : i32 to vector<16xi32>
      %sign3A_73 = arith.cmpi sgt, %add3A_67, %sign3A_72 : vector<16xi32>
      %sign3A_74 = arith.extui %sign3A_73 : vector<16xi1> to vector<16xi32>
      %sign3A_75 = arith.constant 0 : i32
      %sign3A_76 = vector.broadcast %sign3A_75 : i32 to vector<16xi32>
      %sign3A_77 = arith.cmpi slt, %add3A_67, %sign3A_76 : vector<16xi32>
      %sign3A_78 = arith.extui %sign3A_77 : vector<16xi1> to vector<16xi32>
      %sign3A_79 = arith.subi %sign3A_74, %sign3A_78 : vector<16xi32>
      %sign3A_80 = arith.constant 0 : i32
      %sign3A_81 = arith.cmpi sgt, %jit3A_68, %sign3A_80 : i32
      %sign3A_82 = arith.extui %sign3A_81 : i1 to i32
      %sign3A_83 = arith.constant 0 : i32
      %sign3A_84 = arith.cmpi slt, %jit3A_68, %sign3A_83 : i32
      %sign3A_85 = arith.extui %sign3A_84 : i1 to i32
      %sign3A_86 = arith.subi %sign3A_82, %sign3A_85 : i32
      %ne3A_87 = vector.broadcast %sign3A_86 : i32 to vector<16xi32>
      %ne3A_88 = arith.cmpi ne, %sign3A_79, %ne3A_87 : vector<16xi32>
      %rem3A_89 = vector.broadcast %jit3A_68 : i32 to vector<16xi32>
      %rem3A_90 = arith.remsi %add3A_67, %rem3A_89 : vector<16xi32>
      %ne3A_91 = arith.constant 0 : i32
      %ne3A_92 = vector.broadcast %ne3A_91 : i32 to vector<16xi32>
      %ne3A_93 = arith.cmpi ne, %rem3A_90, %ne3A_92 : vector<16xi32>
      %and3A_94 = arith.andi %ne3A_88, %ne3A_93 : vector<16xi1>
      %sub3A_95 = arith.constant 1 : i32
      %sub3A_96 = vector.broadcast %sub3A_95 : i32 to vector<16xi32>
      %sub3A_97 = arith.subi %div3A_70, %sub3A_96 : vector<16xi32>
      %select_n3A_98 = arith.select %and3A_94, %sub3A_97, %div3A_70 : vector<16xi1>, vector<16xi32>
      %add3A_99 = vector.broadcast %mul3A_37 : i32 to vector<16xi32>
      %add3A_100 = arith.addi %add3A_99, %select_n3A_98 : vector<16xi32>
      %jit3A_101 = arith.constant 128 : i32
      %eq3A_102 = arith.constant 0 : i32
      %eq3A_103 = arith.cmpi eq, %jit3A_101, %eq3A_102 : i32
      %jit3A_104 = arith.constant 1 : i32
      %select_n3A_105 = arith.select %eq3A_103, %jit3A_104, %jit3A_101 : i32
      %rem3A_106 = vector.broadcast %select_n3A_105 : i32 to vector<16xi32>
      %rem3A_107 = arith.remsi %add3A_67, %rem3A_106 : vector<16xi32>
      %ne3A_108 = arith.constant 0 : i32
      %ne3A_109 = vector.broadcast %ne3A_108 : i32 to vector<16xi32>
      %ne3A_110 = arith.cmpi ne, %rem3A_107, %ne3A_109 : vector<16xi32>
      %lt3A_111 = arith.constant 0 : i32
      %lt3A_112 = vector.broadcast %lt3A_111 : i32 to vector<16xi32>
      %lt3A_113 = arith.cmpi slt, %rem3A_107, %lt3A_112 : vector<16xi32>
      %lt3A_114 = arith.constant 0 : i32
      %lt3A_115 = arith.cmpi slt, %select_n3A_105, %lt3A_114 : i32
      %ne3A_116 = vector.broadcast %lt3A_115 : i1 to vector<16xi1>
      %ne3A_117 = vector.broadcast %ne3A_116 : vector<16xi1> to vector<16xi1>
      %ne3A_118 = arith.xori %lt3A_113, %ne3A_117 : vector<16xi1>
      %and3A_119 = arith.andi %ne3A_118, %ne3A_110 : vector<16xi1>
      %add3A_120 = vector.broadcast %select_n3A_105 : i32 to vector<16xi32>
      %add3A_121 = arith.addi %rem3A_107, %add3A_120 : vector<16xi32>
      %select_n3A_122 = arith.select %and3A_119, %add3A_121, %rem3A_107 : vector<16xi1>, vector<16xi32>
      %gather3A = tpu.vector_load_idx %arg6[%add3A_100, %select_n3A_122] : memref<8x128xi32, #tpu.memory_space<vmem>>[vector<16xi32>, vector<16xi32>], vector<16xi32>,
      %eq3A_123 = arith.constant 0 : i32
      %eq3A_124 = vector.broadcast %eq3A_123 : i32 to vector<16xi32>
      %eq3A_125 = arith.cmpi eq, %iota3A, %eq3A_124 : vector<16xi32>
      %jit3A_126 = arith.constant 0 : i32
      %broadcast_in_dim3A_127 = vector.broadcast %jit3A_126 : i32 to vector<16xi32>
      %select_n3A_128 = arith.select %eq3A_125, %gather3A, %broadcast_in_dim3A_127 : vector<16xi1>, vector<16xi32>
      %reduce_sum3A = arith.constant true
      %reduce_sum3A_129 = vector.broadcast %reduce_sum3A : i1 to vector<16xi1>
      %reduce_sum3A_130 = tpu.scan <sum>, %select_n3A_128 masked %reduce_sum3A_129 : vector<16xi32>, vector<16xi1> -> vector<16xi32>
      %reduce_sum3A_131 = vector.extract %reduce_sum3A_130[15] : i32 from vector<16xi32>
      %add3A_132 = arith.constant 0 : i32
      %add3A_133 = arith.addi %add3A_132, %scan3A_62 : i32
      %dma_start3A = arith.constant 0 : i32
      %dma_start3A_134 = tpu.memref_slice %arg8[%add3A_133, %dma_start3A] : memref<512x64xf32, #tpu.memory_space<vmem>> -> memref<1x64xf32, #tpu.memory_space<vmem>>
      %dma_start3A_135 = arith.constant 0 : i32
      %dma_start3A_136 = tpu.memref_slice %arg4[%reduce_sum3A_131, %dma_start3A_135] : memref<1000000x64xf32, #tpu.memory_space<hbm>> -> memref<1x64xf32, #tpu.memory_space<hbm>>
      %dma_start3A_137 = arith.constant 0 : i32
      %dma_start3A_138 = tpu.memref_slice %arg8[%add3A_133, %dma_start3A_137] : memref<512x64xf32, #tpu.memory_space<vmem>> -> memref<1x64xf32, #tpu.memory_space<vmem>>
      %dma_start3A_139 = arith.constant 0 : i32
      %dma_start3A_140 = tpu.memref_slice %arg4[%reduce_sum3A_131, %dma_start3A_139] : memref<1000000x64xf32, #tpu.memory_space<hbm>> -> memref<1x64xf32, #tpu.memory_space<hbm>>
      tpu.enqueue_dma source(%dma_start3A_140 : memref<1x64xf32, #tpu.memory_space<hbm>>) target(%dma_start3A_138 : memref<1x64xf32, #tpu.memory_space<vmem>>) target_semaphore(%arg12 : memref<!tpu.dma_semaphore, #tpu.memory_space<semaphore_mem>>)
      %eq3A_141 = arith.constant 1 : i32
      %eq3A_142 = vector.broadcast %eq3A_141 : i32 to vector<16xi32>
      %eq3A_143 = arith.cmpi eq, %iota3A, %eq3A_142 : vector<16xi32>
      %jit3A_144 = arith.constant 0 : i32
      %broadcast_in_dim3A_145 = vector.broadcast %jit3A_144 : i32 to vector<16xi32>
      %select_n3A_146 = arith.select %eq3A_143, %gather3A, %broadcast_in_dim3A_145 : vector<16xi1>, vector<16xi32>
      %reduce_sum3A_147 = arith.constant true
      %reduce_sum3A_148 = vector.broadcast %reduce_sum3A_147 : i1 to vector<16xi1>
      %reduce_sum3A_149 = tpu.scan <sum>, %select_n3A_146 masked %reduce_sum3A_148 : vector<16xi32>, vector<16xi1> -> vector<16xi32>
      %reduce_sum3A_150 = vector.extract %reduce_sum3A_149[15] : i32 from vector<16xi32>
      %add3A_151 = arith.constant 32 : i32
      %add3A_152 = arith.addi %add3A_151, %scan3A_62 : i32
      %dma_start3A_153 = arith.constant 0 : i32
      %dma_start3A_154 = tpu.memref_slice %arg8[%add3A_152, %dma_start3A_153] : memref<512x64xf32, #tpu.memory_space<vmem>> -> memref<1x64xf32, #tpu.memory_space<vmem>>
      %dma_start3A_155 = arith.constant 0 : i32
      %dma_start3A_156 = tpu.memref_slice %arg4[%reduce_sum3A_150, %dma_start3A_155] : memref<1000000x64xf32, #tpu.memory_space<hbm>> -> memref<1x64xf32, #tpu.memory_space<hbm>>
      %dma_start3A_157 = arith.constant 0 : i32
      %dma_start3A_158 = tpu.memref_slice %arg8[%add3A_152, %dma_start3A_157] : memref<512x64xf32, #tpu.memory_space<vmem>> -> memref<1x64xf32, #tpu.memory_space<vmem>>
      %dma_start3A_159 = arith.constant 0 : i32
      %dma_start3A_160 = tpu.memref_slice %arg4[%reduce_sum3A_150, %dma_start3A_159] : memref<1000000x64xf32, #tpu.memory_space<hbm>> -> memref<1x64xf32, #tpu.memory_space<hbm>>
      tpu.enqueue_dma source(%dma_start3A_160 : memref<1x64xf32, #tpu.memory_space<hbm>>) target(%dma_start3A_158 : memref<1x64xf32, #tpu.memory_space<vmem>>) target_semaphore(%arg12 : memref<!tpu.dma_semaphore, #tpu.memory_space<semaphore_mem>>)
      %eq3A_161 = arith.constant 2 : i32
      %eq3A_162 = vector.broadcast %eq3A_161 : i32 to vector<16xi32>
      %eq3A_163 = arith.cmpi eq, %iota3A, %eq3A_162 : vector<16xi32>
      %jit3A_164 = arith.constant 0 : i32
      %broadcast_in_dim3A_165 = vector.broadcast %jit3A_164 : i32 to vector<16xi32>
      %select_n3A_166 = arith.select %eq3A_163, %gather3A, %broadcast_in_dim3A_165 : vector<16xi1>, vector<16xi32>
      %reduce_sum3A_167 = arith.constant true
      %reduce_sum3A_168 = vector.broadcast %reduce_sum3A_167 : i1 to vector<16xi1>
      %reduce_sum3A_169 = tpu.scan <sum>, %select_n3A_166 masked %reduce_sum3A_168 : vector<16xi32>, vector<16xi1> -> vector<16xi32>
      %reduce_sum3A_170 = vector.extract %reduce_sum3A_169[15] : i32 from vector<16xi32>
      %add3A_171 = arith.constant 64 : i32
      %add3A_172 = arith.addi %add3A_171, %scan3A_62 : i32
      %dma_start3A_173 = arith.constant 0 : i32
      %dma_start3A_174 = tpu.memref_slice %arg8[%add3A_172, %dma_start3A_173] : memref<512x64xf32, #tpu.memory_space<vmem>> -> memref<1x64xf32, #tpu.memory_space<vmem>>
      %dma_start3A_175 = arith.constant 0 : i32
      %dma_start3A_176 = tpu.memref_slice %arg4[%reduce_sum3A_170, %dma_start3A_175] : memref<1000000x64xf32, #tpu.memory_space<hbm>> -> memref<1x64xf32, #tpu.memory_space<hbm>>
      %dma_start3A_177 = arith.constant 0 : i32
      %dma_start3A_178 = tpu.memref_slice %arg8[%add3A_172, %dma_start3A_177] : memref<512x64xf32, #tpu.memory_space<vmem>> -> memref<1x64xf32, #tpu.memory_space<vmem>>
      %dma_start3A_179 = arith.constant 0 : i32
      %dma_start3A_180 = tpu.memref_slice %arg4[%reduce_sum3A_170, %dma_start3A_179] : memref<1000000x64xf32, #tpu.memory_space<hbm>> -> memref<1x64xf32, #tpu.memory_space<hbm>>
      tpu.enqueue_dma source(%dma_start3A_180 : memref<1x64xf32, #tpu.memory_space<hbm>>) target(%dma_start3A_178 : memref<1x64xf32, #tpu.memory_space<vmem>>) target_semaphore(%arg12 : memref<!tpu.dma_semaphore, #tpu.memory_space<semaphore_mem>>)
      %eq3A_181 = arith.constant 3 : i32
      %eq3A_182 = vector.broadcast %eq3A_181 : i32 to vector<16xi32>
      %eq3A_183 = arith.cmpi eq, %iota3A, %eq3A_182 : vector<16xi32>
      %jit3A_184 = arith.constant 0 : i32
      %broadcast_in_dim3A_185 = vector.broadcast %jit3A_184 : i32 to vector<16xi32>
      %select_n3A_186 = arith.select %eq3A_183, %gather3A, %broadcast_in_dim3A_185 : vector<16xi1>, vector<16xi32>
      %reduce_sum3A_187 = arith.constant true
      %reduce_sum3A_188 = vector.broadcast %reduce_sum3A_187 : i1 to vector<16xi1>
      %reduce_sum3A_189 = tpu.scan <sum>, %select_n3A_186 masked %reduce_sum3A_188 : vector<16xi32>, vector<16xi1> -> vector<16xi32>
      %reduce_sum3A_190 = vector.extract %reduce_sum3A_189[15] : i32 from vector<16xi32>
      %add3A_191 = arith.constant 96 : i32
      %add3A_192 = arith.addi %add3A_191, %scan3A_62 : i32
      %dma_start3A_193 = arith.constant 0 : i32
      %dma_start3A_194 = tpu.memref_slice %arg8[%add3A_192, %dma_start3A_193] : memref<512x64xf32, #tpu.memory_space<vmem>> -> memref<1x64xf32, #tpu.memory_space<vmem>>
      %dma_start3A_195 = arith.constant 0 : i32
      %dma_start3A_196 = tpu.memref_slice %arg4[%reduce_sum3A_190, %dma_start3A_195] : memref<1000000x64xf32, #tpu.memory_space<hbm>> -> memref<1x64xf32, #tpu.memory_space<hbm>>
      %dma_start3A_197 = arith.constant 0 : i32
      %dma_start3A_198 = tpu.memref_slice %arg8[%add3A_192, %dma_start3A_197] : memref<512x64xf32, #tpu.memory_space<vmem>> -> memref<1x64xf32, #tpu.memory_space<vmem>>
      %dma_start3A_199 = arith.constant 0 : i32
      %dma_start3A_200 = tpu.memref_slice %arg4[%reduce_sum3A_190, %dma_start3A_199] : memref<1000000x64xf32, #tpu.memory_space<hbm>> -> memref<1x64xf32, #tpu.memory_space<hbm>>
      tpu.enqueue_dma source(%dma_start3A_200 : memref<1x64xf32, #tpu.memory_space<hbm>>) target(%dma_start3A_198 : memref<1x64xf32, #tpu.memory_space<vmem>>) target_semaphore(%arg12 : memref<!tpu.dma_semaphore, #tpu.memory_space<semaphore_mem>>)
      %eq3A_201 = arith.constant 4 : i32
      %eq3A_202 = vector.broadcast %eq3A_201 : i32 to vector<16xi32>
      %eq3A_203 = arith.cmpi eq, %iota3A, %eq3A_202 : vector<16xi32>
      %jit3A_204 = arith.constant 0 : i32
      %broadcast_in_dim3A_205 = vector.broadcast %jit3A_204 : i32 to vector<16xi32>
      %select_n3A_206 = arith.select %eq3A_203, %gather3A, %broadcast_in_dim3A_205 : vector<16xi1>, vector<16xi32>
      %reduce_sum3A_207 = arith.constant true
      %reduce_sum3A_208 = vector.broadcast %reduce_sum3A_207 : i1 to vector<16xi1>
      %reduce_sum3A_209 = tpu.scan <sum>, %select_n3A_206 masked %reduce_sum3A_208 : vector<16xi32>, vector<16xi1> -> vector<16xi32>
      %reduce_sum3A_210 = vector.extract %reduce_sum3A_209[15] : i32 from vector<16xi32>
      %add3A_211 = arith.constant 128 : i32
      %add3A_212 = arith.addi %add3A_211, %scan3A_62 : i32
      %dma_start3A_213 = arith.constant 0 : i32
      %dma_start3A_214 = tpu.memref_slice %arg8[%add3A_212, %dma_start3A_213] : memref<512x64xf32, #tpu.memory_space<vmem>> -> memref<1x64xf32, #tpu.memory_space<vmem>>
      %dma_start3A_215 = arith.constant 0 : i32
      %dma_start3A_216 = tpu.memref_slice %arg4[%reduce_sum3A_210, %dma_start3A_215] : memref<1000000x64xf32, #tpu.memory_space<hbm>> -> memref<1x64xf32, #tpu.memory_space<hbm>>
      %dma_start3A_217 = arith.constant 0 : i32
      %dma_start3A_218 = tpu.memref_slice %arg8[%add3A_212, %dma_start3A_217] : memref<512x64xf32, #tpu.memory_space<vmem>> -> memref<1x64xf32, #tpu.memory_space<vmem>>
      %dma_start3A_219 = arith.constant 0 : i32
      %dma_start3A_220 = tpu.memref_slice %arg4[%reduce_sum3A_210, %dma_start3A_219] : memref<1000000x64xf32, #tpu.memory_space<hbm>> -> memref<1x64xf32, #tpu.memory_space<hbm>>
      tpu.enqueue_dma source(%dma_start3A_220 : memref<1x64xf32, #tpu.memory_space<hbm>>) target(%dma_start3A_218 : memref<1x64xf32, #tpu.memory_space<vmem>>) target_semaphore(%arg12 : memref<!tpu.dma_semaphore, #tpu.memory_space<semaphore_mem>>)
      %eq3A_221 = arith.constant 5 : i32
      %eq3A_222 = vector.broadcast %eq3A_221 : i32 to vector<16xi32>
      %eq3A_223 = arith.cmpi eq, %iota3A, %eq3A_222 : vector<16xi32>
      %jit3A_224 = arith.constant 0 : i32
      %broadcast_in_dim3A_225 = vector.broadcast %jit3A_224 : i32 to vector<16xi32>
      %select_n3A_226 = arith.select %eq3A_223, %gather3A, %broadcast_in_dim3A_225 : vector<16xi1>, vector<16xi32>
      %reduce_sum3A_227 = arith.constant true
      %reduce_sum3A_228 = vector.broadcast %reduce_sum3A_227 : i1 to vector<16xi1>
      %reduce_sum3A_229 = tpu.scan <sum>, %select_n3A_226 masked %reduce_sum3A_228 : vector<16xi32>, vector<16xi1> -> vector<16xi32>
      %reduce_sum3A_230 = vector.extract %reduce_sum3A_229[15] : i32 from vector<16xi32>
      %add3A_231 = arith.constant 160 : i32
      %add3A_232 = arith.addi %add3A_231, %scan3A_62 : i32
      %dma_start3A_233 = arith.constant 0 : i32
      %dma_start3A_234 = tpu.memref_slice %arg8[%add3A_232, %dma_start3A_233] : memref<512x64xf32, #tpu.memory_space<vmem>> -> memref<1x64xf32, #tpu.memory_space<vmem>>
      %dma_start3A_235 = arith.constant 0 : i32
      %dma_start3A_236 = tpu.memref_slice %arg4[%reduce_sum3A_230, %dma_start3A_235] : memref<1000000x64xf32, #tpu.memory_space<hbm>> -> memref<1x64xf32, #tpu.memory_space<hbm>>
      %dma_start3A_237 = arith.constant 0 : i32
      %dma_start3A_238 = tpu.memref_slice %arg8[%add3A_232, %dma_start3A_237] : memref<512x64xf32, #tpu.memory_space<vmem>> -> memref<1x64xf32, #tpu.memory_space<vmem>>
      %dma_start3A_239 = arith.constant 0 : i32
      %dma_start3A_240 = tpu.memref_slice %arg4[%reduce_sum3A_230, %dma_start3A_239] : memref<1000000x64xf32, #tpu.memory_space<hbm>> -> memref<1x64xf32, #tpu.memory_space<hbm>>
      tpu.enqueue_dma source(%dma_start3A_240 : memref<1x64xf32, #tpu.memory_space<hbm>>) target(%dma_start3A_238 : memref<1x64xf32, #tpu.memory_space<vmem>>) target_semaphore(%arg12 : memref<!tpu.dma_semaphore, #tpu.memory_space<semaphore_mem>>)
      %eq3A_241 = arith.constant 6 : i32
      %eq3A_242 = vector.broadcast %eq3A_241 : i32 to vector<16xi32>
      %eq3A_243 = arith.cmpi eq, %iota3A, %eq3A_242 : vector<16xi32>
      %jit3A_244 = arith.constant 0 : i32
      %broadcast_in_dim3A_245 = vector.broadcast %jit3A_244 : i32 to vector<16xi32>
      %select_n3A_246 = arith.select %eq3A_243, %gather3A, %broadcast_in_dim3A_245 : vector<16xi1>, vector<16xi32>
      %reduce_sum3A_247 = arith.constant true
      %reduce_sum3A_248 = vector.broadcast %reduce_sum3A_247 : i1 to vector<16xi1>
      %reduce_sum3A_249 = tpu.scan <sum>, %select_n3A_246 masked %reduce_sum3A_248 : vector<16xi32>, vector<16xi1> -> vector<16xi32>
      %reduce_sum3A_250 = vector.extract %reduce_sum3A_249[15] : i32 from vector<16xi32>
      %add3A_251 = arith.constant 192 : i32
      %add3A_252 = arith.addi %add3A_251, %scan3A_62 : i32
      %dma_start3A_253 = arith.constant 0 : i32
      %dma_start3A_254 = tpu.memref_slice %arg8[%add3A_252, %dma_start3A_253] : memref<512x64xf32, #tpu.memory_space<vmem>> -> memref<1x64xf32, #tpu.memory_space<vmem>>
      %dma_start3A_255 = arith.constant 0 : i32
      %dma_start3A_256 = tpu.memref_slice %arg4[%reduce_sum3A_250, %dma_start3A_255] : memref<1000000x64xf32, #tpu.memory_space<hbm>> -> memref<1x64xf32, #tpu.memory_space<hbm>>
      %dma_start3A_257 = arith.constant 0 : i32
      %dma_start3A_258 = tpu.memref_slice %arg8[%add3A_252, %dma_start3A_257] : memref<512x64xf32, #tpu.memory_space<vmem>> -> memref<1x64xf32, #tpu.memory_space<vmem>>
      %dma_start3A_259 = arith.constant 0 : i32
      %dma_start3A_260 = tpu.memref_slice %arg4[%reduce_sum3A_250, %dma_start3A_259] : memref<1000000x64xf32, #tpu.memory_space<hbm>> -> memref<1x64xf32, #tpu.memory_space<hbm>>
      tpu.enqueue_dma source(%dma_start3A_260 : memref<1x64xf32, #tpu.memory_space<hbm>>) target(%dma_start3A_258 : memref<1x64xf32, #tpu.memory_space<vmem>>) target_semaphore(%arg12 : memref<!tpu.dma_semaphore, #tpu.memory_space<semaphore_mem>>)
      %eq3A_261 = arith.constant 7 : i32
      %eq3A_262 = vector.broadcast %eq3A_261 : i32 to vector<16xi32>
      %eq3A_263 = arith.cmpi eq, %iota3A, %eq3A_262 : vector<16xi32>
      %jit3A_264 = arith.constant 0 : i32
      %broadcast_in_dim3A_265 = vector.broadcast %jit3A_264 : i32 to vector<16xi32>
      %select_n3A_266 = arith.select %eq3A_263, %gather3A, %broadcast_in_dim3A_265 : vector<16xi1>, vector<16xi32>
      %reduce_sum3A_267 = arith.constant true
      %reduce_sum3A_268 = vector.broadcast %reduce_sum3A_267 : i1 to vector<16xi1>
      %reduce_sum3A_269 = tpu.scan <sum>, %select_n3A_266 masked %reduce_sum3A_268 : vector<16xi32>, vector<16xi1> -> vector<16xi32>
      %reduce_sum3A_270 = vector.extract %reduce_sum3A_269[15] : i32 from vector<16xi32>
      %add3A_271 = arith.constant 224 : i32
      %add3A_272 = arith.addi %add3A_271, %scan3A_62 : i32
      %dma_start3A_273 = arith.constant 0 : i32
      %dma_start3A_274 = tpu.memref_slice %arg8[%add3A_272, %dma_start3A_273] : memref<512x64xf32, #tpu.memory_space<vmem>> -> memref<1x64xf32, #tpu.memory_space<vmem>>
      %dma_start3A_275 = arith.constant 0 : i32
      %dma_start3A_276 = tpu.memref_slice %arg4[%reduce_sum3A_270, %dma_start3A_275] : memref<1000000x64xf32, #tpu.memory_space<hbm>> -> memref<1x64xf32, #tpu.memory_space<hbm>>
      %dma_start3A_277 = arith.constant 0 : i32
      %dma_start3A_278 = tpu.memref_slice %arg8[%add3A_272, %dma_start3A_277] : memref<512x64xf32, #tpu.memory_space<vmem>> -> memref<1x64xf32, #tpu.memory_space<vmem>>
      %dma_start3A_279 = arith.constant 0 : i32
      %dma_start3A_280 = tpu.memref_slice %arg4[%reduce_sum3A_270, %dma_start3A_279] : memref<1000000x64xf32, #tpu.memory_space<hbm>> -> memref<1x64xf32, #tpu.memory_space<hbm>>
      tpu.enqueue_dma source(%dma_start3A_280 : memref<1x64xf32, #tpu.memory_space<hbm>>) target(%dma_start3A_278 : memref<1x64xf32, #tpu.memory_space<vmem>>) target_semaphore(%arg12 : memref<!tpu.dma_semaphore, #tpu.memory_space<semaphore_mem>>)
      %eq3A_281 = arith.constant 8 : i32
      %eq3A_282 = vector.broadcast %eq3A_281 : i32 to vector<16xi32>
      %eq3A_283 = arith.cmpi eq, %iota3A, %eq3A_282 : vector<16xi32>
      %jit3A_284 = arith.constant 0 : i32
      %broadcast_in_dim3A_285 = vector.broadcast %jit3A_284 : i32 to vector<16xi32>
      %select_n3A_286 = arith.select %eq3A_283, %gather3A, %broadcast_in_dim3A_285 : vector<16xi1>, vector<16xi32>
      %reduce_sum3A_287 = arith.constant true
      %reduce_sum3A_288 = vector.broadcast %reduce_sum3A_287 : i1 to vector<16xi1>
      %reduce_sum3A_289 = tpu.scan <sum>, %select_n3A_286 masked %reduce_sum3A_288 : vector<16xi32>, vector<16xi1> -> vector<16xi32>
      %reduce_sum3A_290 = vector.extract %reduce_sum3A_289[15] : i32 from vector<16xi32>
      %add3A_291 = arith.constant 256 : i32
      %add3A_292 = arith.addi %add3A_291, %scan3A_62 : i32
      %dma_start3A_293 = arith.constant 0 : i32
      %dma_start3A_294 = tpu.memref_slice %arg8[%add3A_292, %dma_start3A_293] : memref<512x64xf32, #tpu.memory_space<vmem>> -> memref<1x64xf32, #tpu.memory_space<vmem>>
      %dma_start3A_295 = arith.constant 0 : i32
      %dma_start3A_296 = tpu.memref_slice %arg4[%reduce_sum3A_290, %dma_start3A_295] : memref<1000000x64xf32, #tpu.memory_space<hbm>> -> memref<1x64xf32, #tpu.memory_space<hbm>>
      %dma_start3A_297 = arith.constant 0 : i32
      %dma_start3A_298 = tpu.memref_slice %arg8[%add3A_292, %dma_start3A_297] : memref<512x64xf32, #tpu.memory_space<vmem>> -> memref<1x64xf32, #tpu.memory_space<vmem>>
      %dma_start3A_299 = arith.constant 0 : i32
      %dma_start3A_300 = tpu.memref_slice %arg4[%reduce_sum3A_290, %dma_start3A_299] : memref<1000000x64xf32, #tpu.memory_space<hbm>> -> memref<1x64xf32, #tpu.memory_space<hbm>>
      tpu.enqueue_dma source(%dma_start3A_300 : memref<1x64xf32, #tpu.memory_space<hbm>>) target(%dma_start3A_298 : memref<1x64xf32, #tpu.memory_space<vmem>>) target_semaphore(%arg12 : memref<!tpu.dma_semaphore, #tpu.memory_space<semaphore_mem>>)
      %eq3A_301 = arith.constant 9 : i32
      %eq3A_302 = vector.broadcast %eq3A_301 : i32 to vector<16xi32>
      %eq3A_303 = arith.cmpi eq, %iota3A, %eq3A_302 : vector<16xi32>
      %jit3A_304 = arith.constant 0 : i32
      %broadcast_in_dim3A_305 = vector.broadcast %jit3A_304 : i32 to vector<16xi32>
      %select_n3A_306 = arith.select %eq3A_303, %gather3A, %broadcast_in_dim3A_305 : vector<16xi1>, vector<16xi32>
      %reduce_sum3A_307 = arith.constant true
      %reduce_sum3A_308 = vector.broadcast %reduce_sum3A_307 : i1 to vector<16xi1>
      %reduce_sum3A_309 = tpu.scan <sum>, %select_n3A_306 masked %reduce_sum3A_308 : vector<16xi32>, vector<16xi1> -> vector<16xi32>
      %reduce_sum3A_310 = vector.extract %reduce_sum3A_309[15] : i32 from vector<16xi32>
      %add3A_311 = arith.constant 288 : i32
      %add3A_312 = arith.addi %add3A_311, %scan3A_62 : i32
      %dma_start3A_313 = arith.constant 0 : i32
      %dma_start3A_314 = tpu.memref_slice %arg8[%add3A_312, %dma_start3A_313] : memref<512x64xf32, #tpu.memory_space<vmem>> -> memref<1x64xf32, #tpu.memory_space<vmem>>
      %dma_start3A_315 = arith.constant 0 : i32
      %dma_start3A_316 = tpu.memref_slice %arg4[%reduce_sum3A_310, %dma_start3A_315] : memref<1000000x64xf32, #tpu.memory_space<hbm>> -> memref<1x64xf32, #tpu.memory_space<hbm>>
      %dma_start3A_317 = arith.constant 0 : i32
      %dma_start3A_318 = tpu.memref_slice %arg8[%add3A_312, %dma_start3A_317] : memref<512x64xf32, #tpu.memory_space<vmem>> -> memref<1x64xf32, #tpu.memory_space<vmem>>
      %dma_start3A_319 = arith.constant 0 : i32
      %dma_start3A_320 = tpu.memref_slice %arg4[%reduce_sum3A_310, %dma_start3A_319] : memref<1000000x64xf32, #tpu.memory_space<hbm>> -> memref<1x64xf32, #tpu.memory_space<hbm>>
      tpu.enqueue_dma source(%dma_start3A_320 : memref<1x64xf32, #tpu.memory_space<hbm>>) target(%dma_start3A_318 : memref<1x64xf32, #tpu.memory_space<vmem>>) target_semaphore(%arg12 : memref<!tpu.dma_semaphore, #tpu.memory_space<semaphore_mem>>)
      %eq3A_321 = arith.constant 10 : i32
      %eq3A_322 = vector.broadcast %eq3A_321 : i32 to vector<16xi32>
      %eq3A_323 = arith.cmpi eq, %iota3A, %eq3A_322 : vector<16xi32>
      %jit3A_324 = arith.constant 0 : i32
      %broadcast_in_dim3A_325 = vector.broadcast %jit3A_324 : i32 to vector<16xi32>
      %select_n3A_326 = arith.select %eq3A_323, %gather3A, %broadcast_in_dim3A_325 : vector<16xi1>, vector<16xi32>
      %reduce_sum3A_327 = arith.constant true
      %reduce_sum3A_328 = vector.broadcast %reduce_sum3A_327 : i1 to vector<16xi1>
      %reduce_sum3A_329 = tpu.scan <sum>, %select_n3A_326 masked %reduce_sum3A_328 : vector<16xi32>, vector<16xi1> -> vector<16xi32>
      %reduce_sum3A_330 = vector.extract %reduce_sum3A_329[15] : i32 from vector<16xi32>
      %add3A_331 = arith.constant 320 : i32
      %add3A_332 = arith.addi %add3A_331, %scan3A_62 : i32
      %dma_start3A_333 = arith.constant 0 : i32
      %dma_start3A_334 = tpu.memref_slice %arg8[%add3A_332, %dma_start3A_333] : memref<512x64xf32, #tpu.memory_space<vmem>> -> memref<1x64xf32, #tpu.memory_space<vmem>>
      %dma_start3A_335 = arith.constant 0 : i32
      %dma_start3A_336 = tpu.memref_slice %arg4[%reduce_sum3A_330, %dma_start3A_335] : memref<1000000x64xf32, #tpu.memory_space<hbm>> -> memref<1x64xf32, #tpu.memory_space<hbm>>
      %dma_start3A_337 = arith.constant 0 : i32
      %dma_start3A_338 = tpu.memref_slice %arg8[%add3A_332, %dma_start3A_337] : memref<512x64xf32, #tpu.memory_space<vmem>> -> memref<1x64xf32, #tpu.memory_space<vmem>>
      %dma_start3A_339 = arith.constant 0 : i32
      %dma_start3A_340 = tpu.memref_slice %arg4[%reduce_sum3A_330, %dma_start3A_339] : memref<1000000x64xf32, #tpu.memory_space<hbm>> -> memref<1x64xf32, #tpu.memory_space<hbm>>
      tpu.enqueue_dma source(%dma_start3A_340 : memref<1x64xf32, #tpu.memory_space<hbm>>) target(%dma_start3A_338 : memref<1x64xf32, #tpu.memory_space<vmem>>) target_semaphore(%arg12 : memref<!tpu.dma_semaphore, #tpu.memory_space<semaphore_mem>>)
      %eq3A_341 = arith.constant 11 : i32
      %eq3A_342 = vector.broadcast %eq3A_341 : i32 to vector<16xi32>
      %eq3A_343 = arith.cmpi eq, %iota3A, %eq3A_342 : vector<16xi32>
      %jit3A_344 = arith.constant 0 : i32
      %broadcast_in_dim3A_345 = vector.broadcast %jit3A_344 : i32 to vector<16xi32>
      %select_n3A_346 = arith.select %eq3A_343, %gather3A, %broadcast_in_dim3A_345 : vector<16xi1>, vector<16xi32>
      %reduce_sum3A_347 = arith.constant true
      %reduce_sum3A_348 = vector.broadcast %reduce_sum3A_347 : i1 to vector<16xi1>
      %reduce_sum3A_349 = tpu.scan <sum>, %select_n3A_346 masked %reduce_sum3A_348 : vector<16xi32>, vector<16xi1> -> vector<16xi32>
      %reduce_sum3A_350 = vector.extract %reduce_sum3A_349[15] : i32 from vector<16xi32>
      %add3A_351 = arith.constant 352 : i32
      %add3A_352 = arith.addi %add3A_351, %scan3A_62 : i32
      %dma_start3A_353 = arith.constant 0 : i32
      %dma_start3A_354 = tpu.memref_slice %arg8[%add3A_352, %dma_start3A_353] : memref<512x64xf32, #tpu.memory_space<vmem>> -> memref<1x64xf32, #tpu.memory_space<vmem>>
      %dma_start3A_355 = arith.constant 0 : i32
      %dma_start3A_356 = tpu.memref_slice %arg4[%reduce_sum3A_350, %dma_start3A_355] : memref<1000000x64xf32, #tpu.memory_space<hbm>> -> memref<1x64xf32, #tpu.memory_space<hbm>>
      %dma_start3A_357 = arith.constant 0 : i32
      %dma_start3A_358 = tpu.memref_slice %arg8[%add3A_352, %dma_start3A_357] : memref<512x64xf32, #tpu.memory_space<vmem>> -> memref<1x64xf32, #tpu.memory_space<vmem>>
      %dma_start3A_359 = arith.constant 0 : i32
      %dma_start3A_360 = tpu.memref_slice %arg4[%reduce_sum3A_350, %dma_start3A_359] : memref<1000000x64xf32, #tpu.memory_space<hbm>> -> memref<1x64xf32, #tpu.memory_space<hbm>>
      tpu.enqueue_dma source(%dma_start3A_360 : memref<1x64xf32, #tpu.memory_space<hbm>>) target(%dma_start3A_358 : memref<1x64xf32, #tpu.memory_space<vmem>>) target_semaphore(%arg12 : memref<!tpu.dma_semaphore, #tpu.memory_space<semaphore_mem>>)
      %eq3A_361 = arith.constant 12 : i32
      %eq3A_362 = vector.broadcast %eq3A_361 : i32 to vector<16xi32>
      %eq3A_363 = arith.cmpi eq, %iota3A, %eq3A_362 : vector<16xi32>
      %jit3A_364 = arith.constant 0 : i32
      %broadcast_in_dim3A_365 = vector.broadcast %jit3A_364 : i32 to vector<16xi32>
      %select_n3A_366 = arith.select %eq3A_363, %gather3A, %broadcast_in_dim3A_365 : vector<16xi1>, vector<16xi32>
      %reduce_sum3A_367 = arith.constant true
      %reduce_sum3A_368 = vector.broadcast %reduce_sum3A_367 : i1 to vector<16xi1>
      %reduce_sum3A_369 = tpu.scan <sum>, %select_n3A_366 masked %reduce_sum3A_368 : vector<16xi32>, vector<16xi1> -> vector<16xi32>
      %reduce_sum3A_370 = vector.extract %reduce_sum3A_369[15] : i32 from vector<16xi32>
      %add3A_371 = arith.constant 384 : i32
      %add3A_372 = arith.addi %add3A_371, %scan3A_62 : i32
      %dma_start3A_373 = arith.constant 0 : i32
      %dma_start3A_374 = tpu.memref_slice %arg8[%add3A_372, %dma_start3A_373] : memref<512x64xf32, #tpu.memory_space<vmem>> -> memref<1x64xf32, #tpu.memory_space<vmem>>
      %dma_start3A_375 = arith.constant 0 : i32
      %dma_start3A_376 = tpu.memref_slice %arg4[%reduce_sum3A_370, %dma_start3A_375] : memref<1000000x64xf32, #tpu.memory_space<hbm>> -> memref<1x64xf32, #tpu.memory_space<hbm>>
      %dma_start3A_377 = arith.constant 0 : i32
      %dma_start3A_378 = tpu.memref_slice %arg8[%add3A_372, %dma_start3A_377] : memref<512x64xf32, #tpu.memory_space<vmem>> -> memref<1x64xf32, #tpu.memory_space<vmem>>
      %dma_start3A_379 = arith.constant 0 : i32
      %dma_start3A_380 = tpu.memref_slice %arg4[%reduce_sum3A_370, %dma_start3A_379] : memref<1000000x64xf32, #tpu.memory_space<hbm>> -> memref<1x64xf32, #tpu.memory_space<hbm>>
      tpu.enqueue_dma source(%dma_start3A_380 : memref<1x64xf32, #tpu.memory_space<hbm>>) target(%dma_start3A_378 : memref<1x64xf32, #tpu.memory_space<vmem>>) target_semaphore(%arg12 : memref<!tpu.dma_semaphore, #tpu.memory_space<semaphore_mem>>)
      %eq3A_381 = arith.constant 13 : i32
      %eq3A_382 = vector.broadcast %eq3A_381 : i32 to vector<16xi32>
      %eq3A_383 = arith.cmpi eq, %iota3A, %eq3A_382 : vector<16xi32>
      %jit3A_384 = arith.constant 0 : i32
      %broadcast_in_dim3A_385 = vector.broadcast %jit3A_384 : i32 to vector<16xi32>
      %select_n3A_386 = arith.select %eq3A_383, %gather3A, %broadcast_in_dim3A_385 : vector<16xi1>, vector<16xi32>
      %reduce_sum3A_387 = arith.constant true
      %reduce_sum3A_388 = vector.broadcast %reduce_sum3A_387 : i1 to vector<16xi1>
      %reduce_sum3A_389 = tpu.scan <sum>, %select_n3A_386 masked %reduce_sum3A_388 : vector<16xi32>, vector<16xi1> -> vector<16xi32>
      %reduce_sum3A_390 = vector.extract %reduce_sum3A_389[15] : i32 from vector<16xi32>
      %add3A_391 = arith.constant 416 : i32
      %add3A_392 = arith.addi %add3A_391, %scan3A_62 : i32
      %dma_start3A_393 = arith.constant 0 : i32
      %dma_start3A_394 = tpu.memref_slice %arg8[%add3A_392, %dma_start3A_393] : memref<512x64xf32, #tpu.memory_space<vmem>> -> memref<1x64xf32, #tpu.memory_space<vmem>>
      %dma_start3A_395 = arith.constant 0 : i32
      %dma_start3A_396 = tpu.memref_slice %arg4[%reduce_sum3A_390, %dma_start3A_395] : memref<1000000x64xf32, #tpu.memory_space<hbm>> -> memref<1x64xf32, #tpu.memory_space<hbm>>
      %dma_start3A_397 = arith.constant 0 : i32
      %dma_start3A_398 = tpu.memref_slice %arg8[%add3A_392, %dma_start3A_397] : memref<512x64xf32, #tpu.memory_space<vmem>> -> memref<1x64xf32, #tpu.memory_space<vmem>>
      %dma_start3A_399 = arith.constant 0 : i32
      %dma_start3A_400 = tpu.memref_slice %arg4[%reduce_sum3A_390, %dma_start3A_399] : memref<1000000x64xf32, #tpu.memory_space<hbm>> -> memref<1x64xf32, #tpu.memory_space<hbm>>
      tpu.enqueue_dma source(%dma_start3A_400 : memref<1x64xf32, #tpu.memory_space<hbm>>) target(%dma_start3A_398 : memref<1x64xf32, #tpu.memory_space<vmem>>) target_semaphore(%arg12 : memref<!tpu.dma_semaphore, #tpu.memory_space<semaphore_mem>>)
      %eq3A_401 = arith.constant 14 : i32
      %eq3A_402 = vector.broadcast %eq3A_401 : i32 to vector<16xi32>
      %eq3A_403 = arith.cmpi eq, %iota3A, %eq3A_402 : vector<16xi32>
      %jit3A_404 = arith.constant 0 : i32
      %broadcast_in_dim3A_405 = vector.broadcast %jit3A_404 : i32 to vector<16xi32>
      %select_n3A_406 = arith.select %eq3A_403, %gather3A, %broadcast_in_dim3A_405 : vector<16xi1>, vector<16xi32>
      %reduce_sum3A_407 = arith.constant true
      %reduce_sum3A_408 = vector.broadcast %reduce_sum3A_407 : i1 to vector<16xi1>
      %reduce_sum3A_409 = tpu.scan <sum>, %select_n3A_406 masked %reduce_sum3A_408 : vector<16xi32>, vector<16xi1> -> vector<16xi32>
      %reduce_sum3A_410 = vector.extract %reduce_sum3A_409[15] : i32 from vector<16xi32>
      %add3A_411 = arith.constant 448 : i32
      %add3A_412 = arith.addi %add3A_411, %scan3A_62 : i32
      %dma_start3A_413 = arith.constant 0 : i32
      %dma_start3A_414 = tpu.memref_slice %arg8[%add3A_412, %dma_start3A_413] : memref<512x64xf32, #tpu.memory_space<vmem>> -> memref<1x64xf32, #tpu.memory_space<vmem>>
      %dma_start3A_415 = arith.constant 0 : i32
      %dma_start3A_416 = tpu.memref_slice %arg4[%reduce_sum3A_410, %dma_start3A_415] : memref<1000000x64xf32, #tpu.memory_space<hbm>> -> memref<1x64xf32, #tpu.memory_space<hbm>>
      %dma_start3A_417 = arith.constant 0 : i32
      %dma_start3A_418 = tpu.memref_slice %arg8[%add3A_412, %dma_start3A_417] : memref<512x64xf32, #tpu.memory_space<vmem>> -> memref<1x64xf32, #tpu.memory_space<vmem>>
      %dma_start3A_419 = arith.constant 0 : i32
      %dma_start3A_420 = tpu.memref_slice %arg4[%reduce_sum3A_410, %dma_start3A_419] : memref<1000000x64xf32, #tpu.memory_space<hbm>> -> memref<1x64xf32, #tpu.memory_space<hbm>>
      tpu.enqueue_dma source(%dma_start3A_420 : memref<1x64xf32, #tpu.memory_space<hbm>>) target(%dma_start3A_418 : memref<1x64xf32, #tpu.memory_space<vmem>>) target_semaphore(%arg12 : memref<!tpu.dma_semaphore, #tpu.memory_space<semaphore_mem>>)
      %eq3A_421 = arith.constant 15 : i32
      %eq3A_422 = vector.broadcast %eq3A_421 : i32 to vector<16xi32>
      %eq3A_423 = arith.cmpi eq, %iota3A, %eq3A_422 : vector<16xi32>
      %jit3A_424 = arith.constant 0 : i32
      %broadcast_in_dim3A_425 = vector.broadcast %jit3A_424 : i32 to vector<16xi32>
      %select_n3A_426 = arith.select %eq3A_423, %gather3A, %broadcast_in_dim3A_425 : vector<16xi1>, vector<16xi32>
      %reduce_sum3A_427 = arith.constant true
      %reduce_sum3A_428 = vector.broadcast %reduce_sum3A_427 : i1 to vector<16xi1>
      %reduce_sum3A_429 = tpu.scan <sum>, %select_n3A_426 masked %reduce_sum3A_428 : vector<16xi32>, vector<16xi1> -> vector<16xi32>
      %reduce_sum3A_430 = vector.extract %reduce_sum3A_429[15] : i32 from vector<16xi32>
      %add3A_431 = arith.constant 480 : i32
      %add3A_432 = arith.addi %add3A_431, %scan3A_62 : i32
      %dma_start3A_433 = arith.constant 0 : i32
      %dma_start3A_434 = tpu.memref_slice %arg8[%add3A_432, %dma_start3A_433] : memref<512x64xf32, #tpu.memory_space<vmem>> -> memref<1x64xf32, #tpu.memory_space<vmem>>
      %dma_start3A_435 = arith.constant 0 : i32
      %dma_start3A_436 = tpu.memref_slice %arg4[%reduce_sum3A_430, %dma_start3A_435] : memref<1000000x64xf32, #tpu.memory_space<hbm>> -> memref<1x64xf32, #tpu.memory_space<hbm>>
      %dma_start3A_437 = arith.constant 0 : i32
      %dma_start3A_438 = tpu.memref_slice %arg8[%add3A_432, %dma_start3A_437] : memref<512x64xf32, #tpu.memory_space<vmem>> -> memref<1x64xf32, #tpu.memory_space<vmem>>
      %dma_start3A_439 = arith.constant 0 : i32
      %dma_start3A_440 = tpu.memref_slice %arg4[%reduce_sum3A_430, %dma_start3A_439] : memref<1000000x64xf32, #tpu.memory_space<hbm>> -> memref<1x64xf32, #tpu.memory_space<hbm>>
      tpu.enqueue_dma source(%dma_start3A_440 : memref<1x64xf32, #tpu.memory_space<hbm>>) target(%dma_start3A_438 : memref<1x64xf32, #tpu.memory_space<vmem>>) target_semaphore(%arg12 : memref<!tpu.dma_semaphore, #tpu.memory_space<semaphore_mem>>)
      %dma_wait3A = arith.constant 0 : i32
      %dma_wait3A_441 = tpu.memref_slice %arg8[%add3A_133, %dma_wait3A] : memref<512x64xf32, #tpu.memory_space<vmem>> -> memref<1x64xf32, #tpu.memory_space<vmem>>
      %dma_wait3A_442 = arith.constant 0 : i32
      %dma_wait3A_443 = tpu.memref_slice %arg4[%reduce_sum3A_131, %dma_wait3A_442] : memref<1000000x64xf32, #tpu.memory_space<hbm>> -> memref<1x64xf32, #tpu.memory_space<hbm>>
      %dma_wait3A_444 = arith.constant 0 : i32
      %dma_wait3A_445 = tpu.memref_slice %arg8[%add3A_133, %dma_wait3A_444] : memref<512x64xf32, #tpu.memory_space<vmem>> -> memref<1x64xf32, #tpu.memory_space<vmem>>
      %dma_wait3A_446 = arith.constant 0 : i32
      %dma_wait3A_447 = tpu.memref_slice %arg4[%reduce_sum3A_131, %dma_wait3A_446] : memref<1000000x64xf32, #tpu.memory_space<hbm>> -> memref<1x64xf32, #tpu.memory_space<hbm>>
      tpu.wait_dma2 semaphore(%arg12 : memref<!tpu.dma_semaphore, #tpu.memory_space<semaphore_mem>>) src(%dma_wait3A_447 : memref<1x64xf32, #tpu.memory_space<hbm>>) dst(%dma_wait3A_445 : memref<1x64xf32, #tpu.memory_space<vmem>>)
      %dma_wait3A_448 = arith.constant 0 : i32
      %dma_wait3A_449 = tpu.memref_slice %arg8[%add3A_152, %dma_wait3A_448] : memref<512x64xf32, #tpu.memory_space<vmem>> -> memref<1x64xf32, #tpu.memory_space<vmem>>
      %dma_wait3A_450 = arith.constant 0 : i32
      %dma_wait3A_451 = tpu.memref_slice %arg4[%reduce_sum3A_150, %dma_wait3A_450] : memref<1000000x64xf32, #tpu.memory_space<hbm>> -> memref<1x64xf32, #tpu.memory_space<hbm>>
      %dma_wait3A_452 = arith.constant 0 : i32
      %dma_wait3A_453 = tpu.memref_slice %arg8[%add3A_152, %dma_wait3A_452] : memref<512x64xf32, #tpu.memory_space<vmem>> -> memref<1x64xf32, #tpu.memory_space<vmem>>
      %dma_wait3A_454 = arith.constant 0 : i32
      %dma_wait3A_455 = tpu.memref_slice %arg4[%reduce_sum3A_150, %dma_wait3A_454] : memref<1000000x64xf32, #tpu.memory_space<hbm>> -> memref<1x64xf32, #tpu.memory_space<hbm>>
      tpu.wait_dma2 semaphore(%arg12 : memref<!tpu.dma_semaphore, #tpu.memory_space<semaphore_mem>>) src(%dma_wait3A_455 : memref<1x64xf32, #tpu.memory_space<hbm>>) dst(%dma_wait3A_453 : memref<1x64xf32, #tpu.memory_space<vmem>>)
      %dma_wait3A_456 = arith.constant 0 : i32
      %dma_wait3A_457 = tpu.memref_slice %arg8[%add3A_172, %dma_wait3A_456] : memref<512x64xf32, #tpu.memory_space<vmem>> -> memref<1x64xf32, #tpu.memory_space<vmem>>
      %dma_wait3A_458 = arith.constant 0 : i32
      %dma_wait3A_459 = tpu.memref_slice %arg4[%reduce_sum3A_170, %dma_wait3A_458] : memref<1000000x64xf32, #tpu.memory_space<hbm>> -> memref<1x64xf32, #tpu.memory_space<hbm>>
      %dma_wait3A_460 = arith.constant 0 : i32
      %dma_wait3A_461 = tpu.memref_slice %arg8[%add3A_172, %dma_wait3A_460] : memref<512x64xf32, #tpu.memory_space<vmem>> -> memref<1x64xf32, #tpu.memory_space<vmem>>
      %dma_wait3A_462 = arith.constant 0 : i32
      %dma_wait3A_463 = tpu.memref_slice %arg4[%reduce_sum3A_170, %dma_wait3A_462] : memref<1000000x64xf32, #tpu.memory_space<hbm>> -> memref<1x64xf32, #tpu.memory_space<hbm>>
      tpu.wait_dma2 semaphore(%arg12 : memref<!tpu.dma_semaphore, #tpu.memory_space<semaphore_mem>>) src(%dma_wait3A_463 : memref<1x64xf32, #tpu.memory_space<hbm>>) dst(%dma_wait3A_461 : memref<1x64xf32, #tpu.memory_space<vmem>>)
      %dma_wait3A_464 = arith.constant 0 : i32
      %dma_wait3A_465 = tpu.memref_slice %arg8[%add3A_192, %dma_wait3A_464] : memref<512x64xf32, #tpu.memory_space<vmem>> -> memref<1x64xf32, #tpu.memory_space<vmem>>
      %dma_wait3A_466 = arith.constant 0 : i32
      %dma_wait3A_467 = tpu.memref_slice %arg4[%reduce_sum3A_190, %dma_wait3A_466] : memref<1000000x64xf32, #tpu.memory_space<hbm>> -> memref<1x64xf32, #tpu.memory_space<hbm>>
      %dma_wait3A_468 = arith.constant 0 : i32
      %dma_wait3A_469 = tpu.memref_slice %arg8[%add3A_192, %dma_wait3A_468] : memref<512x64xf32, #tpu.memory_space<vmem>> -> memref<1x64xf32, #tpu.memory_space<vmem>>
      %dma_wait3A_470 = arith.constant 0 : i32
      %dma_wait3A_471 = tpu.memref_slice %arg4[%reduce_sum3A_190, %dma_wait3A_470] : memref<1000000x64xf32, #tpu.memory_space<hbm>> -> memref<1x64xf32, #tpu.memory_space<hbm>>
      tpu.wait_dma2 semaphore(%arg12 : memref<!tpu.dma_semaphore, #tpu.memory_space<semaphore_mem>>) src(%dma_wait3A_471 : memref<1x64xf32, #tpu.memory_space<hbm>>) dst(%dma_wait3A_469 : memref<1x64xf32, #tpu.memory_space<vmem>>)
      %dma_wait3A_472 = arith.constant 0 : i32
      %dma_wait3A_473 = tpu.memref_slice %arg8[%add3A_212, %dma_wait3A_472] : memref<512x64xf32, #tpu.memory_space<vmem>> -> memref<1x64xf32, #tpu.memory_space<vmem>>
      %dma_wait3A_474 = arith.constant 0 : i32
      %dma_wait3A_475 = tpu.memref_slice %arg4[%reduce_sum3A_210, %dma_wait3A_474] : memref<1000000x64xf32, #tpu.memory_space<hbm>> -> memref<1x64xf32, #tpu.memory_space<hbm>>
      %dma_wait3A_476 = arith.constant 0 : i32
      %dma_wait3A_477 = tpu.memref_slice %arg8[%add3A_212, %dma_wait3A_476] : memref<512x64xf32, #tpu.memory_space<vmem>> -> memref<1x64xf32, #tpu.memory_space<vmem>>
      %dma_wait3A_478 = arith.constant 0 : i32
      %dma_wait3A_479 = tpu.memref_slice %arg4[%reduce_sum3A_210, %dma_wait3A_478] : memref<1000000x64xf32, #tpu.memory_space<hbm>> -> memref<1x64xf32, #tpu.memory_space<hbm>>
      tpu.wait_dma2 semaphore(%arg12 : memref<!tpu.dma_semaphore, #tpu.memory_space<semaphore_mem>>) src(%dma_wait3A_479 : memref<1x64xf32, #tpu.memory_space<hbm>>) dst(%dma_wait3A_477 : memref<1x64xf32, #tpu.memory_space<vmem>>)
      %dma_wait3A_480 = arith.constant 0 : i32
      %dma_wait3A_481 = tpu.memref_slice %arg8[%add3A_232, %dma_wait3A_480] : memref<512x64xf32, #tpu.memory_space<vmem>> -> memref<1x64xf32, #tpu.memory_space<vmem>>
      %dma_wait3A_482 = arith.constant 0 : i32
      %dma_wait3A_483 = tpu.memref_slice %arg4[%reduce_sum3A_230, %dma_wait3A_482] : memref<1000000x64xf32, #tpu.memory_space<hbm>> -> memref<1x64xf32, #tpu.memory_space<hbm>>
      %dma_wait3A_484 = arith.constant 0 : i32
      %dma_wait3A_485 = tpu.memref_slice %arg8[%add3A_232, %dma_wait3A_484] : memref<512x64xf32, #tpu.memory_space<vmem>> -> memref<1x64xf32, #tpu.memory_space<vmem>>
      %dma_wait3A_486 = arith.constant 0 : i32
      %dma_wait3A_487 = tpu.memref_slice %arg4[%reduce_sum3A_230, %dma_wait3A_486] : memref<1000000x64xf32, #tpu.memory_space<hbm>> -> memref<1x64xf32, #tpu.memory_space<hbm>>
      tpu.wait_dma2 semaphore(%arg12 : memref<!tpu.dma_semaphore, #tpu.memory_space<semaphore_mem>>) src(%dma_wait3A_487 : memref<1x64xf32, #tpu.memory_space<hbm>>) dst(%dma_wait3A_485 : memref<1x64xf32, #tpu.memory_space<vmem>>)
      %dma_wait3A_488 = arith.constant 0 : i32
      %dma_wait3A_489 = tpu.memref_slice %arg8[%add3A_252, %dma_wait3A_488] : memref<512x64xf32, #tpu.memory_space<vmem>> -> memref<1x64xf32, #tpu.memory_space<vmem>>
      %dma_wait3A_490 = arith.constant 0 : i32
      %dma_wait3A_491 = tpu.memref_slice %arg4[%reduce_sum3A_250, %dma_wait3A_490] : memref<1000000x64xf32, #tpu.memory_space<hbm>> -> memref<1x64xf32, #tpu.memory_space<hbm>>
      %dma_wait3A_492 = arith.constant 0 : i32
      %dma_wait3A_493 = tpu.memref_slice %arg8[%add3A_252, %dma_wait3A_492] : memref<512x64xf32, #tpu.memory_space<vmem>> -> memref<1x64xf32, #tpu.memory_space<vmem>>
      %dma_wait3A_494 = arith.constant 0 : i32
      %dma_wait3A_495 = tpu.memref_slice %arg4[%reduce_sum3A_250, %dma_wait3A_494] : memref<1000000x64xf32, #tpu.memory_space<hbm>> -> memref<1x64xf32, #tpu.memory_space<hbm>>
      tpu.wait_dma2 semaphore(%arg12 : memref<!tpu.dma_semaphore, #tpu.memory_space<semaphore_mem>>) src(%dma_wait3A_495 : memref<1x64xf32, #tpu.memory_space<hbm>>) dst(%dma_wait3A_493 : memref<1x64xf32, #tpu.memory_space<vmem>>)
      %dma_wait3A_496 = arith.constant 0 : i32
      %dma_wait3A_497 = tpu.memref_slice %arg8[%add3A_272, %dma_wait3A_496] : memref<512x64xf32, #tpu.memory_space<vmem>> -> memref<1x64xf32, #tpu.memory_space<vmem>>
      %dma_wait3A_498 = arith.constant 0 : i32
      %dma_wait3A_499 = tpu.memref_slice %arg4[%reduce_sum3A_270, %dma_wait3A_498] : memref<1000000x64xf32, #tpu.memory_space<hbm>> -> memref<1x64xf32, #tpu.memory_space<hbm>>
      %dma_wait3A_500 = arith.constant 0 : i32
      %dma_wait3A_501 = tpu.memref_slice %arg8[%add3A_272, %dma_wait3A_500] : memref<512x64xf32, #tpu.memory_space<vmem>> -> memref<1x64xf32, #tpu.memory_space<vmem>>
      %dma_wait3A_502 = arith.constant 0 : i32
      %dma_wait3A_503 = tpu.memref_slice %arg4[%reduce_sum3A_270, %dma_wait3A_502] : memref<1000000x64xf32, #tpu.memory_space<hbm>> -> memref<1x64xf32, #tpu.memory_space<hbm>>
      tpu.wait_dma2 semaphore(%arg12 : memref<!tpu.dma_semaphore, #tpu.memory_space<semaphore_mem>>) src(%dma_wait3A_503 : memref<1x64xf32, #tpu.memory_space<hbm>>) dst(%dma_wait3A_501 : memref<1x64xf32, #tpu.memory_space<vmem>>)
      %dma_wait3A_504 = arith.constant 0 : i32
      %dma_wait3A_505 = tpu.memref_slice %arg8[%add3A_292, %dma_wait3A_504] : memref<512x64xf32, #tpu.memory_space<vmem>> -> memref<1x64xf32, #tpu.memory_space<vmem>>
      %dma_wait3A_506 = arith.constant 0 : i32
      %dma_wait3A_507 = tpu.memref_slice %arg4[%reduce_sum3A_290, %dma_wait3A_506] : memref<1000000x64xf32, #tpu.memory_space<hbm>> -> memref<1x64xf32, #tpu.memory_space<hbm>>
      %dma_wait3A_508 = arith.constant 0 : i32
      %dma_wait3A_509 = tpu.memref_slice %arg8[%add3A_292, %dma_wait3A_508] : memref<512x64xf32, #tpu.memory_space<vmem>> -> memref<1x64xf32, #tpu.memory_space<vmem>>
      %dma_wait3A_510 = arith.constant 0 : i32
      %dma_wait3A_511 = tpu.memref_slice %arg4[%reduce_sum3A_290, %dma_wait3A_510] : memref<1000000x64xf32, #tpu.memory_space<hbm>> -> memref<1x64xf32, #tpu.memory_space<hbm>>
      tpu.wait_dma2 semaphore(%arg12 : memref<!tpu.dma_semaphore, #tpu.memory_space<semaphore_mem>>) src(%dma_wait3A_511 : memref<1x64xf32, #tpu.memory_space<hbm>>) dst(%dma_wait3A_509 : memref<1x64xf32, #tpu.memory_space<vmem>>)
      %dma_wait3A_512 = arith.constant 0 : i32
      %dma_wait3A_513 = tpu.memref_slice %arg8[%add3A_312, %dma_wait3A_512] : memref<512x64xf32, #tpu.memory_space<vmem>> -> memref<1x64xf32, #tpu.memory_space<vmem>>
      %dma_wait3A_514 = arith.constant 0 : i32
      %dma_wait3A_515 = tpu.memref_slice %arg4[%reduce_sum3A_310, %dma_wait3A_514] : memref<1000000x64xf32, #tpu.memory_space<hbm>> -> memref<1x64xf32, #tpu.memory_space<hbm>>
      %dma_wait3A_516 = arith.constant 0 : i32
      %dma_wait3A_517 = tpu.memref_slice %arg8[%add3A_312, %dma_wait3A_516] : memref<512x64xf32, #tpu.memory_space<vmem>> -> memref<1x64xf32, #tpu.memory_space<vmem>>
      %dma_wait3A_518 = arith.constant 0 : i32
      %dma_wait3A_519 = tpu.memref_slice %arg4[%reduce_sum3A_310, %dma_wait3A_518] : memref<1000000x64xf32, #tpu.memory_space<hbm>> -> memref<1x64xf32, #tpu.memory_space<hbm>>
      tpu.wait_dma2 semaphore(%arg12 : memref<!tpu.dma_semaphore, #tpu.memory_space<semaphore_mem>>) src(%dma_wait3A_519 : memref<1x64xf32, #tpu.memory_space<hbm>>) dst(%dma_wait3A_517 : memref<1x64xf32, #tpu.memory_space<vmem>>)
      %dma_wait3A_520 = arith.constant 0 : i32
      %dma_wait3A_521 = tpu.memref_slice %arg8[%add3A_332, %dma_wait3A_520] : memref<512x64xf32, #tpu.memory_space<vmem>> -> memref<1x64xf32, #tpu.memory_space<vmem>>
      %dma_wait3A_522 = arith.constant 0 : i32
      %dma_wait3A_523 = tpu.memref_slice %arg4[%reduce_sum3A_330, %dma_wait3A_522] : memref<1000000x64xf32, #tpu.memory_space<hbm>> -> memref<1x64xf32, #tpu.memory_space<hbm>>
      %dma_wait3A_524 = arith.constant 0 : i32
      %dma_wait3A_525 = tpu.memref_slice %arg8[%add3A_332, %dma_wait3A_524] : memref<512x64xf32, #tpu.memory_space<vmem>> -> memref<1x64xf32, #tpu.memory_space<vmem>>
      %dma_wait3A_526 = arith.constant 0 : i32
      %dma_wait3A_527 = tpu.memref_slice %arg4[%reduce_sum3A_330, %dma_wait3A_526] : memref<1000000x64xf32, #tpu.memory_space<hbm>> -> memref<1x64xf32, #tpu.memory_space<hbm>>
      tpu.wait_dma2 semaphore(%arg12 : memref<!tpu.dma_semaphore, #tpu.memory_space<semaphore_mem>>) src(%dma_wait3A_527 : memref<1x64xf32, #tpu.memory_space<hbm>>) dst(%dma_wait3A_525 : memref<1x64xf32, #tpu.memory_space<vmem>>)
      %dma_wait3A_528 = arith.constant 0 : i32
      %dma_wait3A_529 = tpu.memref_slice %arg8[%add3A_352, %dma_wait3A_528] : memref<512x64xf32, #tpu.memory_space<vmem>> -> memref<1x64xf32, #tpu.memory_space<vmem>>
      %dma_wait3A_530 = arith.constant 0 : i32
      %dma_wait3A_531 = tpu.memref_slice %arg4[%reduce_sum3A_350, %dma_wait3A_530] : memref<1000000x64xf32, #tpu.memory_space<hbm>> -> memref<1x64xf32, #tpu.memory_space<hbm>>
      %dma_wait3A_532 = arith.constant 0 : i32
      %dma_wait3A_533 = tpu.memref_slice %arg8[%add3A_352, %dma_wait3A_532] : memref<512x64xf32, #tpu.memory_space<vmem>> -> memref<1x64xf32, #tpu.memory_space<vmem>>
      %dma_wait3A_534 = arith.constant 0 : i32
      %dma_wait3A_535 = tpu.memref_slice %arg4[%reduce_sum3A_350, %dma_wait3A_534] : memref<1000000x64xf32, #tpu.memory_space<hbm>> -> memref<1x64xf32, #tpu.memory_space<hbm>>
      tpu.wait_dma2 semaphore(%arg12 : memref<!tpu.dma_semaphore, #tpu.memory_space<semaphore_mem>>) src(%dma_wait3A_535 : memref<1x64xf32, #tpu.memory_space<hbm>>) dst(%dma_wait3A_533 : memref<1x64xf32, #tpu.memory_space<vmem>>)
      %dma_wait3A_536 = arith.constant 0 : i32
      %dma_wait3A_537 = tpu.memref_slice %arg8[%add3A_372, %dma_wait3A_536] : memref<512x64xf32, #tpu.memory_space<vmem>> -> memref<1x64xf32, #tpu.memory_space<vmem>>
      %dma_wait3A_538 = arith.constant 0 : i32
      %dma_wait3A_539 = tpu.memref_slice %arg4[%reduce_sum3A_370, %dma_wait3A_538] : memref<1000000x64xf32, #tpu.memory_space<hbm>> -> memref<1x64xf32, #tpu.memory_space<hbm>>
      %dma_wait3A_540 = arith.constant 0 : i32
      %dma_wait3A_541 = tpu.memref_slice %arg8[%add3A_372, %dma_wait3A_540] : memref<512x64xf32, #tpu.memory_space<vmem>> -> memref<1x64xf32, #tpu.memory_space<vmem>>
      %dma_wait3A_542 = arith.constant 0 : i32
      %dma_wait3A_543 = tpu.memref_slice %arg4[%reduce_sum3A_370, %dma_wait3A_542] : memref<1000000x64xf32, #tpu.memory_space<hbm>> -> memref<1x64xf32, #tpu.memory_space<hbm>>
      tpu.wait_dma2 semaphore(%arg12 : memref<!tpu.dma_semaphore, #tpu.memory_space<semaphore_mem>>) src(%dma_wait3A_543 : memref<1x64xf32, #tpu.memory_space<hbm>>) dst(%dma_wait3A_541 : memref<1x64xf32, #tpu.memory_space<vmem>>)
      %dma_wait3A_544 = arith.constant 0 : i32
      %dma_wait3A_545 = tpu.memref_slice %arg8[%add3A_392, %dma_wait3A_544] : memref<512x64xf32, #tpu.memory_space<vmem>> -> memref<1x64xf32, #tpu.memory_space<vmem>>
      %dma_wait3A_546 = arith.constant 0 : i32
      %dma_wait3A_547 = tpu.memref_slice %arg4[%reduce_sum3A_390, %dma_wait3A_546] : memref<1000000x64xf32, #tpu.memory_space<hbm>> -> memref<1x64xf32, #tpu.memory_space<hbm>>
      %dma_wait3A_548 = arith.constant 0 : i32
      %dma_wait3A_549 = tpu.memref_slice %arg8[%add3A_392, %dma_wait3A_548] : memref<512x64xf32, #tpu.memory_space<vmem>> -> memref<1x64xf32, #tpu.memory_space<vmem>>
      %dma_wait3A_550 = arith.constant 0 : i32
      %dma_wait3A_551 = tpu.memref_slice %arg4[%reduce_sum3A_390, %dma_wait3A_550] : memref<1000000x64xf32, #tpu.memory_space<hbm>> -> memref<1x64xf32, #tpu.memory_space<hbm>>
      tpu.wait_dma2 semaphore(%arg12 : memref<!tpu.dma_semaphore, #tpu.memory_space<semaphore_mem>>) src(%dma_wait3A_551 : memref<1x64xf32, #tpu.memory_space<hbm>>) dst(%dma_wait3A_549 : memref<1x64xf32, #tpu.memory_space<vmem>>)
      %dma_wait3A_552 = arith.constant 0 : i32
      %dma_wait3A_553 = tpu.memref_slice %arg8[%add3A_412, %dma_wait3A_552] : memref<512x64xf32, #tpu.memory_space<vmem>> -> memref<1x64xf32, #tpu.memory_space<vmem>>
      %dma_wait3A_554 = arith.constant 0 : i32
      %dma_wait3A_555 = tpu.memref_slice %arg4[%reduce_sum3A_410, %dma_wait3A_554] : memref<1000000x64xf32, #tpu.memory_space<hbm>> -> memref<1x64xf32, #tpu.memory_space<hbm>>
      %dma_wait3A_556 = arith.constant 0 : i32
      %dma_wait3A_557 = tpu.memref_slice %arg8[%add3A_412, %dma_wait3A_556] : memref<512x64xf32, #tpu.memory_space<vmem>> -> memref<1x64xf32, #tpu.memory_space<vmem>>
      %dma_wait3A_558 = arith.constant 0 : i32
      %dma_wait3A_559 = tpu.memref_slice %arg4[%reduce_sum3A_410, %dma_wait3A_558] : memref<1000000x64xf32, #tpu.memory_space<hbm>> -> memref<1x64xf32, #tpu.memory_space<hbm>>
      tpu.wait_dma2 semaphore(%arg12 : memref<!tpu.dma_semaphore, #tpu.memory_space<semaphore_mem>>) src(%dma_wait3A_559 : memref<1x64xf32, #tpu.memory_space<hbm>>) dst(%dma_wait3A_557 : memref<1x64xf32, #tpu.memory_space<vmem>>)
      %dma_wait3A_560 = arith.constant 0 : i32
      %dma_wait3A_561 = tpu.memref_slice %arg8[%add3A_432, %dma_wait3A_560] : memref<512x64xf32, #tpu.memory_space<vmem>> -> memref<1x64xf32, #tpu.memory_space<vmem>>
      %dma_wait3A_562 = arith.constant 0 : i32
      %dma_wait3A_563 = tpu.memref_slice %arg4[%reduce_sum3A_430, %dma_wait3A_562] : memref<1000000x64xf32, #tpu.memory_space<hbm>> -> memref<1x64xf32, #tpu.memory_space<hbm>>
      %dma_wait3A_564 = arith.constant 0 : i32
      %dma_wait3A_565 = tpu.memref_slice %arg8[%add3A_432, %dma_wait3A_564] : memref<512x64xf32, #tpu.memory_space<vmem>> -> memref<1x64xf32, #tpu.memory_space<vmem>>
      %dma_wait3A_566 = arith.constant 0 : i32
      %dma_wait3A_567 = tpu.memref_slice %arg4[%reduce_sum3A_430, %dma_wait3A_566] : memref<1000000x64xf32, #tpu.memory_space<hbm>> -> memref<1x64xf32, #tpu.memory_space<hbm>>
      tpu.wait_dma2 semaphore(%arg12 : memref<!tpu.dma_semaphore, #tpu.memory_space<semaphore_mem>>) src(%dma_wait3A_567 : memref<1x64xf32, #tpu.memory_space<hbm>>) dst(%dma_wait3A_565 : memref<1x64xf32, #tpu.memory_space<vmem>>)
    }
    %scan3A_42 = arith.constant 32 : i32
    %broadcast_in_dim3A = arith.constant 0.000000e+00 : f32
    %broadcast_in_dim3A_43 = vector.broadcast %broadcast_in_dim3A : f32 to vector<16xf32>
    %scan3A_44 = arith.constant 0 : i32
    %scan3A_45 = arith.constant 32 : i32
    %scan3A_46 = arith.addi %scan3A_44, %scan3A_45 : i32
    %scan3A_47 = arith.constant 1 : i32
    %scan3A_48 = scf.for %scan3A_62 = %scan3A_44 to %scan3A_46 step %scan3A_47 iter_args(%scan3A_63 = %broadcast_in_dim3A_43) -> (vector<16xf32>)  : i32 {
      %mul3A_64 = arith.constant 16 : i32
      %mul3A_65 = arith.muli %scan3A_62, %mul3A_64 : i32
      %add3A_66 = vector.broadcast %mul3A_65 : i32 to vector<16xi32>
      %add3A_67 = arith.addi %add3A_66, %iota3A : vector<16xi32>
      %shift_right_arithmetic3A = arith.constant 1 : i32
      %shift_right_arithmetic3A_68 = vector.broadcast %shift_right_arithmetic3A : i32 to vector<16xi32>
      %shift_right_arithmetic3A_69 = arith.shrsi %add3A_67, %shift_right_arithmetic3A_68 : vector<16xi32>
      %and3A_70 = arith.constant 1 : i32
      %and3A_71 = vector.broadcast %and3A_70 : i32 to vector<16xi32>
      %and3A_72 = arith.andi %add3A_67, %and3A_71 : vector<16xi32>
      %mul3A_73 = arith.constant 64 : i32
      %mul3A_74 = vector.broadcast %mul3A_73 : i32 to vector<16xi32>
      %mul3A_75 = arith.muli %and3A_72, %mul3A_74 : vector<16xi32>
      %broadcast_in_dim3A_76 = arith.constant 0 : i32
      %broadcast_in_dim3A_77 = vector.broadcast %broadcast_in_dim3A_76 : i32 to vector<16xi32>
      %add3A_78 = arith.constant 0 : i32
      %add3A_79 = vector.broadcast %add3A_78 : i32 to vector<16xi32>
      %add3A_80 = arith.addi %mul3A_75, %add3A_79 : vector<16xi32>
      %gather3A = tpu.vector_load_idx %arg7[%shift_right_arithmetic3A_69, %add3A_80] : memref<256x128xf32, #tpu.memory_space<vmem>>[vector<16xi32>, vector<16xi32>], vector<16xf32>,
      %gather3A_81 = tpu.vector_load_idx %arg8[%add3A_67, %broadcast_in_dim3A_77] : memref<512x64xf32, #tpu.memory_space<vmem>>[vector<16xi32>, vector<16xi32>], vector<16xf32>,
      %mul3A_82 = arith.mulf %gather3A, %gather3A_81 : vector<16xf32>
      %mul3A_83 = arith.mulf %gather3A, %gather3A : vector<16xf32>
      %mul3A_84 = arith.mulf %gather3A_81, %gather3A_81 : vector<16xf32>
      %broadcast_in_dim3A_85 = arith.constant 1 : i32
      %broadcast_in_dim3A_86 = vector.broadcast %broadcast_in_dim3A_85 : i32 to vector<16xi32>
      %add3A_87 = arith.constant 1 : i32
      %add3A_88 = vector.broadcast %add3A_87 : i32 to vector<16xi32>
      %add3A_89 = arith.addi %mul3A_75, %add3A_88 : vector<16xi32>
      %gather3A_90 = tpu.vector_load_idx %arg7[%shift_right_arithmetic3A_69, %add3A_89] : memref<256x128xf32, #tpu.memory_space<vmem>>[vector<16xi32>, vector<16xi32>], vector<16xf32>,
      %gather3A_91 = tpu.vector_load_idx %arg8[%add3A_67, %broadcast_in_dim3A_86] : memref<512x64xf32, #tpu.memory_space<vmem>>[vector<16xi32>, vector<16xi32>], vector<16xf32>,
      %mul3A_92 = arith.mulf %gather3A_90, %gather3A_91 : vector<16xf32>
      %add3A_93 = arith.addf %mul3A_82, %mul3A_92 : vector<16xf32>
      %mul3A_94 = arith.mulf %gather3A_90, %gather3A_90 : vector<16xf32>
      %add3A_95 = arith.addf %mul3A_83, %mul3A_94 : vector<16xf32>
      %mul3A_96 = arith.mulf %gather3A_91, %gather3A_91 : vector<16xf32>
      %add3A_97 = arith.addf %mul3A_84, %mul3A_96 : vector<16xf32>
      %broadcast_in_dim3A_98 = arith.constant 2 : i32
      %broadcast_in_dim3A_99 = vector.broadcast %broadcast_in_dim3A_98 : i32 to vector<16xi32>
      %add3A_100 = arith.constant 2 : i32
      %add3A_101 = vector.broadcast %add3A_100 : i32 to vector<16xi32>
      %add3A_102 = arith.addi %mul3A_75, %add3A_101 : vector<16xi32>
      %gather3A_103 = tpu.vector_load_idx %arg7[%shift_right_arithmetic3A_69, %add3A_102] : memref<256x128xf32, #tpu.memory_space<vmem>>[vector<16xi32>, vector<16xi32>], vector<16xf32>,
      %gather3A_104 = tpu.vector_load_idx %arg8[%add3A_67, %broadcast_in_dim3A_99] : memref<512x64xf32, #tpu.memory_space<vmem>>[vector<16xi32>, vector<16xi32>], vector<16xf32>,
      %mul3A_105 = arith.mulf %gather3A_103, %gather3A_104 : vector<16xf32>
      %add3A_106 = arith.addf %add3A_93, %mul3A_105 : vector<16xf32>
      %mul3A_107 = arith.mulf %gather3A_103, %gather3A_103 : vector<16xf32>
      %add3A_108 = arith.addf %add3A_95, %mul3A_107 : vector<16xf32>
      %mul3A_109 = arith.mulf %gather3A_104, %gather3A_104 : vector<16xf32>
      %add3A_110 = arith.addf %add3A_97, %mul3A_109 : vector<16xf32>
      %broadcast_in_dim3A_111 = arith.constant 3 : i32
      %broadcast_in_dim3A_112 = vector.broadcast %broadcast_in_dim3A_111 : i32 to vector<16xi32>
      %add3A_113 = arith.constant 3 : i32
      %add3A_114 = vector.broadcast %add3A_113 : i32 to vector<16xi32>
      %add3A_115 = arith.addi %mul3A_75, %add3A_114 : vector<16xi32>
      %gather3A_116 = tpu.vector_load_idx %arg7[%shift_right_arithmetic3A_69, %add3A_115] : memref<256x128xf32, #tpu.memory_space<vmem>>[vector<16xi32>, vector<16xi32>], vector<16xf32>,
      %gather3A_117 = tpu.vector_load_idx %arg8[%add3A_67, %broadcast_in_dim3A_112] : memref<512x64xf32, #tpu.memory_space<vmem>>[vector<16xi32>, vector<16xi32>], vector<16xf32>,
      %mul3A_118 = arith.mulf %gather3A_116, %gather3A_117 : vector<16xf32>
      %add3A_119 = arith.addf %add3A_106, %mul3A_118 : vector<16xf32>
      %mul3A_120 = arith.mulf %gather3A_116, %gather3A_116 : vector<16xf32>
      %add3A_121 = arith.addf %add3A_108, %mul3A_120 : vector<16xf32>
      %mul3A_122 = arith.mulf %gather3A_117, %gather3A_117 : vector<16xf32>
      %add3A_123 = arith.addf %add3A_110, %mul3A_122 : vector<16xf32>
      %broadcast_in_dim3A_124 = arith.constant 4 : i32
      %broadcast_in_dim3A_125 = vector.broadcast %broadcast_in_dim3A_124 : i32 to vector<16xi32>
      %add3A_126 = arith.constant 4 : i32
      %add3A_127 = vector.broadcast %add3A_126 : i32 to vector<16xi32>
      %add3A_128 = arith.addi %mul3A_75, %add3A_127 : vector<16xi32>
      %gather3A_129 = tpu.vector_load_idx %arg7[%shift_right_arithmetic3A_69, %add3A_128] : memref<256x128xf32, #tpu.memory_space<vmem>>[vector<16xi32>, vector<16xi32>], vector<16xf32>,
      %gather3A_130 = tpu.vector_load_idx %arg8[%add3A_67, %broadcast_in_dim3A_125] : memref<512x64xf32, #tpu.memory_space<vmem>>[vector<16xi32>, vector<16xi32>], vector<16xf32>,
      %mul3A_131 = arith.mulf %gather3A_129, %gather3A_130 : vector<16xf32>
      %add3A_132 = arith.addf %add3A_119, %mul3A_131 : vector<16xf32>
      %mul3A_133 = arith.mulf %gather3A_129, %gather3A_129 : vector<16xf32>
      %add3A_134 = arith.addf %add3A_121, %mul3A_133 : vector<16xf32>
      %mul3A_135 = arith.mulf %gather3A_130, %gather3A_130 : vector<16xf32>
      %add3A_136 = arith.addf %add3A_123, %mul3A_135 : vector<16xf32>
      %broadcast_in_dim3A_137 = arith.constant 5 : i32
      %broadcast_in_dim3A_138 = vector.broadcast %broadcast_in_dim3A_137 : i32 to vector<16xi32>
      %add3A_139 = arith.constant 5 : i32
      %add3A_140 = vector.broadcast %add3A_139 : i32 to vector<16xi32>
      %add3A_141 = arith.addi %mul3A_75, %add3A_140 : vector<16xi32>
      %gather3A_142 = tpu.vector_load_idx %arg7[%shift_right_arithmetic3A_69, %add3A_141] : memref<256x128xf32, #tpu.memory_space<vmem>>[vector<16xi32>, vector<16xi32>], vector<16xf32>,
      %gather3A_143 = tpu.vector_load_idx %arg8[%add3A_67, %broadcast_in_dim3A_138] : memref<512x64xf32, #tpu.memory_space<vmem>>[vector<16xi32>, vector<16xi32>], vector<16xf32>,
      %mul3A_144 = arith.mulf %gather3A_142, %gather3A_143 : vector<16xf32>
      %add3A_145 = arith.addf %add3A_132, %mul3A_144 : vector<16xf32>
      %mul3A_146 = arith.mulf %gather3A_142, %gather3A_142 : vector<16xf32>
      %add3A_147 = arith.addf %add3A_134, %mul3A_146 : vector<16xf32>
      %mul3A_148 = arith.mulf %gather3A_143, %gather3A_143 : vector<16xf32>
      %add3A_149 = arith.addf %add3A_136, %mul3A_148 : vector<16xf32>
      %broadcast_in_dim3A_150 = arith.constant 6 : i32
      %broadcast_in_dim3A_151 = vector.broadcast %broadcast_in_dim3A_150 : i32 to vector<16xi32>
      %add3A_152 = arith.constant 6 : i32
      %add3A_153 = vector.broadcast %add3A_152 : i32 to vector<16xi32>
      %add3A_154 = arith.addi %mul3A_75, %add3A_153 : vector<16xi32>
      %gather3A_155 = tpu.vector_load_idx %arg7[%shift_right_arithmetic3A_69, %add3A_154] : memref<256x128xf32, #tpu.memory_space<vmem>>[vector<16xi32>, vector<16xi32>], vector<16xf32>,
      %gather3A_156 = tpu.vector_load_idx %arg8[%add3A_67, %broadcast_in_dim3A_151] : memref<512x64xf32, #tpu.memory_space<vmem>>[vector<16xi32>, vector<16xi32>], vector<16xf32>,
      %mul3A_157 = arith.mulf %gather3A_155, %gather3A_156 : vector<16xf32>
      %add3A_158 = arith.addf %add3A_145, %mul3A_157 : vector<16xf32>
      %mul3A_159 = arith.mulf %gather3A_155, %gather3A_155 : vector<16xf32>
      %add3A_160 = arith.addf %add3A_147, %mul3A_159 : vector<16xf32>
      %mul3A_161 = arith.mulf %gather3A_156, %gather3A_156 : vector<16xf32>
      %add3A_162 = arith.addf %add3A_149, %mul3A_161 : vector<16xf32>
      %broadcast_in_dim3A_163 = arith.constant 7 : i32
      %broadcast_in_dim3A_164 = vector.broadcast %broadcast_in_dim3A_163 : i32 to vector<16xi32>
      %add3A_165 = arith.constant 7 : i32
      %add3A_166 = vector.broadcast %add3A_165 : i32 to vector<16xi32>
      %add3A_167 = arith.addi %mul3A_75, %add3A_166 : vector<16xi32>
      %gather3A_168 = tpu.vector_load_idx %arg7[%shift_right_arithmetic3A_69, %add3A_167] : memref<256x128xf32, #tpu.memory_space<vmem>>[vector<16xi32>, vector<16xi32>], vector<16xf32>,
      %gather3A_169 = tpu.vector_load_idx %arg8[%add3A_67, %broadcast_in_dim3A_164] : memref<512x64xf32, #tpu.memory_space<vmem>>[vector<16xi32>, vector<16xi32>], vector<16xf32>,
      %mul3A_170 = arith.mulf %gather3A_168, %gather3A_169 : vector<16xf32>
      %add3A_171 = arith.addf %add3A_158, %mul3A_170 : vector<16xf32>
      %mul3A_172 = arith.mulf %gather3A_168, %gather3A_168 : vector<16xf32>
      %add3A_173 = arith.addf %add3A_160, %mul3A_172 : vector<16xf32>
      %mul3A_174 = arith.mulf %gather3A_169, %gather3A_169 : vector<16xf32>
      %add3A_175 = arith.addf %add3A_162, %mul3A_174 : vector<16xf32>
      %broadcast_in_dim3A_176 = arith.constant 8 : i32
      %broadcast_in_dim3A_177 = vector.broadcast %broadcast_in_dim3A_176 : i32 to vector<16xi32>
      %add3A_178 = arith.constant 8 : i32
      %add3A_179 = vector.broadcast %add3A_178 : i32 to vector<16xi32>
      %add3A_180 = arith.addi %mul3A_75, %add3A_179 : vector<16xi32>
      %gather3A_181 = tpu.vector_load_idx %arg7[%shift_right_arithmetic3A_69, %add3A_180] : memref<256x128xf32, #tpu.memory_space<vmem>>[vector<16xi32>, vector<16xi32>], vector<16xf32>,
      %gather3A_182 = tpu.vector_load_idx %arg8[%add3A_67, %broadcast_in_dim3A_177] : memref<512x64xf32, #tpu.memory_space<vmem>>[vector<16xi32>, vector<16xi32>], vector<16xf32>,
      %mul3A_183 = arith.mulf %gather3A_181, %gather3A_182 : vector<16xf32>
      %add3A_184 = arith.addf %add3A_171, %mul3A_183 : vector<16xf32>
      %mul3A_185 = arith.mulf %gather3A_181, %gather3A_181 : vector<16xf32>
      %add3A_186 = arith.addf %add3A_173, %mul3A_185 : vector<16xf32>
      %mul3A_187 = arith.mulf %gather3A_182, %gather3A_182 : vector<16xf32>
      %add3A_188 = arith.addf %add3A_175, %mul3A_187 : vector<16xf32>
      %broadcast_in_dim3A_189 = arith.constant 9 : i32
      %broadcast_in_dim3A_190 = vector.broadcast %broadcast_in_dim3A_189 : i32 to vector<16xi32>
      %add3A_191 = arith.constant 9 : i32
      %add3A_192 = vector.broadcast %add3A_191 : i32 to vector<16xi32>
      %add3A_193 = arith.addi %mul3A_75, %add3A_192 : vector<16xi32>
      %gather3A_194 = tpu.vector_load_idx %arg7[%shift_right_arithmetic3A_69, %add3A_193] : memref<256x128xf32, #tpu.memory_space<vmem>>[vector<16xi32>, vector<16xi32>], vector<16xf32>,
      %gather3A_195 = tpu.vector_load_idx %arg8[%add3A_67, %broadcast_in_dim3A_190] : memref<512x64xf32, #tpu.memory_space<vmem>>[vector<16xi32>, vector<16xi32>], vector<16xf32>,
      %mul3A_196 = arith.mulf %gather3A_194, %gather3A_195 : vector<16xf32>
      %add3A_197 = arith.addf %add3A_184, %mul3A_196 : vector<16xf32>
      %mul3A_198 = arith.mulf %gather3A_194, %gather3A_194 : vector<16xf32>
      %add3A_199 = arith.addf %add3A_186, %mul3A_198 : vector<16xf32>
      %mul3A_200 = arith.mulf %gather3A_195, %gather3A_195 : vector<16xf32>
      %add3A_201 = arith.addf %add3A_188, %mul3A_200 : vector<16xf32>
      %broadcast_in_dim3A_202 = arith.constant 10 : i32
      %broadcast_in_dim3A_203 = vector.broadcast %broadcast_in_dim3A_202 : i32 to vector<16xi32>
      %add3A_204 = arith.constant 10 : i32
      %add3A_205 = vector.broadcast %add3A_204 : i32 to vector<16xi32>
      %add3A_206 = arith.addi %mul3A_75, %add3A_205 : vector<16xi32>
      %gather3A_207 = tpu.vector_load_idx %arg7[%shift_right_arithmetic3A_69, %add3A_206] : memref<256x128xf32, #tpu.memory_space<vmem>>[vector<16xi32>, vector<16xi32>], vector<16xf32>,
      %gather3A_208 = tpu.vector_load_idx %arg8[%add3A_67, %broadcast_in_dim3A_203] : memref<512x64xf32, #tpu.memory_space<vmem>>[vector<16xi32>, vector<16xi32>], vector<16xf32>,
      %mul3A_209 = arith.mulf %gather3A_207, %gather3A_208 : vector<16xf32>
      %add3A_210 = arith.addf %add3A_197, %mul3A_209 : vector<16xf32>
      %mul3A_211 = arith.mulf %gather3A_207, %gather3A_207 : vector<16xf32>
      %add3A_212 = arith.addf %add3A_199, %mul3A_211 : vector<16xf32>
      %mul3A_213 = arith.mulf %gather3A_208, %gather3A_208 : vector<16xf32>
      %add3A_214 = arith.addf %add3A_201, %mul3A_213 : vector<16xf32>
      %broadcast_in_dim3A_215 = arith.constant 11 : i32
      %broadcast_in_dim3A_216 = vector.broadcast %broadcast_in_dim3A_215 : i32 to vector<16xi32>
      %add3A_217 = arith.constant 11 : i32
      %add3A_218 = vector.broadcast %add3A_217 : i32 to vector<16xi32>
      %add3A_219 = arith.addi %mul3A_75, %add3A_218 : vector<16xi32>
      %gather3A_220 = tpu.vector_load_idx %arg7[%shift_right_arithmetic3A_69, %add3A_219] : memref<256x128xf32, #tpu.memory_space<vmem>>[vector<16xi32>, vector<16xi32>], vector<16xf32>,
      %gather3A_221 = tpu.vector_load_idx %arg8[%add3A_67, %broadcast_in_dim3A_216] : memref<512x64xf32, #tpu.memory_space<vmem>>[vector<16xi32>, vector<16xi32>], vector<16xf32>,
      %mul3A_222 = arith.mulf %gather3A_220, %gather3A_221 : vector<16xf32>
      %add3A_223 = arith.addf %add3A_210, %mul3A_222 : vector<16xf32>
      %mul3A_224 = arith.mulf %gather3A_220, %gather3A_220 : vector<16xf32>
      %add3A_225 = arith.addf %add3A_212, %mul3A_224 : vector<16xf32>
      %mul3A_226 = arith.mulf %gather3A_221, %gather3A_221 : vector<16xf32>
      %add3A_227 = arith.addf %add3A_214, %mul3A_226 : vector<16xf32>
      %broadcast_in_dim3A_228 = arith.constant 12 : i32
      %broadcast_in_dim3A_229 = vector.broadcast %broadcast_in_dim3A_228 : i32 to vector<16xi32>
      %add3A_230 = arith.constant 12 : i32
      %add3A_231 = vector.broadcast %add3A_230 : i32 to vector<16xi32>
      %add3A_232 = arith.addi %mul3A_75, %add3A_231 : vector<16xi32>
      %gather3A_233 = tpu.vector_load_idx %arg7[%shift_right_arithmetic3A_69, %add3A_232] : memref<256x128xf32, #tpu.memory_space<vmem>>[vector<16xi32>, vector<16xi32>], vector<16xf32>,
      %gather3A_234 = tpu.vector_load_idx %arg8[%add3A_67, %broadcast_in_dim3A_229] : memref<512x64xf32, #tpu.memory_space<vmem>>[vector<16xi32>, vector<16xi32>], vector<16xf32>,
      %mul3A_235 = arith.mulf %gather3A_233, %gather3A_234 : vector<16xf32>
      %add3A_236 = arith.addf %add3A_223, %mul3A_235 : vector<16xf32>
      %mul3A_237 = arith.mulf %gather3A_233, %gather3A_233 : vector<16xf32>
      %add3A_238 = arith.addf %add3A_225, %mul3A_237 : vector<16xf32>
      %mul3A_239 = arith.mulf %gather3A_234, %gather3A_234 : vector<16xf32>
      %add3A_240 = arith.addf %add3A_227, %mul3A_239 : vector<16xf32>
      %broadcast_in_dim3A_241 = arith.constant 13 : i32
      %broadcast_in_dim3A_242 = vector.broadcast %broadcast_in_dim3A_241 : i32 to vector<16xi32>
      %add3A_243 = arith.constant 13 : i32
      %add3A_244 = vector.broadcast %add3A_243 : i32 to vector<16xi32>
      %add3A_245 = arith.addi %mul3A_75, %add3A_244 : vector<16xi32>
      %gather3A_246 = tpu.vector_load_idx %arg7[%shift_right_arithmetic3A_69, %add3A_245] : memref<256x128xf32, #tpu.memory_space<vmem>>[vector<16xi32>, vector<16xi32>], vector<16xf32>,
      %gather3A_247 = tpu.vector_load_idx %arg8[%add3A_67, %broadcast_in_dim3A_242] : memref<512x64xf32, #tpu.memory_space<vmem>>[vector<16xi32>, vector<16xi32>], vector<16xf32>,
      %mul3A_248 = arith.mulf %gather3A_246, %gather3A_247 : vector<16xf32>
      %add3A_249 = arith.addf %add3A_236, %mul3A_248 : vector<16xf32>
      %mul3A_250 = arith.mulf %gather3A_246, %gather3A_246 : vector<16xf32>
      %add3A_251 = arith.addf %add3A_238, %mul3A_250 : vector<16xf32>
      %mul3A_252 = arith.mulf %gather3A_247, %gather3A_247 : vector<16xf32>
      %add3A_253 = arith.addf %add3A_240, %mul3A_252 : vector<16xf32>
      %broadcast_in_dim3A_254 = arith.constant 14 : i32
      %broadcast_in_dim3A_255 = vector.broadcast %broadcast_in_dim3A_254 : i32 to vector<16xi32>
      %add3A_256 = arith.constant 14 : i32
      %add3A_257 = vector.broadcast %add3A_256 : i32 to vector<16xi32>
      %add3A_258 = arith.addi %mul3A_75, %add3A_257 : vector<16xi32>
      %gather3A_259 = tpu.vector_load_idx %arg7[%shift_right_arithmetic3A_69, %add3A_258] : memref<256x128xf32, #tpu.memory_space<vmem>>[vector<16xi32>, vector<16xi32>], vector<16xf32>,
      %gather3A_260 = tpu.vector_load_idx %arg8[%add3A_67, %broadcast_in_dim3A_255] : memref<512x64xf32, #tpu.memory_space<vmem>>[vector<16xi32>, vector<16xi32>], vector<16xf32>,
      %mul3A_261 = arith.mulf %gather3A_259, %gather3A_260 : vector<16xf32>
      %add3A_262 = arith.addf %add3A_249, %mul3A_261 : vector<16xf32>
      %mul3A_263 = arith.mulf %gather3A_259, %gather3A_259 : vector<16xf32>
      %add3A_264 = arith.addf %add3A_251, %mul3A_263 : vector<16xf32>
      %mul3A_265 = arith.mulf %gather3A_260, %gather3A_260 : vector<16xf32>
      %add3A_266 = arith.addf %add3A_253, %mul3A_265 : vector<16xf32>
      %broadcast_in_dim3A_267 = arith.constant 15 : i32
      %broadcast_in_dim3A_268 = vector.broadcast %broadcast_in_dim3A_267 : i32 to vector<16xi32>
      %add3A_269 = arith.constant 15 : i32
      %add3A_270 = vector.broadcast %add3A_269 : i32 to vector<16xi32>
      %add3A_271 = arith.addi %mul3A_75, %add3A_270 : vector<16xi32>
      %gather3A_272 = tpu.vector_load_idx %arg7[%shift_right_arithmetic3A_69, %add3A_271] : memref<256x128xf32, #tpu.memory_space<vmem>>[vector<16xi32>, vector<16xi32>], vector<16xf32>,
      %gather3A_273 = tpu.vector_load_idx %arg8[%add3A_67, %broadcast_in_dim3A_268] : memref<512x64xf32, #tpu.memory_space<vmem>>[vector<16xi32>, vector<16xi32>], vector<16xf32>,
      %mul3A_274 = arith.mulf %gather3A_272, %gather3A_273 : vector<16xf32>
      %add3A_275 = arith.addf %add3A_262, %mul3A_274 : vector<16xf32>
      %mul3A_276 = arith.mulf %gather3A_272, %gather3A_272 : vector<16xf32>
      %add3A_277 = arith.addf %add3A_264, %mul3A_276 : vector<16xf32>
      %mul3A_278 = arith.mulf %gather3A_273, %gather3A_273 : vector<16xf32>
      %add3A_279 = arith.addf %add3A_266, %mul3A_278 : vector<16xf32>
      %broadcast_in_dim3A_280 = arith.constant 16 : i32
      %broadcast_in_dim3A_281 = vector.broadcast %broadcast_in_dim3A_280 : i32 to vector<16xi32>
      %add3A_282 = arith.constant 16 : i32
      %add3A_283 = vector.broadcast %add3A_282 : i32 to vector<16xi32>
      %add3A_284 = arith.addi %mul3A_75, %add3A_283 : vector<16xi32>
      %gather3A_285 = tpu.vector_load_idx %arg7[%shift_right_arithmetic3A_69, %add3A_284] : memref<256x128xf32, #tpu.memory_space<vmem>>[vector<16xi32>, vector<16xi32>], vector<16xf32>,
      %gather3A_286 = tpu.vector_load_idx %arg8[%add3A_67, %broadcast_in_dim3A_281] : memref<512x64xf32, #tpu.memory_space<vmem>>[vector<16xi32>, vector<16xi32>], vector<16xf32>,
      %mul3A_287 = arith.mulf %gather3A_285, %gather3A_286 : vector<16xf32>
      %add3A_288 = arith.addf %add3A_275, %mul3A_287 : vector<16xf32>
      %mul3A_289 = arith.mulf %gather3A_285, %gather3A_285 : vector<16xf32>
      %add3A_290 = arith.addf %add3A_277, %mul3A_289 : vector<16xf32>
      %mul3A_291 = arith.mulf %gather3A_286, %gather3A_286 : vector<16xf32>
      %add3A_292 = arith.addf %add3A_279, %mul3A_291 : vector<16xf32>
      %broadcast_in_dim3A_293 = arith.constant 17 : i32
      %broadcast_in_dim3A_294 = vector.broadcast %broadcast_in_dim3A_293 : i32 to vector<16xi32>
      %add3A_295 = arith.constant 17 : i32
      %add3A_296 = vector.broadcast %add3A_295 : i32 to vector<16xi32>
      %add3A_297 = arith.addi %mul3A_75, %add3A_296 : vector<16xi32>
      %gather3A_298 = tpu.vector_load_idx %arg7[%shift_right_arithmetic3A_69, %add3A_297] : memref<256x128xf32, #tpu.memory_space<vmem>>[vector<16xi32>, vector<16xi32>], vector<16xf32>,
      %gather3A_299 = tpu.vector_load_idx %arg8[%add3A_67, %broadcast_in_dim3A_294] : memref<512x64xf32, #tpu.memory_space<vmem>>[vector<16xi32>, vector<16xi32>], vector<16xf32>,
      %mul3A_300 = arith.mulf %gather3A_298, %gather3A_299 : vector<16xf32>
      %add3A_301 = arith.addf %add3A_288, %mul3A_300 : vector<16xf32>
      %mul3A_302 = arith.mulf %gather3A_298, %gather3A_298 : vector<16xf32>
      %add3A_303 = arith.addf %add3A_290, %mul3A_302 : vector<16xf32>
      %mul3A_304 = arith.mulf %gather3A_299, %gather3A_299 : vector<16xf32>
      %add3A_305 = arith.addf %add3A_292, %mul3A_304 : vector<16xf32>
      %broadcast_in_dim3A_306 = arith.constant 18 : i32
      %broadcast_in_dim3A_307 = vector.broadcast %broadcast_in_dim3A_306 : i32 to vector<16xi32>
      %add3A_308 = arith.constant 18 : i32
      %add3A_309 = vector.broadcast %add3A_308 : i32 to vector<16xi32>
      %add3A_310 = arith.addi %mul3A_75, %add3A_309 : vector<16xi32>
      %gather3A_311 = tpu.vector_load_idx %arg7[%shift_right_arithmetic3A_69, %add3A_310] : memref<256x128xf32, #tpu.memory_space<vmem>>[vector<16xi32>, vector<16xi32>], vector<16xf32>,
      %gather3A_312 = tpu.vector_load_idx %arg8[%add3A_67, %broadcast_in_dim3A_307] : memref<512x64xf32, #tpu.memory_space<vmem>>[vector<16xi32>, vector<16xi32>], vector<16xf32>,
      %mul3A_313 = arith.mulf %gather3A_311, %gather3A_312 : vector<16xf32>
      %add3A_314 = arith.addf %add3A_301, %mul3A_313 : vector<16xf32>
      %mul3A_315 = arith.mulf %gather3A_311, %gather3A_311 : vector<16xf32>
      %add3A_316 = arith.addf %add3A_303, %mul3A_315 : vector<16xf32>
      %mul3A_317 = arith.mulf %gather3A_312, %gather3A_312 : vector<16xf32>
      %add3A_318 = arith.addf %add3A_305, %mul3A_317 : vector<16xf32>
      %broadcast_in_dim3A_319 = arith.constant 19 : i32
      %broadcast_in_dim3A_320 = vector.broadcast %broadcast_in_dim3A_319 : i32 to vector<16xi32>
      %add3A_321 = arith.constant 19 : i32
      %add3A_322 = vector.broadcast %add3A_321 : i32 to vector<16xi32>
      %add3A_323 = arith.addi %mul3A_75, %add3A_322 : vector<16xi32>
      %gather3A_324 = tpu.vector_load_idx %arg7[%shift_right_arithmetic3A_69, %add3A_323] : memref<256x128xf32, #tpu.memory_space<vmem>>[vector<16xi32>, vector<16xi32>], vector<16xf32>,
      %gather3A_325 = tpu.vector_load_idx %arg8[%add3A_67, %broadcast_in_dim3A_320] : memref<512x64xf32, #tpu.memory_space<vmem>>[vector<16xi32>, vector<16xi32>], vector<16xf32>,
      %mul3A_326 = arith.mulf %gather3A_324, %gather3A_325 : vector<16xf32>
      %add3A_327 = arith.addf %add3A_314, %mul3A_326 : vector<16xf32>
      %mul3A_328 = arith.mulf %gather3A_324, %gather3A_324 : vector<16xf32>
      %add3A_329 = arith.addf %add3A_316, %mul3A_328 : vector<16xf32>
      %mul3A_330 = arith.mulf %gather3A_325, %gather3A_325 : vector<16xf32>
      %add3A_331 = arith.addf %add3A_318, %mul3A_330 : vector<16xf32>
      %broadcast_in_dim3A_332 = arith.constant 20 : i32
      %broadcast_in_dim3A_333 = vector.broadcast %broadcast_in_dim3A_332 : i32 to vector<16xi32>
      %add3A_334 = arith.constant 20 : i32
      %add3A_335 = vector.broadcast %add3A_334 : i32 to vector<16xi32>
      %add3A_336 = arith.addi %mul3A_75, %add3A_335 : vector<16xi32>
      %gather3A_337 = tpu.vector_load_idx %arg7[%shift_right_arithmetic3A_69, %add3A_336] : memref<256x128xf32, #tpu.memory_space<vmem>>[vector<16xi32>, vector<16xi32>], vector<16xf32>,
      %gather3A_338 = tpu.vector_load_idx %arg8[%add3A_67, %broadcast_in_dim3A_333] : memref<512x64xf32, #tpu.memory_space<vmem>>[vector<16xi32>, vector<16xi32>], vector<16xf32>,
      %mul3A_339 = arith.mulf %gather3A_337, %gather3A_338 : vector<16xf32>
      %add3A_340 = arith.addf %add3A_327, %mul3A_339 : vector<16xf32>
      %mul3A_341 = arith.mulf %gather3A_337, %gather3A_337 : vector<16xf32>
      %add3A_342 = arith.addf %add3A_329, %mul3A_341 : vector<16xf32>
      %mul3A_343 = arith.mulf %gather3A_338, %gather3A_338 : vector<16xf32>
      %add3A_344 = arith.addf %add3A_331, %mul3A_343 : vector<16xf32>
      %broadcast_in_dim3A_345 = arith.constant 21 : i32
      %broadcast_in_dim3A_346 = vector.broadcast %broadcast_in_dim3A_345 : i32 to vector<16xi32>
      %add3A_347 = arith.constant 21 : i32
      %add3A_348 = vector.broadcast %add3A_347 : i32 to vector<16xi32>
      %add3A_349 = arith.addi %mul3A_75, %add3A_348 : vector<16xi32>
      %gather3A_350 = tpu.vector_load_idx %arg7[%shift_right_arithmetic3A_69, %add3A_349] : memref<256x128xf32, #tpu.memory_space<vmem>>[vector<16xi32>, vector<16xi32>], vector<16xf32>,
      %gather3A_351 = tpu.vector_load_idx %arg8[%add3A_67, %broadcast_in_dim3A_346] : memref<512x64xf32, #tpu.memory_space<vmem>>[vector<16xi32>, vector<16xi32>], vector<16xf32>,
      %mul3A_352 = arith.mulf %gather3A_350, %gather3A_351 : vector<16xf32>
      %add3A_353 = arith.addf %add3A_340, %mul3A_352 : vector<16xf32>
      %mul3A_354 = arith.mulf %gather3A_350, %gather3A_350 : vector<16xf32>
      %add3A_355 = arith.addf %add3A_342, %mul3A_354 : vector<16xf32>
      %mul3A_356 = arith.mulf %gather3A_351, %gather3A_351 : vector<16xf32>
      %add3A_357 = arith.addf %add3A_344, %mul3A_356 : vector<16xf32>
      %broadcast_in_dim3A_358 = arith.constant 22 : i32
      %broadcast_in_dim3A_359 = vector.broadcast %broadcast_in_dim3A_358 : i32 to vector<16xi32>
      %add3A_360 = arith.constant 22 : i32
      %add3A_361 = vector.broadcast %add3A_360 : i32 to vector<16xi32>
      %add3A_362 = arith.addi %mul3A_75, %add3A_361 : vector<16xi32>
      %gather3A_363 = tpu.vector_load_idx %arg7[%shift_right_arithmetic3A_69, %add3A_362] : memref<256x128xf32, #tpu.memory_space<vmem>>[vector<16xi32>, vector<16xi32>], vector<16xf32>,
      %gather3A_364 = tpu.vector_load_idx %arg8[%add3A_67, %broadcast_in_dim3A_359] : memref<512x64xf32, #tpu.memory_space<vmem>>[vector<16xi32>, vector<16xi32>], vector<16xf32>,
      %mul3A_365 = arith.mulf %gather3A_363, %gather3A_364 : vector<16xf32>
      %add3A_366 = arith.addf %add3A_353, %mul3A_365 : vector<16xf32>
      %mul3A_367 = arith.mulf %gather3A_363, %gather3A_363 : vector<16xf32>
      %add3A_368 = arith.addf %add3A_355, %mul3A_367 : vector<16xf32>
      %mul3A_369 = arith.mulf %gather3A_364, %gather3A_364 : vector<16xf32>
      %add3A_370 = arith.addf %add3A_357, %mul3A_369 : vector<16xf32>
      %broadcast_in_dim3A_371 = arith.constant 23 : i32
      %broadcast_in_dim3A_372 = vector.broadcast %broadcast_in_dim3A_371 : i32 to vector<16xi32>
      %add3A_373 = arith.constant 23 : i32
      %add3A_374 = vector.broadcast %add3A_373 : i32 to vector<16xi32>
      %add3A_375 = arith.addi %mul3A_75, %add3A_374 : vector<16xi32>
      %gather3A_376 = tpu.vector_load_idx %arg7[%shift_right_arithmetic3A_69, %add3A_375] : memref<256x128xf32, #tpu.memory_space<vmem>>[vector<16xi32>, vector<16xi32>], vector<16xf32>,
      %gather3A_377 = tpu.vector_load_idx %arg8[%add3A_67, %broadcast_in_dim3A_372] : memref<512x64xf32, #tpu.memory_space<vmem>>[vector<16xi32>, vector<16xi32>], vector<16xf32>,
      %mul3A_378 = arith.mulf %gather3A_376, %gather3A_377 : vector<16xf32>
      %add3A_379 = arith.addf %add3A_366, %mul3A_378 : vector<16xf32>
      %mul3A_380 = arith.mulf %gather3A_376, %gather3A_376 : vector<16xf32>
      %add3A_381 = arith.addf %add3A_368, %mul3A_380 : vector<16xf32>
      %mul3A_382 = arith.mulf %gather3A_377, %gather3A_377 : vector<16xf32>
      %add3A_383 = arith.addf %add3A_370, %mul3A_382 : vector<16xf32>
      %broadcast_in_dim3A_384 = arith.constant 24 : i32
      %broadcast_in_dim3A_385 = vector.broadcast %broadcast_in_dim3A_384 : i32 to vector<16xi32>
      %add3A_386 = arith.constant 24 : i32
      %add3A_387 = vector.broadcast %add3A_386 : i32 to vector<16xi32>
      %add3A_388 = arith.addi %mul3A_75, %add3A_387 : vector<16xi32>
      %gather3A_389 = tpu.vector_load_idx %arg7[%shift_right_arithmetic3A_69, %add3A_388] : memref<256x128xf32, #tpu.memory_space<vmem>>[vector<16xi32>, vector<16xi32>], vector<16xf32>,
      %gather3A_390 = tpu.vector_load_idx %arg8[%add3A_67, %broadcast_in_dim3A_385] : memref<512x64xf32, #tpu.memory_space<vmem>>[vector<16xi32>, vector<16xi32>], vector<16xf32>,
      %mul3A_391 = arith.mulf %gather3A_389, %gather3A_390 : vector<16xf32>
      %add3A_392 = arith.addf %add3A_379, %mul3A_391 : vector<16xf32>
      %mul3A_393 = arith.mulf %gather3A_389, %gather3A_389 : vector<16xf32>
      %add3A_394 = arith.addf %add3A_381, %mul3A_393 : vector<16xf32>
      %mul3A_395 = arith.mulf %gather3A_390, %gather3A_390 : vector<16xf32>
      %add3A_396 = arith.addf %add3A_383, %mul3A_395 : vector<16xf32>
      %broadcast_in_dim3A_397 = arith.constant 25 : i32
      %broadcast_in_dim3A_398 = vector.broadcast %broadcast_in_dim3A_397 : i32 to vector<16xi32>
      %add3A_399 = arith.constant 25 : i32
      %add3A_400 = vector.broadcast %add3A_399 : i32 to vector<16xi32>
      %add3A_401 = arith.addi %mul3A_75, %add3A_400 : vector<16xi32>
      %gather3A_402 = tpu.vector_load_idx %arg7[%shift_right_arithmetic3A_69, %add3A_401] : memref<256x128xf32, #tpu.memory_space<vmem>>[vector<16xi32>, vector<16xi32>], vector<16xf32>,
      %gather3A_403 = tpu.vector_load_idx %arg8[%add3A_67, %broadcast_in_dim3A_398] : memref<512x64xf32, #tpu.memory_space<vmem>>[vector<16xi32>, vector<16xi32>], vector<16xf32>,
      %mul3A_404 = arith.mulf %gather3A_402, %gather3A_403 : vector<16xf32>
      %add3A_405 = arith.addf %add3A_392, %mul3A_404 : vector<16xf32>
      %mul3A_406 = arith.mulf %gather3A_402, %gather3A_402 : vector<16xf32>
      %add3A_407 = arith.addf %add3A_394, %mul3A_406 : vector<16xf32>
      %mul3A_408 = arith.mulf %gather3A_403, %gather3A_403 : vector<16xf32>
      %add3A_409 = arith.addf %add3A_396, %mul3A_408 : vector<16xf32>
      %broadcast_in_dim3A_410 = arith.constant 26 : i32
      %broadcast_in_dim3A_411 = vector.broadcast %broadcast_in_dim3A_410 : i32 to vector<16xi32>
      %add3A_412 = arith.constant 26 : i32
      %add3A_413 = vector.broadcast %add3A_412 : i32 to vector<16xi32>
      %add3A_414 = arith.addi %mul3A_75, %add3A_413 : vector<16xi32>
      %gather3A_415 = tpu.vector_load_idx %arg7[%shift_right_arithmetic3A_69, %add3A_414] : memref<256x128xf32, #tpu.memory_space<vmem>>[vector<16xi32>, vector<16xi32>], vector<16xf32>,
      %gather3A_416 = tpu.vector_load_idx %arg8[%add3A_67, %broadcast_in_dim3A_411] : memref<512x64xf32, #tpu.memory_space<vmem>>[vector<16xi32>, vector<16xi32>], vector<16xf32>,
      %mul3A_417 = arith.mulf %gather3A_415, %gather3A_416 : vector<16xf32>
      %add3A_418 = arith.addf %add3A_405, %mul3A_417 : vector<16xf32>
      %mul3A_419 = arith.mulf %gather3A_415, %gather3A_415 : vector<16xf32>
      %add3A_420 = arith.addf %add3A_407, %mul3A_419 : vector<16xf32>
      %mul3A_421 = arith.mulf %gather3A_416, %gather3A_416 : vector<16xf32>
      %add3A_422 = arith.addf %add3A_409, %mul3A_421 : vector<16xf32>
      %broadcast_in_dim3A_423 = arith.constant 27 : i32
      %broadcast_in_dim3A_424 = vector.broadcast %broadcast_in_dim3A_423 : i32 to vector<16xi32>
      %add3A_425 = arith.constant 27 : i32
      %add3A_426 = vector.broadcast %add3A_425 : i32 to vector<16xi32>
      %add3A_427 = arith.addi %mul3A_75, %add3A_426 : vector<16xi32>
      %gather3A_428 = tpu.vector_load_idx %arg7[%shift_right_arithmetic3A_69, %add3A_427] : memref<256x128xf32, #tpu.memory_space<vmem>>[vector<16xi32>, vector<16xi32>], vector<16xf32>,
      %gather3A_429 = tpu.vector_load_idx %arg8[%add3A_67, %broadcast_in_dim3A_424] : memref<512x64xf32, #tpu.memory_space<vmem>>[vector<16xi32>, vector<16xi32>], vector<16xf32>,
      %mul3A_430 = arith.mulf %gather3A_428, %gather3A_429 : vector<16xf32>
      %add3A_431 = arith.addf %add3A_418, %mul3A_430 : vector<16xf32>
      %mul3A_432 = arith.mulf %gather3A_428, %gather3A_428 : vector<16xf32>
      %add3A_433 = arith.addf %add3A_420, %mul3A_432 : vector<16xf32>
      %mul3A_434 = arith.mulf %gather3A_429, %gather3A_429 : vector<16xf32>
      %add3A_435 = arith.addf %add3A_422, %mul3A_434 : vector<16xf32>
      %broadcast_in_dim3A_436 = arith.constant 28 : i32
      %broadcast_in_dim3A_437 = vector.broadcast %broadcast_in_dim3A_436 : i32 to vector<16xi32>
      %add3A_438 = arith.constant 28 : i32
      %add3A_439 = vector.broadcast %add3A_438 : i32 to vector<16xi32>
      %add3A_440 = arith.addi %mul3A_75, %add3A_439 : vector<16xi32>
      %gather3A_441 = tpu.vector_load_idx %arg7[%shift_right_arithmetic3A_69, %add3A_440] : memref<256x128xf32, #tpu.memory_space<vmem>>[vector<16xi32>, vector<16xi32>], vector<16xf32>,
      %gather3A_442 = tpu.vector_load_idx %arg8[%add3A_67, %broadcast_in_dim3A_437] : memref<512x64xf32, #tpu.memory_space<vmem>>[vector<16xi32>, vector<16xi32>], vector<16xf32>,
      %mul3A_443 = arith.mulf %gather3A_441, %gather3A_442 : vector<16xf32>
      %add3A_444 = arith.addf %add3A_431, %mul3A_443 : vector<16xf32>
      %mul3A_445 = arith.mulf %gather3A_441, %gather3A_441 : vector<16xf32>
      %add3A_446 = arith.addf %add3A_433, %mul3A_445 : vector<16xf32>
      %mul3A_447 = arith.mulf %gather3A_442, %gather3A_442 : vector<16xf32>
      %add3A_448 = arith.addf %add3A_435, %mul3A_447 : vector<16xf32>
      %broadcast_in_dim3A_449 = arith.constant 29 : i32
      %broadcast_in_dim3A_450 = vector.broadcast %broadcast_in_dim3A_449 : i32 to vector<16xi32>
      %add3A_451 = arith.constant 29 : i32
      %add3A_452 = vector.broadcast %add3A_451 : i32 to vector<16xi32>
      %add3A_453 = arith.addi %mul3A_75, %add3A_452 : vector<16xi32>
      %gather3A_454 = tpu.vector_load_idx %arg7[%shift_right_arithmetic3A_69, %add3A_453] : memref<256x128xf32, #tpu.memory_space<vmem>>[vector<16xi32>, vector<16xi32>], vector<16xf32>,
      %gather3A_455 = tpu.vector_load_idx %arg8[%add3A_67, %broadcast_in_dim3A_450] : memref<512x64xf32, #tpu.memory_space<vmem>>[vector<16xi32>, vector<16xi32>], vector<16xf32>,
      %mul3A_456 = arith.mulf %gather3A_454, %gather3A_455 : vector<16xf32>
      %add3A_457 = arith.addf %add3A_444, %mul3A_456 : vector<16xf32>
      %mul3A_458 = arith.mulf %gather3A_454, %gather3A_454 : vector<16xf32>
      %add3A_459 = arith.addf %add3A_446, %mul3A_458 : vector<16xf32>
      %mul3A_460 = arith.mulf %gather3A_455, %gather3A_455 : vector<16xf32>
      %add3A_461 = arith.addf %add3A_448, %mul3A_460 : vector<16xf32>
      %broadcast_in_dim3A_462 = arith.constant 30 : i32
      %broadcast_in_dim3A_463 = vector.broadcast %broadcast_in_dim3A_462 : i32 to vector<16xi32>
      %add3A_464 = arith.constant 30 : i32
      %add3A_465 = vector.broadcast %add3A_464 : i32 to vector<16xi32>
      %add3A_466 = arith.addi %mul3A_75, %add3A_465 : vector<16xi32>
      %gather3A_467 = tpu.vector_load_idx %arg7[%shift_right_arithmetic3A_69, %add3A_466] : memref<256x128xf32, #tpu.memory_space<vmem>>[vector<16xi32>, vector<16xi32>], vector<16xf32>,
      %gather3A_468 = tpu.vector_load_idx %arg8[%add3A_67, %broadcast_in_dim3A_463] : memref<512x64xf32, #tpu.memory_space<vmem>>[vector<16xi32>, vector<16xi32>], vector<16xf32>,
      %mul3A_469 = arith.mulf %gather3A_467, %gather3A_468 : vector<16xf32>
      %add3A_470 = arith.addf %add3A_457, %mul3A_469 : vector<16xf32>
      %mul3A_471 = arith.mulf %gather3A_467, %gather3A_467 : vector<16xf32>
      %add3A_472 = arith.addf %add3A_459, %mul3A_471 : vector<16xf32>
      %mul3A_473 = arith.mulf %gather3A_468, %gather3A_468 : vector<16xf32>
      %add3A_474 = arith.addf %add3A_461, %mul3A_473 : vector<16xf32>
      %broadcast_in_dim3A_475 = arith.constant 31 : i32
      %broadcast_in_dim3A_476 = vector.broadcast %broadcast_in_dim3A_475 : i32 to vector<16xi32>
      %add3A_477 = arith.constant 31 : i32
      %add3A_478 = vector.broadcast %add3A_477 : i32 to vector<16xi32>
      %add3A_479 = arith.addi %mul3A_75, %add3A_478 : vector<16xi32>
      %gather3A_480 = tpu.vector_load_idx %arg7[%shift_right_arithmetic3A_69, %add3A_479] : memref<256x128xf32, #tpu.memory_space<vmem>>[vector<16xi32>, vector<16xi32>], vector<16xf32>,
      %gather3A_481 = tpu.vector_load_idx %arg8[%add3A_67, %broadcast_in_dim3A_476] : memref<512x64xf32, #tpu.memory_space<vmem>>[vector<16xi32>, vector<16xi32>], vector<16xf32>,
      %mul3A_482 = arith.mulf %gather3A_480, %gather3A_481 : vector<16xf32>
      %add3A_483 = arith.addf %add3A_470, %mul3A_482 : vector<16xf32>
      %mul3A_484 = arith.mulf %gather3A_480, %gather3A_480 : vector<16xf32>
      %add3A_485 = arith.addf %add3A_472, %mul3A_484 : vector<16xf32>
      %mul3A_486 = arith.mulf %gather3A_481, %gather3A_481 : vector<16xf32>
      %add3A_487 = arith.addf %add3A_474, %mul3A_486 : vector<16xf32>
      %broadcast_in_dim3A_488 = arith.constant 32 : i32
      %broadcast_in_dim3A_489 = vector.broadcast %broadcast_in_dim3A_488 : i32 to vector<16xi32>
      %add3A_490 = arith.constant 32 : i32
      %add3A_491 = vector.broadcast %add3A_490 : i32 to vector<16xi32>
      %add3A_492 = arith.addi %mul3A_75, %add3A_491 : vector<16xi32>
      %gather3A_493 = tpu.vector_load_idx %arg7[%shift_right_arithmetic3A_69, %add3A_492] : memref<256x128xf32, #tpu.memory_space<vmem>>[vector<16xi32>, vector<16xi32>], vector<16xf32>,
      %gather3A_494 = tpu.vector_load_idx %arg8[%add3A_67, %broadcast_in_dim3A_489] : memref<512x64xf32, #tpu.memory_space<vmem>>[vector<16xi32>, vector<16xi32>], vector<16xf32>,
      %mul3A_495 = arith.mulf %gather3A_493, %gather3A_494 : vector<16xf32>
      %add3A_496 = arith.addf %add3A_483, %mul3A_495 : vector<16xf32>
      %mul3A_497 = arith.mulf %gather3A_493, %gather3A_493 : vector<16xf32>
      %add3A_498 = arith.addf %add3A_485, %mul3A_497 : vector<16xf32>
      %mul3A_499 = arith.mulf %gather3A_494, %gather3A_494 : vector<16xf32>
      %add3A_500 = arith.addf %add3A_487, %mul3A_499 : vector<16xf32>
      %broadcast_in_dim3A_501 = arith.constant 33 : i32
      %broadcast_in_dim3A_502 = vector.broadcast %broadcast_in_dim3A_501 : i32 to vector<16xi32>
      %add3A_503 = arith.constant 33 : i32
      %add3A_504 = vector.broadcast %add3A_503 : i32 to vector<16xi32>
      %add3A_505 = arith.addi %mul3A_75, %add3A_504 : vector<16xi32>
      %gather3A_506 = tpu.vector_load_idx %arg7[%shift_right_arithmetic3A_69, %add3A_505] : memref<256x128xf32, #tpu.memory_space<vmem>>[vector<16xi32>, vector<16xi32>], vector<16xf32>,
      %gather3A_507 = tpu.vector_load_idx %arg8[%add3A_67, %broadcast_in_dim3A_502] : memref<512x64xf32, #tpu.memory_space<vmem>>[vector<16xi32>, vector<16xi32>], vector<16xf32>,
      %mul3A_508 = arith.mulf %gather3A_506, %gather3A_507 : vector<16xf32>
      %add3A_509 = arith.addf %add3A_496, %mul3A_508 : vector<16xf32>
      %mul3A_510 = arith.mulf %gather3A_506, %gather3A_506 : vector<16xf32>
      %add3A_511 = arith.addf %add3A_498, %mul3A_510 : vector<16xf32>
      %mul3A_512 = arith.mulf %gather3A_507, %gather3A_507 : vector<16xf32>
      %add3A_513 = arith.addf %add3A_500, %mul3A_512 : vector<16xf32>
      %broadcast_in_dim3A_514 = arith.constant 34 : i32
      %broadcast_in_dim3A_515 = vector.broadcast %broadcast_in_dim3A_514 : i32 to vector<16xi32>
      %add3A_516 = arith.constant 34 : i32
      %add3A_517 = vector.broadcast %add3A_516 : i32 to vector<16xi32>
      %add3A_518 = arith.addi %mul3A_75, %add3A_517 : vector<16xi32>
      %gather3A_519 = tpu.vector_load_idx %arg7[%shift_right_arithmetic3A_69, %add3A_518] : memref<256x128xf32, #tpu.memory_space<vmem>>[vector<16xi32>, vector<16xi32>], vector<16xf32>,
      %gather3A_520 = tpu.vector_load_idx %arg8[%add3A_67, %broadcast_in_dim3A_515] : memref<512x64xf32, #tpu.memory_space<vmem>>[vector<16xi32>, vector<16xi32>], vector<16xf32>,
      %mul3A_521 = arith.mulf %gather3A_519, %gather3A_520 : vector<16xf32>
      %add3A_522 = arith.addf %add3A_509, %mul3A_521 : vector<16xf32>
      %mul3A_523 = arith.mulf %gather3A_519, %gather3A_519 : vector<16xf32>
      %add3A_524 = arith.addf %add3A_511, %mul3A_523 : vector<16xf32>
      %mul3A_525 = arith.mulf %gather3A_520, %gather3A_520 : vector<16xf32>
      %add3A_526 = arith.addf %add3A_513, %mul3A_525 : vector<16xf32>
      %broadcast_in_dim3A_527 = arith.constant 35 : i32
      %broadcast_in_dim3A_528 = vector.broadcast %broadcast_in_dim3A_527 : i32 to vector<16xi32>
      %add3A_529 = arith.constant 35 : i32
      %add3A_530 = vector.broadcast %add3A_529 : i32 to vector<16xi32>
      %add3A_531 = arith.addi %mul3A_75, %add3A_530 : vector<16xi32>
      %gather3A_532 = tpu.vector_load_idx %arg7[%shift_right_arithmetic3A_69, %add3A_531] : memref<256x128xf32, #tpu.memory_space<vmem>>[vector<16xi32>, vector<16xi32>], vector<16xf32>,
      %gather3A_533 = tpu.vector_load_idx %arg8[%add3A_67, %broadcast_in_dim3A_528] : memref<512x64xf32, #tpu.memory_space<vmem>>[vector<16xi32>, vector<16xi32>], vector<16xf32>,
      %mul3A_534 = arith.mulf %gather3A_532, %gather3A_533 : vector<16xf32>
      %add3A_535 = arith.addf %add3A_522, %mul3A_534 : vector<16xf32>
      %mul3A_536 = arith.mulf %gather3A_532, %gather3A_532 : vector<16xf32>
      %add3A_537 = arith.addf %add3A_524, %mul3A_536 : vector<16xf32>
      %mul3A_538 = arith.mulf %gather3A_533, %gather3A_533 : vector<16xf32>
      %add3A_539 = arith.addf %add3A_526, %mul3A_538 : vector<16xf32>
      %broadcast_in_dim3A_540 = arith.constant 36 : i32
      %broadcast_in_dim3A_541 = vector.broadcast %broadcast_in_dim3A_540 : i32 to vector<16xi32>
      %add3A_542 = arith.constant 36 : i32
      %add3A_543 = vector.broadcast %add3A_542 : i32 to vector<16xi32>
      %add3A_544 = arith.addi %mul3A_75, %add3A_543 : vector<16xi32>
      %gather3A_545 = tpu.vector_load_idx %arg7[%shift_right_arithmetic3A_69, %add3A_544] : memref<256x128xf32, #tpu.memory_space<vmem>>[vector<16xi32>, vector<16xi32>], vector<16xf32>,
      %gather3A_546 = tpu.vector_load_idx %arg8[%add3A_67, %broadcast_in_dim3A_541] : memref<512x64xf32, #tpu.memory_space<vmem>>[vector<16xi32>, vector<16xi32>], vector<16xf32>,
      %mul3A_547 = arith.mulf %gather3A_545, %gather3A_546 : vector<16xf32>
      %add3A_548 = arith.addf %add3A_535, %mul3A_547 : vector<16xf32>
      %mul3A_549 = arith.mulf %gather3A_545, %gather3A_545 : vector<16xf32>
      %add3A_550 = arith.addf %add3A_537, %mul3A_549 : vector<16xf32>
      %mul3A_551 = arith.mulf %gather3A_546, %gather3A_546 : vector<16xf32>
      %add3A_552 = arith.addf %add3A_539, %mul3A_551 : vector<16xf32>
      %broadcast_in_dim3A_553 = arith.constant 37 : i32
      %broadcast_in_dim3A_554 = vector.broadcast %broadcast_in_dim3A_553 : i32 to vector<16xi32>
      %add3A_555 = arith.constant 37 : i32
      %add3A_556 = vector.broadcast %add3A_555 : i32 to vector<16xi32>
      %add3A_557 = arith.addi %mul3A_75, %add3A_556 : vector<16xi32>
      %gather3A_558 = tpu.vector_load_idx %arg7[%shift_right_arithmetic3A_69, %add3A_557] : memref<256x128xf32, #tpu.memory_space<vmem>>[vector<16xi32>, vector<16xi32>], vector<16xf32>,
      %gather3A_559 = tpu.vector_load_idx %arg8[%add3A_67, %broadcast_in_dim3A_554] : memref<512x64xf32, #tpu.memory_space<vmem>>[vector<16xi32>, vector<16xi32>], vector<16xf32>,
      %mul3A_560 = arith.mulf %gather3A_558, %gather3A_559 : vector<16xf32>
      %add3A_561 = arith.addf %add3A_548, %mul3A_560 : vector<16xf32>
      %mul3A_562 = arith.mulf %gather3A_558, %gather3A_558 : vector<16xf32>
      %add3A_563 = arith.addf %add3A_550, %mul3A_562 : vector<16xf32>
      %mul3A_564 = arith.mulf %gather3A_559, %gather3A_559 : vector<16xf32>
      %add3A_565 = arith.addf %add3A_552, %mul3A_564 : vector<16xf32>
      %broadcast_in_dim3A_566 = arith.constant 38 : i32
      %broadcast_in_dim3A_567 = vector.broadcast %broadcast_in_dim3A_566 : i32 to vector<16xi32>
      %add3A_568 = arith.constant 38 : i32
      %add3A_569 = vector.broadcast %add3A_568 : i32 to vector<16xi32>
      %add3A_570 = arith.addi %mul3A_75, %add3A_569 : vector<16xi32>
      %gather3A_571 = tpu.vector_load_idx %arg7[%shift_right_arithmetic3A_69, %add3A_570] : memref<256x128xf32, #tpu.memory_space<vmem>>[vector<16xi32>, vector<16xi32>], vector<16xf32>,
      %gather3A_572 = tpu.vector_load_idx %arg8[%add3A_67, %broadcast_in_dim3A_567] : memref<512x64xf32, #tpu.memory_space<vmem>>[vector<16xi32>, vector<16xi32>], vector<16xf32>,
      %mul3A_573 = arith.mulf %gather3A_571, %gather3A_572 : vector<16xf32>
      %add3A_574 = arith.addf %add3A_561, %mul3A_573 : vector<16xf32>
      %mul3A_575 = arith.mulf %gather3A_571, %gather3A_571 : vector<16xf32>
      %add3A_576 = arith.addf %add3A_563, %mul3A_575 : vector<16xf32>
      %mul3A_577 = arith.mulf %gather3A_572, %gather3A_572 : vector<16xf32>
      %add3A_578 = arith.addf %add3A_565, %mul3A_577 : vector<16xf32>
      %broadcast_in_dim3A_579 = arith.constant 39 : i32
      %broadcast_in_dim3A_580 = vector.broadcast %broadcast_in_dim3A_579 : i32 to vector<16xi32>
      %add3A_581 = arith.constant 39 : i32
      %add3A_582 = vector.broadcast %add3A_581 : i32 to vector<16xi32>
      %add3A_583 = arith.addi %mul3A_75, %add3A_582 : vector<16xi32>
      %gather3A_584 = tpu.vector_load_idx %arg7[%shift_right_arithmetic3A_69, %add3A_583] : memref<256x128xf32, #tpu.memory_space<vmem>>[vector<16xi32>, vector<16xi32>], vector<16xf32>,
      %gather3A_585 = tpu.vector_load_idx %arg8[%add3A_67, %broadcast_in_dim3A_580] : memref<512x64xf32, #tpu.memory_space<vmem>>[vector<16xi32>, vector<16xi32>], vector<16xf32>,
      %mul3A_586 = arith.mulf %gather3A_584, %gather3A_585 : vector<16xf32>
      %add3A_587 = arith.addf %add3A_574, %mul3A_586 : vector<16xf32>
      %mul3A_588 = arith.mulf %gather3A_584, %gather3A_584 : vector<16xf32>
      %add3A_589 = arith.addf %add3A_576, %mul3A_588 : vector<16xf32>
      %mul3A_590 = arith.mulf %gather3A_585, %gather3A_585 : vector<16xf32>
      %add3A_591 = arith.addf %add3A_578, %mul3A_590 : vector<16xf32>
      %broadcast_in_dim3A_592 = arith.constant 40 : i32
      %broadcast_in_dim3A_593 = vector.broadcast %broadcast_in_dim3A_592 : i32 to vector<16xi32>
      %add3A_594 = arith.constant 40 : i32
      %add3A_595 = vector.broadcast %add3A_594 : i32 to vector<16xi32>
      %add3A_596 = arith.addi %mul3A_75, %add3A_595 : vector<16xi32>
      %gather3A_597 = tpu.vector_load_idx %arg7[%shift_right_arithmetic3A_69, %add3A_596] : memref<256x128xf32, #tpu.memory_space<vmem>>[vector<16xi32>, vector<16xi32>], vector<16xf32>,
      %gather3A_598 = tpu.vector_load_idx %arg8[%add3A_67, %broadcast_in_dim3A_593] : memref<512x64xf32, #tpu.memory_space<vmem>>[vector<16xi32>, vector<16xi32>], vector<16xf32>,
      %mul3A_599 = arith.mulf %gather3A_597, %gather3A_598 : vector<16xf32>
      %add3A_600 = arith.addf %add3A_587, %mul3A_599 : vector<16xf32>
      %mul3A_601 = arith.mulf %gather3A_597, %gather3A_597 : vector<16xf32>
      %add3A_602 = arith.addf %add3A_589, %mul3A_601 : vector<16xf32>
      %mul3A_603 = arith.mulf %gather3A_598, %gather3A_598 : vector<16xf32>
      %add3A_604 = arith.addf %add3A_591, %mul3A_603 : vector<16xf32>
      %broadcast_in_dim3A_605 = arith.constant 41 : i32
      %broadcast_in_dim3A_606 = vector.broadcast %broadcast_in_dim3A_605 : i32 to vector<16xi32>
      %add3A_607 = arith.constant 41 : i32
      %add3A_608 = vector.broadcast %add3A_607 : i32 to vector<16xi32>
      %add3A_609 = arith.addi %mul3A_75, %add3A_608 : vector<16xi32>
      %gather3A_610 = tpu.vector_load_idx %arg7[%shift_right_arithmetic3A_69, %add3A_609] : memref<256x128xf32, #tpu.memory_space<vmem>>[vector<16xi32>, vector<16xi32>], vector<16xf32>,
      %gather3A_611 = tpu.vector_load_idx %arg8[%add3A_67, %broadcast_in_dim3A_606] : memref<512x64xf32, #tpu.memory_space<vmem>>[vector<16xi32>, vector<16xi32>], vector<16xf32>,
      %mul3A_612 = arith.mulf %gather3A_610, %gather3A_611 : vector<16xf32>
      %add3A_613 = arith.addf %add3A_600, %mul3A_612 : vector<16xf32>
      %mul3A_614 = arith.mulf %gather3A_610, %gather3A_610 : vector<16xf32>
      %add3A_615 = arith.addf %add3A_602, %mul3A_614 : vector<16xf32>
      %mul3A_616 = arith.mulf %gather3A_611, %gather3A_611 : vector<16xf32>
      %add3A_617 = arith.addf %add3A_604, %mul3A_616 : vector<16xf32>
      %broadcast_in_dim3A_618 = arith.constant 42 : i32
      %broadcast_in_dim3A_619 = vector.broadcast %broadcast_in_dim3A_618 : i32 to vector<16xi32>
      %add3A_620 = arith.constant 42 : i32
      %add3A_621 = vector.broadcast %add3A_620 : i32 to vector<16xi32>
      %add3A_622 = arith.addi %mul3A_75, %add3A_621 : vector<16xi32>
      %gather3A_623 = tpu.vector_load_idx %arg7[%shift_right_arithmetic3A_69, %add3A_622] : memref<256x128xf32, #tpu.memory_space<vmem>>[vector<16xi32>, vector<16xi32>], vector<16xf32>,
      %gather3A_624 = tpu.vector_load_idx %arg8[%add3A_67, %broadcast_in_dim3A_619] : memref<512x64xf32, #tpu.memory_space<vmem>>[vector<16xi32>, vector<16xi32>], vector<16xf32>,
      %mul3A_625 = arith.mulf %gather3A_623, %gather3A_624 : vector<16xf32>
      %add3A_626 = arith.addf %add3A_613, %mul3A_625 : vector<16xf32>
      %mul3A_627 = arith.mulf %gather3A_623, %gather3A_623 : vector<16xf32>
      %add3A_628 = arith.addf %add3A_615, %mul3A_627 : vector<16xf32>
      %mul3A_629 = arith.mulf %gather3A_624, %gather3A_624 : vector<16xf32>
      %add3A_630 = arith.addf %add3A_617, %mul3A_629 : vector<16xf32>
      %broadcast_in_dim3A_631 = arith.constant 43 : i32
      %broadcast_in_dim3A_632 = vector.broadcast %broadcast_in_dim3A_631 : i32 to vector<16xi32>
      %add3A_633 = arith.constant 43 : i32
      %add3A_634 = vector.broadcast %add3A_633 : i32 to vector<16xi32>
      %add3A_635 = arith.addi %mul3A_75, %add3A_634 : vector<16xi32>
      %gather3A_636 = tpu.vector_load_idx %arg7[%shift_right_arithmetic3A_69, %add3A_635] : memref<256x128xf32, #tpu.memory_space<vmem>>[vector<16xi32>, vector<16xi32>], vector<16xf32>,
      %gather3A_637 = tpu.vector_load_idx %arg8[%add3A_67, %broadcast_in_dim3A_632] : memref<512x64xf32, #tpu.memory_space<vmem>>[vector<16xi32>, vector<16xi32>], vector<16xf32>,
      %mul3A_638 = arith.mulf %gather3A_636, %gather3A_637 : vector<16xf32>
      %add3A_639 = arith.addf %add3A_626, %mul3A_638 : vector<16xf32>
      %mul3A_640 = arith.mulf %gather3A_636, %gather3A_636 : vector<16xf32>
      %add3A_641 = arith.addf %add3A_628, %mul3A_640 : vector<16xf32>
      %mul3A_642 = arith.mulf %gather3A_637, %gather3A_637 : vector<16xf32>
      %add3A_643 = arith.addf %add3A_630, %mul3A_642 : vector<16xf32>
      %broadcast_in_dim3A_644 = arith.constant 44 : i32
      %broadcast_in_dim3A_645 = vector.broadcast %broadcast_in_dim3A_644 : i32 to vector<16xi32>
      %add3A_646 = arith.constant 44 : i32
      %add3A_647 = vector.broadcast %add3A_646 : i32 to vector<16xi32>
      %add3A_648 = arith.addi %mul3A_75, %add3A_647 : vector<16xi32>
      %gather3A_649 = tpu.vector_load_idx %arg7[%shift_right_arithmetic3A_69, %add3A_648] : memref<256x128xf32, #tpu.memory_space<vmem>>[vector<16xi32>, vector<16xi32>], vector<16xf32>,
      %gather3A_650 = tpu.vector_load_idx %arg8[%add3A_67, %broadcast_in_dim3A_645] : memref<512x64xf32, #tpu.memory_space<vmem>>[vector<16xi32>, vector<16xi32>], vector<16xf32>,
      %mul3A_651 = arith.mulf %gather3A_649, %gather3A_650 : vector<16xf32>
      %add3A_652 = arith.addf %add3A_639, %mul3A_651 : vector<16xf32>
      %mul3A_653 = arith.mulf %gather3A_649, %gather3A_649 : vector<16xf32>
      %add3A_654 = arith.addf %add3A_641, %mul3A_653 : vector<16xf32>
      %mul3A_655 = arith.mulf %gather3A_650, %gather3A_650 : vector<16xf32>
      %add3A_656 = arith.addf %add3A_643, %mul3A_655 : vector<16xf32>
      %broadcast_in_dim3A_657 = arith.constant 45 : i32
      %broadcast_in_dim3A_658 = vector.broadcast %broadcast_in_dim3A_657 : i32 to vector<16xi32>
      %add3A_659 = arith.constant 45 : i32
      %add3A_660 = vector.broadcast %add3A_659 : i32 to vector<16xi32>
      %add3A_661 = arith.addi %mul3A_75, %add3A_660 : vector<16xi32>
      %gather3A_662 = tpu.vector_load_idx %arg7[%shift_right_arithmetic3A_69, %add3A_661] : memref<256x128xf32, #tpu.memory_space<vmem>>[vector<16xi32>, vector<16xi32>], vector<16xf32>,
      %gather3A_663 = tpu.vector_load_idx %arg8[%add3A_67, %broadcast_in_dim3A_658] : memref<512x64xf32, #tpu.memory_space<vmem>>[vector<16xi32>, vector<16xi32>], vector<16xf32>,
      %mul3A_664 = arith.mulf %gather3A_662, %gather3A_663 : vector<16xf32>
      %add3A_665 = arith.addf %add3A_652, %mul3A_664 : vector<16xf32>
      %mul3A_666 = arith.mulf %gather3A_662, %gather3A_662 : vector<16xf32>
      %add3A_667 = arith.addf %add3A_654, %mul3A_666 : vector<16xf32>
      %mul3A_668 = arith.mulf %gather3A_663, %gather3A_663 : vector<16xf32>
      %add3A_669 = arith.addf %add3A_656, %mul3A_668 : vector<16xf32>
      %broadcast_in_dim3A_670 = arith.constant 46 : i32
      %broadcast_in_dim3A_671 = vector.broadcast %broadcast_in_dim3A_670 : i32 to vector<16xi32>
      %add3A_672 = arith.constant 46 : i32
      %add3A_673 = vector.broadcast %add3A_672 : i32 to vector<16xi32>
      %add3A_674 = arith.addi %mul3A_75, %add3A_673 : vector<16xi32>
      %gather3A_675 = tpu.vector_load_idx %arg7[%shift_right_arithmetic3A_69, %add3A_674] : memref<256x128xf32, #tpu.memory_space<vmem>>[vector<16xi32>, vector<16xi32>], vector<16xf32>,
      %gather3A_676 = tpu.vector_load_idx %arg8[%add3A_67, %broadcast_in_dim3A_671] : memref<512x64xf32, #tpu.memory_space<vmem>>[vector<16xi32>, vector<16xi32>], vector<16xf32>,
      %mul3A_677 = arith.mulf %gather3A_675, %gather3A_676 : vector<16xf32>
      %add3A_678 = arith.addf %add3A_665, %mul3A_677 : vector<16xf32>
      %mul3A_679 = arith.mulf %gather3A_675, %gather3A_675 : vector<16xf32>
      %add3A_680 = arith.addf %add3A_667, %mul3A_679 : vector<16xf32>
      %mul3A_681 = arith.mulf %gather3A_676, %gather3A_676 : vector<16xf32>
      %add3A_682 = arith.addf %add3A_669, %mul3A_681 : vector<16xf32>
      %broadcast_in_dim3A_683 = arith.constant 47 : i32
      %broadcast_in_dim3A_684 = vector.broadcast %broadcast_in_dim3A_683 : i32 to vector<16xi32>
      %add3A_685 = arith.constant 47 : i32
      %add3A_686 = vector.broadcast %add3A_685 : i32 to vector<16xi32>
      %add3A_687 = arith.addi %mul3A_75, %add3A_686 : vector<16xi32>
      %gather3A_688 = tpu.vector_load_idx %arg7[%shift_right_arithmetic3A_69, %add3A_687] : memref<256x128xf32, #tpu.memory_space<vmem>>[vector<16xi32>, vector<16xi32>], vector<16xf32>,
      %gather3A_689 = tpu.vector_load_idx %arg8[%add3A_67, %broadcast_in_dim3A_684] : memref<512x64xf32, #tpu.memory_space<vmem>>[vector<16xi32>, vector<16xi32>], vector<16xf32>,
      %mul3A_690 = arith.mulf %gather3A_688, %gather3A_689 : vector<16xf32>
      %add3A_691 = arith.addf %add3A_678, %mul3A_690 : vector<16xf32>
      %mul3A_692 = arith.mulf %gather3A_688, %gather3A_688 : vector<16xf32>
      %add3A_693 = arith.addf %add3A_680, %mul3A_692 : vector<16xf32>
      %mul3A_694 = arith.mulf %gather3A_689, %gather3A_689 : vector<16xf32>
      %add3A_695 = arith.addf %add3A_682, %mul3A_694 : vector<16xf32>
      %broadcast_in_dim3A_696 = arith.constant 48 : i32
      %broadcast_in_dim3A_697 = vector.broadcast %broadcast_in_dim3A_696 : i32 to vector<16xi32>
      %add3A_698 = arith.constant 48 : i32
      %add3A_699 = vector.broadcast %add3A_698 : i32 to vector<16xi32>
      %add3A_700 = arith.addi %mul3A_75, %add3A_699 : vector<16xi32>
      %gather3A_701 = tpu.vector_load_idx %arg7[%shift_right_arithmetic3A_69, %add3A_700] : memref<256x128xf32, #tpu.memory_space<vmem>>[vector<16xi32>, vector<16xi32>], vector<16xf32>,
      %gather3A_702 = tpu.vector_load_idx %arg8[%add3A_67, %broadcast_in_dim3A_697] : memref<512x64xf32, #tpu.memory_space<vmem>>[vector<16xi32>, vector<16xi32>], vector<16xf32>,
      %mul3A_703 = arith.mulf %gather3A_701, %gather3A_702 : vector<16xf32>
      %add3A_704 = arith.addf %add3A_691, %mul3A_703 : vector<16xf32>
      %mul3A_705 = arith.mulf %gather3A_701, %gather3A_701 : vector<16xf32>
      %add3A_706 = arith.addf %add3A_693, %mul3A_705 : vector<16xf32>
      %mul3A_707 = arith.mulf %gather3A_702, %gather3A_702 : vector<16xf32>
      %add3A_708 = arith.addf %add3A_695, %mul3A_707 : vector<16xf32>
      %broadcast_in_dim3A_709 = arith.constant 49 : i32
      %broadcast_in_dim3A_710 = vector.broadcast %broadcast_in_dim3A_709 : i32 to vector<16xi32>
      %add3A_711 = arith.constant 49 : i32
      %add3A_712 = vector.broadcast %add3A_711 : i32 to vector<16xi32>
      %add3A_713 = arith.addi %mul3A_75, %add3A_712 : vector<16xi32>
      %gather3A_714 = tpu.vector_load_idx %arg7[%shift_right_arithmetic3A_69, %add3A_713] : memref<256x128xf32, #tpu.memory_space<vmem>>[vector<16xi32>, vector<16xi32>], vector<16xf32>,
      %gather3A_715 = tpu.vector_load_idx %arg8[%add3A_67, %broadcast_in_dim3A_710] : memref<512x64xf32, #tpu.memory_space<vmem>>[vector<16xi32>, vector<16xi32>], vector<16xf32>,
      %mul3A_716 = arith.mulf %gather3A_714, %gather3A_715 : vector<16xf32>
      %add3A_717 = arith.addf %add3A_704, %mul3A_716 : vector<16xf32>
      %mul3A_718 = arith.mulf %gather3A_714, %gather3A_714 : vector<16xf32>
      %add3A_719 = arith.addf %add3A_706, %mul3A_718 : vector<16xf32>
      %mul3A_720 = arith.mulf %gather3A_715, %gather3A_715 : vector<16xf32>
      %add3A_721 = arith.addf %add3A_708, %mul3A_720 : vector<16xf32>
      %broadcast_in_dim3A_722 = arith.constant 50 : i32
      %broadcast_in_dim3A_723 = vector.broadcast %broadcast_in_dim3A_722 : i32 to vector<16xi32>
      %add3A_724 = arith.constant 50 : i32
      %add3A_725 = vector.broadcast %add3A_724 : i32 to vector<16xi32>
      %add3A_726 = arith.addi %mul3A_75, %add3A_725 : vector<16xi32>
      %gather3A_727 = tpu.vector_load_idx %arg7[%shift_right_arithmetic3A_69, %add3A_726] : memref<256x128xf32, #tpu.memory_space<vmem>>[vector<16xi32>, vector<16xi32>], vector<16xf32>,
      %gather3A_728 = tpu.vector_load_idx %arg8[%add3A_67, %broadcast_in_dim3A_723] : memref<512x64xf32, #tpu.memory_space<vmem>>[vector<16xi32>, vector<16xi32>], vector<16xf32>,
      %mul3A_729 = arith.mulf %gather3A_727, %gather3A_728 : vector<16xf32>
      %add3A_730 = arith.addf %add3A_717, %mul3A_729 : vector<16xf32>
      %mul3A_731 = arith.mulf %gather3A_727, %gather3A_727 : vector<16xf32>
      %add3A_732 = arith.addf %add3A_719, %mul3A_731 : vector<16xf32>
      %mul3A_733 = arith.mulf %gather3A_728, %gather3A_728 : vector<16xf32>
      %add3A_734 = arith.addf %add3A_721, %mul3A_733 : vector<16xf32>
      %broadcast_in_dim3A_735 = arith.constant 51 : i32
      %broadcast_in_dim3A_736 = vector.broadcast %broadcast_in_dim3A_735 : i32 to vector<16xi32>
      %add3A_737 = arith.constant 51 : i32
      %add3A_738 = vector.broadcast %add3A_737 : i32 to vector<16xi32>
      %add3A_739 = arith.addi %mul3A_75, %add3A_738 : vector<16xi32>
      %gather3A_740 = tpu.vector_load_idx %arg7[%shift_right_arithmetic3A_69, %add3A_739] : memref<256x128xf32, #tpu.memory_space<vmem>>[vector<16xi32>, vector<16xi32>], vector<16xf32>,
      %gather3A_741 = tpu.vector_load_idx %arg8[%add3A_67, %broadcast_in_dim3A_736] : memref<512x64xf32, #tpu.memory_space<vmem>>[vector<16xi32>, vector<16xi32>], vector<16xf32>,
      %mul3A_742 = arith.mulf %gather3A_740, %gather3A_741 : vector<16xf32>
      %add3A_743 = arith.addf %add3A_730, %mul3A_742 : vector<16xf32>
      %mul3A_744 = arith.mulf %gather3A_740, %gather3A_740 : vector<16xf32>
      %add3A_745 = arith.addf %add3A_732, %mul3A_744 : vector<16xf32>
      %mul3A_746 = arith.mulf %gather3A_741, %gather3A_741 : vector<16xf32>
      %add3A_747 = arith.addf %add3A_734, %mul3A_746 : vector<16xf32>
      %broadcast_in_dim3A_748 = arith.constant 52 : i32
      %broadcast_in_dim3A_749 = vector.broadcast %broadcast_in_dim3A_748 : i32 to vector<16xi32>
      %add3A_750 = arith.constant 52 : i32
      %add3A_751 = vector.broadcast %add3A_750 : i32 to vector<16xi32>
      %add3A_752 = arith.addi %mul3A_75, %add3A_751 : vector<16xi32>
      %gather3A_753 = tpu.vector_load_idx %arg7[%shift_right_arithmetic3A_69, %add3A_752] : memref<256x128xf32, #tpu.memory_space<vmem>>[vector<16xi32>, vector<16xi32>], vector<16xf32>,
      %gather3A_754 = tpu.vector_load_idx %arg8[%add3A_67, %broadcast_in_dim3A_749] : memref<512x64xf32, #tpu.memory_space<vmem>>[vector<16xi32>, vector<16xi32>], vector<16xf32>,
      %mul3A_755 = arith.mulf %gather3A_753, %gather3A_754 : vector<16xf32>
      %add3A_756 = arith.addf %add3A_743, %mul3A_755 : vector<16xf32>
      %mul3A_757 = arith.mulf %gather3A_753, %gather3A_753 : vector<16xf32>
      %add3A_758 = arith.addf %add3A_745, %mul3A_757 : vector<16xf32>
      %mul3A_759 = arith.mulf %gather3A_754, %gather3A_754 : vector<16xf32>
      %add3A_760 = arith.addf %add3A_747, %mul3A_759 : vector<16xf32>
      %broadcast_in_dim3A_761 = arith.constant 53 : i32
      %broadcast_in_dim3A_762 = vector.broadcast %broadcast_in_dim3A_761 : i32 to vector<16xi32>
      %add3A_763 = arith.constant 53 : i32
      %add3A_764 = vector.broadcast %add3A_763 : i32 to vector<16xi32>
      %add3A_765 = arith.addi %mul3A_75, %add3A_764 : vector<16xi32>
      %gather3A_766 = tpu.vector_load_idx %arg7[%shift_right_arithmetic3A_69, %add3A_765] : memref<256x128xf32, #tpu.memory_space<vmem>>[vector<16xi32>, vector<16xi32>], vector<16xf32>,
      %gather3A_767 = tpu.vector_load_idx %arg8[%add3A_67, %broadcast_in_dim3A_762] : memref<512x64xf32, #tpu.memory_space<vmem>>[vector<16xi32>, vector<16xi32>], vector<16xf32>,
      %mul3A_768 = arith.mulf %gather3A_766, %gather3A_767 : vector<16xf32>
      %add3A_769 = arith.addf %add3A_756, %mul3A_768 : vector<16xf32>
      %mul3A_770 = arith.mulf %gather3A_766, %gather3A_766 : vector<16xf32>
      %add3A_771 = arith.addf %add3A_758, %mul3A_770 : vector<16xf32>
      %mul3A_772 = arith.mulf %gather3A_767, %gather3A_767 : vector<16xf32>
      %add3A_773 = arith.addf %add3A_760, %mul3A_772 : vector<16xf32>
      %broadcast_in_dim3A_774 = arith.constant 54 : i32
      %broadcast_in_dim3A_775 = vector.broadcast %broadcast_in_dim3A_774 : i32 to vector<16xi32>
      %add3A_776 = arith.constant 54 : i32
      %add3A_777 = vector.broadcast %add3A_776 : i32 to vector<16xi32>
      %add3A_778 = arith.addi %mul3A_75, %add3A_777 : vector<16xi32>
      %gather3A_779 = tpu.vector_load_idx %arg7[%shift_right_arithmetic3A_69, %add3A_778] : memref<256x128xf32, #tpu.memory_space<vmem>>[vector<16xi32>, vector<16xi32>], vector<16xf32>,
      %gather3A_780 = tpu.vector_load_idx %arg8[%add3A_67, %broadcast_in_dim3A_775] : memref<512x64xf32, #tpu.memory_space<vmem>>[vector<16xi32>, vector<16xi32>], vector<16xf32>,
      %mul3A_781 = arith.mulf %gather3A_779, %gather3A_780 : vector<16xf32>
      %add3A_782 = arith.addf %add3A_769, %mul3A_781 : vector<16xf32>
      %mul3A_783 = arith.mulf %gather3A_779, %gather3A_779 : vector<16xf32>
      %add3A_784 = arith.addf %add3A_771, %mul3A_783 : vector<16xf32>
      %mul3A_785 = arith.mulf %gather3A_780, %gather3A_780 : vector<16xf32>
      %add3A_786 = arith.addf %add3A_773, %mul3A_785 : vector<16xf32>
      %broadcast_in_dim3A_787 = arith.constant 55 : i32
      %broadcast_in_dim3A_788 = vector.broadcast %broadcast_in_dim3A_787 : i32 to vector<16xi32>
      %add3A_789 = arith.constant 55 : i32
      %add3A_790 = vector.broadcast %add3A_789 : i32 to vector<16xi32>
      %add3A_791 = arith.addi %mul3A_75, %add3A_790 : vector<16xi32>
      %gather3A_792 = tpu.vector_load_idx %arg7[%shift_right_arithmetic3A_69, %add3A_791] : memref<256x128xf32, #tpu.memory_space<vmem>>[vector<16xi32>, vector<16xi32>], vector<16xf32>,
      %gather3A_793 = tpu.vector_load_idx %arg8[%add3A_67, %broadcast_in_dim3A_788] : memref<512x64xf32, #tpu.memory_space<vmem>>[vector<16xi32>, vector<16xi32>], vector<16xf32>,
      %mul3A_794 = arith.mulf %gather3A_792, %gather3A_793 : vector<16xf32>
      %add3A_795 = arith.addf %add3A_782, %mul3A_794 : vector<16xf32>
      %mul3A_796 = arith.mulf %gather3A_792, %gather3A_792 : vector<16xf32>
      %add3A_797 = arith.addf %add3A_784, %mul3A_796 : vector<16xf32>
      %mul3A_798 = arith.mulf %gather3A_793, %gather3A_793 : vector<16xf32>
      %add3A_799 = arith.addf %add3A_786, %mul3A_798 : vector<16xf32>
      %broadcast_in_dim3A_800 = arith.constant 56 : i32
      %broadcast_in_dim3A_801 = vector.broadcast %broadcast_in_dim3A_800 : i32 to vector<16xi32>
      %add3A_802 = arith.constant 56 : i32
      %add3A_803 = vector.broadcast %add3A_802 : i32 to vector<16xi32>
      %add3A_804 = arith.addi %mul3A_75, %add3A_803 : vector<16xi32>
      %gather3A_805 = tpu.vector_load_idx %arg7[%shift_right_arithmetic3A_69, %add3A_804] : memref<256x128xf32, #tpu.memory_space<vmem>>[vector<16xi32>, vector<16xi32>], vector<16xf32>,
      %gather3A_806 = tpu.vector_load_idx %arg8[%add3A_67, %broadcast_in_dim3A_801] : memref<512x64xf32, #tpu.memory_space<vmem>>[vector<16xi32>, vector<16xi32>], vector<16xf32>,
      %mul3A_807 = arith.mulf %gather3A_805, %gather3A_806 : vector<16xf32>
      %add3A_808 = arith.addf %add3A_795, %mul3A_807 : vector<16xf32>
      %mul3A_809 = arith.mulf %gather3A_805, %gather3A_805 : vector<16xf32>
      %add3A_810 = arith.addf %add3A_797, %mul3A_809 : vector<16xf32>
      %mul3A_811 = arith.mulf %gather3A_806, %gather3A_806 : vector<16xf32>
      %add3A_812 = arith.addf %add3A_799, %mul3A_811 : vector<16xf32>
      %broadcast_in_dim3A_813 = arith.constant 57 : i32
      %broadcast_in_dim3A_814 = vector.broadcast %broadcast_in_dim3A_813 : i32 to vector<16xi32>
      %add3A_815 = arith.constant 57 : i32
      %add3A_816 = vector.broadcast %add3A_815 : i32 to vector<16xi32>
      %add3A_817 = arith.addi %mul3A_75, %add3A_816 : vector<16xi32>
      %gather3A_818 = tpu.vector_load_idx %arg7[%shift_right_arithmetic3A_69, %add3A_817] : memref<256x128xf32, #tpu.memory_space<vmem>>[vector<16xi32>, vector<16xi32>], vector<16xf32>,
      %gather3A_819 = tpu.vector_load_idx %arg8[%add3A_67, %broadcast_in_dim3A_814] : memref<512x64xf32, #tpu.memory_space<vmem>>[vector<16xi32>, vector<16xi32>], vector<16xf32>,
      %mul3A_820 = arith.mulf %gather3A_818, %gather3A_819 : vector<16xf32>
      %add3A_821 = arith.addf %add3A_808, %mul3A_820 : vector<16xf32>
      %mul3A_822 = arith.mulf %gather3A_818, %gather3A_818 : vector<16xf32>
      %add3A_823 = arith.addf %add3A_810, %mul3A_822 : vector<16xf32>
      %mul3A_824 = arith.mulf %gather3A_819, %gather3A_819 : vector<16xf32>
      %add3A_825 = arith.addf %add3A_812, %mul3A_824 : vector<16xf32>
      %broadcast_in_dim3A_826 = arith.constant 58 : i32
      %broadcast_in_dim3A_827 = vector.broadcast %broadcast_in_dim3A_826 : i32 to vector<16xi32>
      %add3A_828 = arith.constant 58 : i32
      %add3A_829 = vector.broadcast %add3A_828 : i32 to vector<16xi32>
      %add3A_830 = arith.addi %mul3A_75, %add3A_829 : vector<16xi32>
      %gather3A_831 = tpu.vector_load_idx %arg7[%shift_right_arithmetic3A_69, %add3A_830] : memref<256x128xf32, #tpu.memory_space<vmem>>[vector<16xi32>, vector<16xi32>], vector<16xf32>,
      %gather3A_832 = tpu.vector_load_idx %arg8[%add3A_67, %broadcast_in_dim3A_827] : memref<512x64xf32, #tpu.memory_space<vmem>>[vector<16xi32>, vector<16xi32>], vector<16xf32>,
      %mul3A_833 = arith.mulf %gather3A_831, %gather3A_832 : vector<16xf32>
      %add3A_834 = arith.addf %add3A_821, %mul3A_833 : vector<16xf32>
      %mul3A_835 = arith.mulf %gather3A_831, %gather3A_831 : vector<16xf32>
      %add3A_836 = arith.addf %add3A_823, %mul3A_835 : vector<16xf32>
      %mul3A_837 = arith.mulf %gather3A_832, %gather3A_832 : vector<16xf32>
      %add3A_838 = arith.addf %add3A_825, %mul3A_837 : vector<16xf32>
      %broadcast_in_dim3A_839 = arith.constant 59 : i32
      %broadcast_in_dim3A_840 = vector.broadcast %broadcast_in_dim3A_839 : i32 to vector<16xi32>
      %add3A_841 = arith.constant 59 : i32
      %add3A_842 = vector.broadcast %add3A_841 : i32 to vector<16xi32>
      %add3A_843 = arith.addi %mul3A_75, %add3A_842 : vector<16xi32>
      %gather3A_844 = tpu.vector_load_idx %arg7[%shift_right_arithmetic3A_69, %add3A_843] : memref<256x128xf32, #tpu.memory_space<vmem>>[vector<16xi32>, vector<16xi32>], vector<16xf32>,
      %gather3A_845 = tpu.vector_load_idx %arg8[%add3A_67, %broadcast_in_dim3A_840] : memref<512x64xf32, #tpu.memory_space<vmem>>[vector<16xi32>, vector<16xi32>], vector<16xf32>,
      %mul3A_846 = arith.mulf %gather3A_844, %gather3A_845 : vector<16xf32>
      %add3A_847 = arith.addf %add3A_834, %mul3A_846 : vector<16xf32>
      %mul3A_848 = arith.mulf %gather3A_844, %gather3A_844 : vector<16xf32>
      %add3A_849 = arith.addf %add3A_836, %mul3A_848 : vector<16xf32>
      %mul3A_850 = arith.mulf %gather3A_845, %gather3A_845 : vector<16xf32>
      %add3A_851 = arith.addf %add3A_838, %mul3A_850 : vector<16xf32>
      %broadcast_in_dim3A_852 = arith.constant 60 : i32
      %broadcast_in_dim3A_853 = vector.broadcast %broadcast_in_dim3A_852 : i32 to vector<16xi32>
      %add3A_854 = arith.constant 60 : i32
      %add3A_855 = vector.broadcast %add3A_854 : i32 to vector<16xi32>
      %add3A_856 = arith.addi %mul3A_75, %add3A_855 : vector<16xi32>
      %gather3A_857 = tpu.vector_load_idx %arg7[%shift_right_arithmetic3A_69, %add3A_856] : memref<256x128xf32, #tpu.memory_space<vmem>>[vector<16xi32>, vector<16xi32>], vector<16xf32>,
      %gather3A_858 = tpu.vector_load_idx %arg8[%add3A_67, %broadcast_in_dim3A_853] : memref<512x64xf32, #tpu.memory_space<vmem>>[vector<16xi32>, vector<16xi32>], vector<16xf32>,
      %mul3A_859 = arith.mulf %gather3A_857, %gather3A_858 : vector<16xf32>
      %add3A_860 = arith.addf %add3A_847, %mul3A_859 : vector<16xf32>
      %mul3A_861 = arith.mulf %gather3A_857, %gather3A_857 : vector<16xf32>
      %add3A_862 = arith.addf %add3A_849, %mul3A_861 : vector<16xf32>
      %mul3A_863 = arith.mulf %gather3A_858, %gather3A_858 : vector<16xf32>
      %add3A_864 = arith.addf %add3A_851, %mul3A_863 : vector<16xf32>
      %broadcast_in_dim3A_865 = arith.constant 61 : i32
      %broadcast_in_dim3A_866 = vector.broadcast %broadcast_in_dim3A_865 : i32 to vector<16xi32>
      %add3A_867 = arith.constant 61 : i32
      %add3A_868 = vector.broadcast %add3A_867 : i32 to vector<16xi32>
      %add3A_869 = arith.addi %mul3A_75, %add3A_868 : vector<16xi32>
      %gather3A_870 = tpu.vector_load_idx %arg7[%shift_right_arithmetic3A_69, %add3A_869] : memref<256x128xf32, #tpu.memory_space<vmem>>[vector<16xi32>, vector<16xi32>], vector<16xf32>,
      %gather3A_871 = tpu.vector_load_idx %arg8[%add3A_67, %broadcast_in_dim3A_866] : memref<512x64xf32, #tpu.memory_space<vmem>>[vector<16xi32>, vector<16xi32>], vector<16xf32>,
      %mul3A_872 = arith.mulf %gather3A_870, %gather3A_871 : vector<16xf32>
      %add3A_873 = arith.addf %add3A_860, %mul3A_872 : vector<16xf32>
      %mul3A_874 = arith.mulf %gather3A_870, %gather3A_870 : vector<16xf32>
      %add3A_875 = arith.addf %add3A_862, %mul3A_874 : vector<16xf32>
      %mul3A_876 = arith.mulf %gather3A_871, %gather3A_871 : vector<16xf32>
      %add3A_877 = arith.addf %add3A_864, %mul3A_876 : vector<16xf32>
      %broadcast_in_dim3A_878 = arith.constant 62 : i32
      %broadcast_in_dim3A_879 = vector.broadcast %broadcast_in_dim3A_878 : i32 to vector<16xi32>
      %add3A_880 = arith.constant 62 : i32
      %add3A_881 = vector.broadcast %add3A_880 : i32 to vector<16xi32>
      %add3A_882 = arith.addi %mul3A_75, %add3A_881 : vector<16xi32>
      %gather3A_883 = tpu.vector_load_idx %arg7[%shift_right_arithmetic3A_69, %add3A_882] : memref<256x128xf32, #tpu.memory_space<vmem>>[vector<16xi32>, vector<16xi32>], vector<16xf32>,
      %gather3A_884 = tpu.vector_load_idx %arg8[%add3A_67, %broadcast_in_dim3A_879] : memref<512x64xf32, #tpu.memory_space<vmem>>[vector<16xi32>, vector<16xi32>], vector<16xf32>,
      %mul3A_885 = arith.mulf %gather3A_883, %gather3A_884 : vector<16xf32>
      %add3A_886 = arith.addf %add3A_873, %mul3A_885 : vector<16xf32>
      %mul3A_887 = arith.mulf %gather3A_883, %gather3A_883 : vector<16xf32>
      %add3A_888 = arith.addf %add3A_875, %mul3A_887 : vector<16xf32>
      %mul3A_889 = arith.mulf %gather3A_884, %gather3A_884 : vector<16xf32>
      %add3A_890 = arith.addf %add3A_877, %mul3A_889 : vector<16xf32>
      %broadcast_in_dim3A_891 = arith.constant 63 : i32
      %broadcast_in_dim3A_892 = vector.broadcast %broadcast_in_dim3A_891 : i32 to vector<16xi32>
      %add3A_893 = arith.constant 63 : i32
      %add3A_894 = vector.broadcast %add3A_893 : i32 to vector<16xi32>
      %add3A_895 = arith.addi %mul3A_75, %add3A_894 : vector<16xi32>
      %gather3A_896 = tpu.vector_load_idx %arg7[%shift_right_arithmetic3A_69, %add3A_895] : memref<256x128xf32, #tpu.memory_space<vmem>>[vector<16xi32>, vector<16xi32>], vector<16xf32>,
      %gather3A_897 = tpu.vector_load_idx %arg8[%add3A_67, %broadcast_in_dim3A_892] : memref<512x64xf32, #tpu.memory_space<vmem>>[vector<16xi32>, vector<16xi32>], vector<16xf32>,
      %mul3A_898 = arith.mulf %gather3A_896, %gather3A_897 : vector<16xf32>
      %add3A_899 = arith.addf %add3A_886, %mul3A_898 : vector<16xf32>
      %mul3A_900 = arith.mulf %gather3A_896, %gather3A_896 : vector<16xf32>
      %add3A_901 = arith.addf %add3A_888, %mul3A_900 : vector<16xf32>
      %mul3A_902 = arith.mulf %gather3A_897, %gather3A_897 : vector<16xf32>
      %add3A_903 = arith.addf %add3A_890, %mul3A_902 : vector<16xf32>
      %max3A = arith.constant 1.000000e-24 : f32
      %max3A_904 = vector.broadcast %max3A : f32 to vector<16xf32>
      %max3A_905 = arith.maximumf %add3A_901, %max3A_904 : vector<16xf32>
      %bitcast3A = vector.bitcast %max3A_905 : vector<16xf32> to vector<16xi32>
      %shift_right_arithmetic3A_906 = arith.constant 1 : i32
      %shift_right_arithmetic3A_907 = vector.broadcast %shift_right_arithmetic3A_906 : i32 to vector<16xi32>
      %shift_right_arithmetic3A_908 = arith.shrsi %bitcast3A, %shift_right_arithmetic3A_907 : vector<16xi32>
      %sub3A_909 = arith.constant 1597463007 : i32
      %sub3A_910 = vector.broadcast %sub3A_909 : i32 to vector<16xi32>
      %sub3A_911 = arith.subi %sub3A_910, %shift_right_arithmetic3A_908 : vector<16xi32>
      %bitcast3A_912 = vector.bitcast %sub3A_911 : vector<16xi32> to vector<16xf32>
      %mul3A_913 = arith.constant 5.000000e-01 : f32
      %mul3A_914 = vector.broadcast %mul3A_913 : f32 to vector<16xf32>
      %mul3A_915 = arith.mulf %mul3A_914, %max3A_905 : vector<16xf32>
      %mul3A_916 = arith.mulf %mul3A_915, %bitcast3A_912 : vector<16xf32>
      %mul3A_917 = arith.mulf %mul3A_916, %bitcast3A_912 : vector<16xf32>
      %sub3A_918 = arith.constant 1.500000e+00 : f32
      %sub3A_919 = vector.broadcast %sub3A_918 : f32 to vector<16xf32>
      %sub3A_920 = arith.subf %sub3A_919, %mul3A_917 : vector<16xf32>
      %mul3A_921 = arith.mulf %bitcast3A_912, %sub3A_920 : vector<16xf32>
      %mul3A_922 = arith.constant 5.000000e-01 : f32
      %mul3A_923 = vector.broadcast %mul3A_922 : f32 to vector<16xf32>
      %mul3A_924 = arith.mulf %mul3A_923, %max3A_905 : vector<16xf32>
      %mul3A_925 = arith.mulf %mul3A_924, %mul3A_921 : vector<16xf32>
      %mul3A_926 = arith.mulf %mul3A_925, %mul3A_921 : vector<16xf32>
      %sub3A_927 = arith.constant 1.500000e+00 : f32
      %sub3A_928 = vector.broadcast %sub3A_927 : f32 to vector<16xf32>
      %sub3A_929 = arith.subf %sub3A_928, %mul3A_926 : vector<16xf32>
      %mul3A_930 = arith.mulf %mul3A_921, %sub3A_929 : vector<16xf32>
      %mul3A_931 = arith.constant 5.000000e-01 : f32
      %mul3A_932 = vector.broadcast %mul3A_931 : f32 to vector<16xf32>
      %mul3A_933 = arith.mulf %mul3A_932, %max3A_905 : vector<16xf32>
      %mul3A_934 = arith.mulf %mul3A_933, %mul3A_930 : vector<16xf32>
      %mul3A_935 = arith.mulf %mul3A_934, %mul3A_930 : vector<16xf32>
      %sub3A_936 = arith.constant 1.500000e+00 : f32
      %sub3A_937 = vector.broadcast %sub3A_936 : f32 to vector<16xf32>
      %sub3A_938 = arith.subf %sub3A_937, %mul3A_935 : vector<16xf32>
      %mul3A_939 = arith.mulf %mul3A_930, %sub3A_938 : vector<16xf32>
      %max3A_940 = arith.constant 1.000000e-24 : f32
      %max3A_941 = vector.broadcast %max3A_940 : f32 to vector<16xf32>
      %max3A_942 = arith.maximumf %add3A_903, %max3A_941 : vector<16xf32>
      %bitcast3A_943 = vector.bitcast %max3A_942 : vector<16xf32> to vector<16xi32>
      %shift_right_arithmetic3A_944 = arith.constant 1 : i32
      %shift_right_arithmetic3A_945 = vector.broadcast %shift_right_arithmetic3A_944 : i32 to vector<16xi32>
      %shift_right_arithmetic3A_946 = arith.shrsi %bitcast3A_943, %shift_right_arithmetic3A_945 : vector<16xi32>
      %sub3A_947 = arith.constant 1597463007 : i32
      %sub3A_948 = vector.broadcast %sub3A_947 : i32 to vector<16xi32>
      %sub3A_949 = arith.subi %sub3A_948, %shift_right_arithmetic3A_946 : vector<16xi32>
      %bitcast3A_950 = vector.bitcast %sub3A_949 : vector<16xi32> to vector<16xf32>
      %mul3A_951 = arith.constant 5.000000e-01 : f32
      %mul3A_952 = vector.broadcast %mul3A_951 : f32 to vector<16xf32>
      %mul3A_953 = arith.mulf %mul3A_952, %max3A_942 : vector<16xf32>
      %mul3A_954 = arith.mulf %mul3A_953, %bitcast3A_950 : vector<16xf32>
      %mul3A_955 = arith.mulf %mul3A_954, %bitcast3A_950 : vector<16xf32>
      %sub3A_956 = arith.constant 1.500000e+00 : f32
      %sub3A_957 = vector.broadcast %sub3A_956 : f32 to vector<16xf32>
      %sub3A_958 = arith.subf %sub3A_957, %mul3A_955 : vector<16xf32>
      %mul3A_959 = arith.mulf %bitcast3A_950, %sub3A_958 : vector<16xf32>
      %mul3A_960 = arith.constant 5.000000e-01 : f32
      %mul3A_961 = vector.broadcast %mul3A_960 : f32 to vector<16xf32>
      %mul3A_962 = arith.mulf %mul3A_961, %max3A_942 : vector<16xf32>
      %mul3A_963 = arith.mulf %mul3A_962, %mul3A_959 : vector<16xf32>
      %mul3A_964 = arith.mulf %mul3A_963, %mul3A_959 : vector<16xf32>
      %sub3A_965 = arith.constant 1.500000e+00 : f32
      %sub3A_966 = vector.broadcast %sub3A_965 : f32 to vector<16xf32>
      %sub3A_967 = arith.subf %sub3A_966, %mul3A_964 : vector<16xf32>
      %mul3A_968 = arith.mulf %mul3A_959, %sub3A_967 : vector<16xf32>
      %mul3A_969 = arith.constant 5.000000e-01 : f32
      %mul3A_970 = vector.broadcast %mul3A_969 : f32 to vector<16xf32>
      %mul3A_971 = arith.mulf %mul3A_970, %max3A_942 : vector<16xf32>
      %mul3A_972 = arith.mulf %mul3A_971, %mul3A_968 : vector<16xf32>
      %mul3A_973 = arith.mulf %mul3A_972, %mul3A_968 : vector<16xf32>
      %sub3A_974 = arith.constant 1.500000e+00 : f32
      %sub3A_975 = vector.broadcast %sub3A_974 : f32 to vector<16xf32>
      %sub3A_976 = arith.subf %sub3A_975, %mul3A_973 : vector<16xf32>
      %mul3A_977 = arith.mulf %mul3A_968, %sub3A_976 : vector<16xf32>
      %mul3A_978 = arith.mulf %add3A_899, %mul3A_939 : vector<16xf32>
      %mul3A_979 = arith.mulf %mul3A_978, %mul3A_977 : vector<16xf32>
      %max3A_980 = arith.constant -1.000000e+00 : f32
      %max3A_981 = vector.broadcast %max3A_980 : f32 to vector<16xf32>
      %max3A_982 = arith.maximumf %mul3A_979, %max3A_981 : vector<16xf32>
      %min3A = arith.constant 1.000000e+00 : f32
      %min3A_983 = vector.broadcast %min3A : f32 to vector<16xf32>
      %min3A_984 = arith.minimumf %max3A_982, %min3A_983 : vector<16xf32>
      %sub3A_985 = arith.constant 1.000000e+00 : f32
      %sub3A_986 = vector.broadcast %sub3A_985 : f32 to vector<16xf32>
      %sub3A_987 = arith.subf %sub3A_986, %min3A_984 : vector<16xf32>
      %add3A_988 = arith.addf %scan3A_63, %sub3A_987 : vector<16xf32>
      scf.yield %add3A_988 : vector<16xf32>
    }
    %scan3A_49 = arith.constant 32 : i32
    %mul3A_50 = arith.constant 6.10351563E-5 : f32
    %mul3A_51 = vector.broadcast %mul3A_50 : f32 to vector<16xf32>
    %mul3A_52 = arith.mulf %scan3A_48, %mul3A_51 : vector<16xf32>
    %swap3A = arith.constant 0 : i32
    %swap3A_53 = arith.index_cast %swap3A : i32 to index
    %swap3A_54 = arith.constant 0 : index
    %swap3A_55 = tpu.vector_load %arg9[%swap3A_53, %swap3A_54] {strides = array<i32>} : memref<8x128xf32, #tpu.memory_space<vmem>>, vector<16xf32>,
    tpu.vector_store %arg9[%swap3A_53, %swap3A_54], %mul3A_52 {strides = array<i32>} : memref<8x128xf32, #tpu.memory_space<vmem>>, vector<16xf32>,
    %mul3A_56 = arith.constant 8 : i32
    %mul3A_57 = arith.muli %arg1, %mul3A_56 : i32
    %multiple_of3A_58 = tpu.assume_multiple %mul3A_57, 8 : i32
    "tpu.region"() ({
      %run_scoped3A = tpu.sem_alloc : memref<!tpu.dma_semaphore, #tpu.memory_space<semaphore_mem>>
      %dma_start3A = arith.constant 0 : i32
      %dma_start3A_62 = tpu.memref_slice %arg11[%multiple_of3A_58, %dma_start3A] : memref<128x128xf32, #tpu.memory_space<vmem_shared>> -> memref<8x128xf32, #tpu.memory_space<vmem_shared>>
      %dma_start3A_63 = arith.constant 0 : i32
      %dma_start3A_64 = tpu.memref_slice %arg11[%multiple_of3A_58, %dma_start3A_63] : memref<128x128xf32, #tpu.memory_space<vmem_shared>> -> memref<8x128xf32, #tpu.memory_space<vmem_shared>>
      tpu.enqueue_dma source(%arg9 : memref<8x128xf32, #tpu.memory_space<vmem>>) target(%dma_start3A_64 : memref<8x128xf32, #tpu.memory_space<vmem_shared>>) target_semaphore(%run_scoped3A : memref<!tpu.dma_semaphore, #tpu.memory_space<semaphore_mem>>)
      %dma_wait3A = arith.constant 0 : i32
      %dma_wait3A_65 = tpu.memref_slice %arg11[%multiple_of3A_58, %dma_wait3A] : memref<128x128xf32, #tpu.memory_space<vmem_shared>> -> memref<8x128xf32, #tpu.memory_space<vmem_shared>>
      %dma_wait3A_66 = arith.constant 0 : i32
      %dma_wait3A_67 = tpu.memref_slice %arg11[%multiple_of3A_58, %dma_wait3A_66] : memref<128x128xf32, #tpu.memory_space<vmem_shared>> -> memref<8x128xf32, #tpu.memory_space<vmem_shared>>
      tpu.wait_dma2 semaphore(%run_scoped3A : memref<!tpu.dma_semaphore, #tpu.memory_space<semaphore_mem>>) src(%arg9 : memref<8x128xf32, #tpu.memory_space<vmem>>) dst(%dma_wait3A_67 : memref<8x128xf32, #tpu.memory_space<vmem_shared>>)
      tpu.yield
    }) : () -> ()
    %barrier3A = arith.constant 0 : index
    tpu.barrier barrier_id(%barrier3A)
    %eq3A_59 = arith.constant 0 : i32
    %eq3A_60 = arith.cmpi eq, %arg1, %eq3A_59 : i32
    %convert_element_type3A = arith.extui %eq3A_60 : i1 to i32
    %cond3A = arith.constant 0 : i32
    %cond3A_61 = arith.cmpi ne, %convert_element_type3A, %cond3A : i32
    scf.if %cond3A_61 {
      "tpu.region"() ({
        %run_scoped3A = tpu.sem_alloc : memref<!tpu.dma_semaphore, #tpu.memory_space<semaphore_mem>>
        tpu.enqueue_dma source(%arg11 : memref<128x128xf32, #tpu.memory_space<vmem_shared>>) target(%arg10 : memref<128x128xf32, #tpu.memory_space<vmem>>) target_semaphore(%run_scoped3A : memref<!tpu.dma_semaphore, #tpu.memory_space<semaphore_mem>>)
        tpu.wait_dma2 semaphore(%run_scoped3A : memref<!tpu.dma_semaphore, #tpu.memory_space<semaphore_mem>>) src(%arg11 : memref<128x128xf32, #tpu.memory_space<vmem_shared>>) dst(%arg10 : memref<128x128xf32, #tpu.memory_space<vmem>>)
        tpu.yield
      }) : () -> ()
      %get3A = arith.constant 0 : i32
      %get3A_62 = arith.index_cast %get3A : i32 to index
      %get3A_63 = arith.constant 0 : index
      %get3A_64 = tpu.vector_load %arg10[%get3A_62, %get3A_63] {strides = array<i32>} : memref<128x128xf32, #tpu.memory_space<vmem>>, vector<16xf32>,
      %get3A_65 = arith.constant 8 : i32
      %get3A_66 = arith.index_cast %get3A_65 : i32 to index
      %get3A_67 = arith.constant 0 : index
      %get3A_68 = tpu.vector_load %arg10[%get3A_66, %get3A_67] {strides = array<i32>} : memref<128x128xf32, #tpu.memory_space<vmem>>, vector<16xf32>,
      %add3A_69 = arith.addf %get3A_64, %get3A_68 : vector<16xf32>
      %get3A_70 = arith.constant 16 : i32
      %get3A_71 = arith.index_cast %get3A_70 : i32 to index
      %get3A_72 = arith.constant 0 : index
      %get3A_73 = tpu.vector_load %arg10[%get3A_71, %get3A_72] {strides = array<i32>} : memref<128x128xf32, #tpu.memory_space<vmem>>, vector<16xf32>,
      %add3A_74 = arith.addf %add3A_69, %get3A_73 : vector<16xf32>
      %get3A_75 = arith.constant 24 : i32
      %get3A_76 = arith.index_cast %get3A_75 : i32 to index
      %get3A_77 = arith.constant 0 : index
      %get3A_78 = tpu.vector_load %arg10[%get3A_76, %get3A_77] {strides = array<i32>} : memref<128x128xf32, #tpu.memory_space<vmem>>, vector<16xf32>,
      %add3A_79 = arith.addf %add3A_74, %get3A_78 : vector<16xf32>
      %get3A_80 = arith.constant 32 : i32
      %get3A_81 = arith.index_cast %get3A_80 : i32 to index
      %get3A_82 = arith.constant 0 : index
      %get3A_83 = tpu.vector_load %arg10[%get3A_81, %get3A_82] {strides = array<i32>} : memref<128x128xf32, #tpu.memory_space<vmem>>, vector<16xf32>,
      %add3A_84 = arith.addf %add3A_79, %get3A_83 : vector<16xf32>
      %get3A_85 = arith.constant 40 : i32
      %get3A_86 = arith.index_cast %get3A_85 : i32 to index
      %get3A_87 = arith.constant 0 : index
      %get3A_88 = tpu.vector_load %arg10[%get3A_86, %get3A_87] {strides = array<i32>} : memref<128x128xf32, #tpu.memory_space<vmem>>, vector<16xf32>,
      %add3A_89 = arith.addf %add3A_84, %get3A_88 : vector<16xf32>
      %get3A_90 = arith.constant 48 : i32
      %get3A_91 = arith.index_cast %get3A_90 : i32 to index
      %get3A_92 = arith.constant 0 : index
      %get3A_93 = tpu.vector_load %arg10[%get3A_91, %get3A_92] {strides = array<i32>} : memref<128x128xf32, #tpu.memory_space<vmem>>, vector<16xf32>,
      %add3A_94 = arith.addf %add3A_89, %get3A_93 : vector<16xf32>
      %get3A_95 = arith.constant 56 : i32
      %get3A_96 = arith.index_cast %get3A_95 : i32 to index
      %get3A_97 = arith.constant 0 : index
      %get3A_98 = tpu.vector_load %arg10[%get3A_96, %get3A_97] {strides = array<i32>} : memref<128x128xf32, #tpu.memory_space<vmem>>, vector<16xf32>,
      %add3A_99 = arith.addf %add3A_94, %get3A_98 : vector<16xf32>
      %get3A_100 = arith.constant 64 : i32
      %get3A_101 = arith.index_cast %get3A_100 : i32 to index
      %get3A_102 = arith.constant 0 : index
      %get3A_103 = tpu.vector_load %arg10[%get3A_101, %get3A_102] {strides = array<i32>} : memref<128x128xf32, #tpu.memory_space<vmem>>, vector<16xf32>,
      %add3A_104 = arith.addf %add3A_99, %get3A_103 : vector<16xf32>
      %get3A_105 = arith.constant 72 : i32
      %get3A_106 = arith.index_cast %get3A_105 : i32 to index
      %get3A_107 = arith.constant 0 : index
      %get3A_108 = tpu.vector_load %arg10[%get3A_106, %get3A_107] {strides = array<i32>} : memref<128x128xf32, #tpu.memory_space<vmem>>, vector<16xf32>,
      %add3A_109 = arith.addf %add3A_104, %get3A_108 : vector<16xf32>
      %get3A_110 = arith.constant 80 : i32
      %get3A_111 = arith.index_cast %get3A_110 : i32 to index
      %get3A_112 = arith.constant 0 : index
      %get3A_113 = tpu.vector_load %arg10[%get3A_111, %get3A_112] {strides = array<i32>} : memref<128x128xf32, #tpu.memory_space<vmem>>, vector<16xf32>,
      %add3A_114 = arith.addf %add3A_109, %get3A_113 : vector<16xf32>
      %get3A_115 = arith.constant 88 : i32
      %get3A_116 = arith.index_cast %get3A_115 : i32 to index
      %get3A_117 = arith.constant 0 : index
      %get3A_118 = tpu.vector_load %arg10[%get3A_116, %get3A_117] {strides = array<i32>} : memref<128x128xf32, #tpu.memory_space<vmem>>, vector<16xf32>,
      %add3A_119 = arith.addf %add3A_114, %get3A_118 : vector<16xf32>
      %get3A_120 = arith.constant 96 : i32
      %get3A_121 = arith.index_cast %get3A_120 : i32 to index
      %get3A_122 = arith.constant 0 : index
      %get3A_123 = tpu.vector_load %arg10[%get3A_121, %get3A_122] {strides = array<i32>} : memref<128x128xf32, #tpu.memory_space<vmem>>, vector<16xf32>,
      %add3A_124 = arith.addf %add3A_119, %get3A_123 : vector<16xf32>
      %get3A_125 = arith.constant 104 : i32
      %get3A_126 = arith.index_cast %get3A_125 : i32 to index
      %get3A_127 = arith.constant 0 : index
      %get3A_128 = tpu.vector_load %arg10[%get3A_126, %get3A_127] {strides = array<i32>} : memref<128x128xf32, #tpu.memory_space<vmem>>, vector<16xf32>,
      %add3A_129 = arith.addf %add3A_124, %get3A_128 : vector<16xf32>
      %get3A_130 = arith.constant 112 : i32
      %get3A_131 = arith.index_cast %get3A_130 : i32 to index
      %get3A_132 = arith.constant 0 : index
      %get3A_133 = tpu.vector_load %arg10[%get3A_131, %get3A_132] {strides = array<i32>} : memref<128x128xf32, #tpu.memory_space<vmem>>, vector<16xf32>,
      %add3A_134 = arith.addf %add3A_129, %get3A_133 : vector<16xf32>
      %get3A_135 = arith.constant 120 : i32
      %get3A_136 = arith.index_cast %get3A_135 : i32 to index
      %get3A_137 = arith.constant 0 : index
      %get3A_138 = tpu.vector_load %arg10[%get3A_136, %get3A_137] {strides = array<i32>} : memref<128x128xf32, #tpu.memory_space<vmem>>, vector<16xf32>,
      %add3A_139 = arith.addf %add3A_134, %get3A_138 : vector<16xf32>
      %reduce_sum3A = arith.constant true
      %reduce_sum3A_140 = vector.broadcast %reduce_sum3A : i1 to vector<16xi1>
      %reduce_sum3A_141 = tpu.scan <sum>, %add3A_139 masked %reduce_sum3A_140 : vector<16xf32>, vector<16xi1> -> vector<16xf32>
      %reduce_sum3A_142 = vector.extract %reduce_sum3A_141[15] : f32 from vector<16xf32>
      %broadcast_in_dim3A_143 = vector.broadcast %reduce_sum3A_142 : f32 to vector<16xf32>
      %swap3A_144 = arith.constant 0 : i32
      %swap3A_145 = arith.index_cast %swap3A_144 : i32 to index
      %swap3A_146 = arith.constant 0 : index
      %swap3A_147 = tpu.vector_load %arg9[%swap3A_145, %swap3A_146] {strides = array<i32>} : memref<8x128xf32, #tpu.memory_space<vmem>>, vector<16xf32>,
      tpu.vector_store %arg9[%swap3A_145, %swap3A_146], %broadcast_in_dim3A_143 {strides = array<i32>} : memref<8x128xf32, #tpu.memory_space<vmem>>, vector<16xf32>,
      %mul3A_148 = arith.constant 8 : i32
      %mul3A_149 = arith.muli %arg0, %mul3A_148 : i32
      %multiple_of3A_150 = tpu.assume_multiple %mul3A_149, 8 : i32
      "tpu.region"() ({
        %run_scoped3A = tpu.sem_alloc : memref<!tpu.dma_semaphore, #tpu.memory_space<semaphore_mem>>
        %dma_start3A = arith.constant 0 : i32
        %dma_start3A_151 = tpu.memref_slice %arg5[%multiple_of3A_150, %dma_start3A] : memref<16x128xf32, #tpu.memory_space<hbm>> -> memref<8x128xf32, #tpu.memory_space<hbm>>
        %dma_start3A_152 = arith.constant 0 : i32
        %dma_start3A_153 = tpu.memref_slice %arg5[%multiple_of3A_150, %dma_start3A_152] : memref<16x128xf32, #tpu.memory_space<hbm>> -> memref<8x128xf32, #tpu.memory_space<hbm>>
        tpu.enqueue_dma source(%arg9 : memref<8x128xf32, #tpu.memory_space<vmem>>) target(%dma_start3A_153 : memref<8x128xf32, #tpu.memory_space<hbm>>) target_semaphore(%run_scoped3A : memref<!tpu.dma_semaphore, #tpu.memory_space<semaphore_mem>>)
        %dma_wait3A = arith.constant 0 : i32
        %dma_wait3A_154 = tpu.memref_slice %arg5[%multiple_of3A_150, %dma_wait3A] : memref<16x128xf32, #tpu.memory_space<hbm>> -> memref<8x128xf32, #tpu.memory_space<hbm>>
        %dma_wait3A_155 = arith.constant 0 : i32
        %dma_wait3A_156 = tpu.memref_slice %arg5[%multiple_of3A_150, %dma_wait3A_155] : memref<16x128xf32, #tpu.memory_space<hbm>> -> memref<8x128xf32, #tpu.memory_space<hbm>>
        tpu.wait_dma2 semaphore(%run_scoped3A : memref<!tpu.dma_semaphore, #tpu.memory_space<semaphore_mem>>) src(%arg9 : memref<8x128xf32, #tpu.memory_space<vmem>>) dst(%dma_wait3A_156 : memref<8x128xf32, #tpu.memory_space<hbm>>)
        tpu.yield
      }) : () -> ()
    } else {
    }
    return
  }
}

</mosaic_0001>

<sc_bundles>
// kernel: kernel.3.cloned.1.call-start
scs
__scs_entry_jumppad:
0x0: {  	(pc) =	sbr.rel $0x88, $3  }
0x1: {  	(tag) =	ssettag $0x0;
	lr =	simm.s32 $0x1  }
0x2: {  	[smem:$0x3F9E] =	sst lr;
	_ =	strace $0xD0000000  }
0x3: {  	_ = 	snop  }
0x4: {  	_ = 	snop  }
0x5: {  	_ = 	snop  }
0x6: {  	_ = 	snop  }
0x7: {  	_ = 	snop  }
__scs_overlays_trampoline_lowered:
0x8: {  	[smem:$0x3FAD] =	sst s0  }
0x9: {  	[smem:$0x3FAE] =	sst s1  }
0xa: {  	[smem:$0x3FAF] =	sst s2  }
0xb: {  	[smem:$0x3FB0] =	sst s3  }
0xc: {  	[smem:$0x3FB1] =	sst s4  }
0xd: {  	[smem:$0x3FB2] =	sst s5  }
0xe: {  	[smem:$0x3FB3] =	sst s6  }
0xf: {  	[smem:$0x3FB4] =	sst s7  }
0x10: {  	[smem:$0x3FB5] =	sst s8  }
0x11: {  	[smem:$0x3FB6] =	sst s9;
	s0 =	simm.s32 @!p0 $0x0  }
0x12: {  	s1 =	sld [smem:$0x3F9C];
	s0 =	simm.s32 @p0 $0x1  }
0x13: {  	[smem:$0x3FB7] =	sst s0;
	s0 =	simm.s32 @!p1 $0x0  }
0x14: {  	s2 =	sld [smem:$0x3F9B];
	s0 =	simm.s32 @p1 $0x1  }
0x15: {  	[smem:$0x3FB8] =	sst s0;
	s0 =	simm.s32 @!p2 $0x0  }
0x16: {  	s3 =	sld [smem:$0x3FDB];
	s0 =	simm.s32 @p2 $0x1  }
0x17: {  	s4 =	simm.s32 $0x1BF5;
	[smem:$0x3FBA] =	sst s0  }
0x18: {  	s0 =	sld [smem:$0x3F9D];
	_ =	swait.ge [sflag:s4], $0x0  }
0x19: {  	s7 =	sld [smem:$0x3F9E]  }
0x1a: {  	s8 =	sadd.s32 $0xFFFFE003, lr  }
0x1b: {  	s9 =	sadd.s32 $0xFFFFFEF7, lr;
	s5 =	simm.s32 $0xFFFFFFFF;
	p2 =	slt.u32 s8, $0xFFFFF086  }
0x1c: {  	p1 =	slt.u32 s9, $0xF7A;
	s5 =	simm.s32 @!p2 $0x0  }
0x1d: {  	s5 =	simm.s32 @p1 $0x1;
	p0 =	seq.s32 s7, s2  }
0x1e: {  	s7 =	smul.u32 @!p0 $0xF7A, s2;
	p2 =	seq.s32 @!p0 s5, $0x0  }
0x1f: {  	s9 =	smul.u32 $0xF7A, s1;
	s8 =	simm.s32 @!p0 $0x1BF5;
	p2 =	por !p2, p0  }
0x20: {  	[sflag:s8] =	ssyncset.s32 @!p0 $0xFFFFF086;
	s6 =	sadd.s32 @!p0 s3, s7;
	s7 =	simm.s32 @!p0 $0x108  }
0x21: {  	s3 =	sadd.s32 s3, s9;
	s6 =	sadd.s32 @!p0 $0x88, s6;
	s7 =	simm.s32 @p2 $0x1082  }
0x22: {  	[simem:s7], [sflag:s8] =	dma.local @!p0 [hbm:s6], $0xF7A  }
0x23: {  	s9 =	sor.u32 $0xD0000000, s2;
	s6 =	simm.s32 $0x108;
	_ =	swait.ge @!p0 [sflag:s8], $0x0  }
0x24: {  	s3 =	sadd.s32 $0x88, s3;
	s6 =	simm.s32 @!p1 $0x1082;
	[sflag:s4] =	ssyncset.s32 $0xFFFFF086  }
0x25: {  	[simem:s6], [sflag:s4] =	dma.local [hbm:s3], $0xF7A  }
0x26: {  	[smem:$0x3F9E] =	sst s1;
	(tag) =	ssettag s2;
	_ =	strace s9  }
0x27: {  	s1 =	sld [smem:$0x3FAE]  }
0x28: {  	s2 =	sld [smem:$0x3FAF]  }
0x29: {  	s4 =	sld [smem:$0x3FB1]  }
0x2a: {  	p0 =	seq.s32 s5, $0x0;
	s5 =	sld [smem:$0x3FB2]  }
0x2b: {  	s6 =	sld [smem:$0x3FB3]  }
0x2c: {  	s7 =	sld [smem:$0x3FB4]  }
0x2d: {  	s3 =	simm.s32 $0x108;
	s8 =	sld [smem:$0x3FB5]  }
0x2e: {  	s3 =	simm.s32 @!p0 $0x1082;
	s9 =	sld [smem:$0x3FB6]  }
0x2f: {  	lr =	sadd.s32 s0, s3;
	s0 =	sld [smem:$0x3FAD]  }
0x30: {  	s3 =	sld [smem:$0x3FB0]  }
0x31: {  	[smem:$0x3FB9] =	sst s10  }
0x32: {  	s10 =	sld [smem:$0x3FB7];
	_ =	sdelay $0x3  }
0x33: {  	p0 =	seq.s32 s10, $0x1;
	s10 =	sld [smem:$0x3FB9];
	_ =	sdelay $0x3  }
0x34: {  	[smem:$0x3FB9] =	sst s10  }
0x35: {  	s10 =	sld [smem:$0x3FB8];
	_ =	sdelay $0x3  }
0x36: {  	p1 =	seq.s32 s10, $0x1;
	s10 =	sld [smem:$0x3FB9];
	_ =	sdelay $0x3  }
0x37: {  	[smem:$0x3FB9] =	sst s10  }
0x38: {  	s10 =	sld [smem:$0x3FBA]  }
0x39: {  	_ = 	snop;
	(pc) =	sbr.ind lr, $3  }
0x3a: {  	_ = 	snop  }
0x3b: {  	_ = 	snop  }
0x3c: {  	p2 =	seq.s32 s10, $0x1;
	s10 =	sld [smem:$0x3FB9]  }
0x3d: {  	_ =	shalt  }
0x3e: {  	_ =	shalt  }
0x3f: {  	_ =	shalt  }
0x40: {  	_ =	shalt  }
0x41: {  	_ =	shalt  }
0x42: {  	_ =	shalt  }
0x43: {  	_ =	shalt  }
0x44: {  	_ =	shalt  }
0x45: {  	_ =	shalt  }
0x46: {  	_ =	shalt  }
0x47: {  	_ =	shalt  }
0x48: {  	_ =	shalt  }
0x49: {  	_ =	shalt  }
0x4a: {  	_ =	shalt  }
0x4b: {  	_ =	shalt  }
0x4c: {  	_ =	shalt  }
0x4d: {  	_ =	shalt  }
0x4e: {  	_ =	shalt  }
0x4f: {  	_ =	shalt  }
0x50: {  	_ =	shalt  }
0x51: {  	_ =	shalt  }
0x52: {  	_ =	shalt  }
0x53: {  	_ =	shalt  }
0x54: {  	_ =	shalt  }
0x55: {  	_ =	shalt  }
0x56: {  	_ =	shalt  }
0x57: {  	_ =	shalt  }
0x58: {  	_ =	shalt  }
0x59: {  	_ =	shalt  }
0x5a: {  	_ =	shalt  }
0x5b: {  	_ =	shalt  }
0x5c: {  	_ =	shalt  }
0x5d: {  	_ =	shalt  }
0x5e: {  	_ =	shalt  }
0x5f: {  	_ =	shalt  }
0x60: {  	_ =	shalt  }
0x61: {  	_ =	shalt  }
0x62: {  	_ =	shalt  }
0x63: {  	_ =	shalt  }
0x64: {  	_ =	shalt  }
0x65: {  	_ =	shalt  }
0x66: {  	_ =	shalt  }
0x67: {  	_ =	shalt  }
0x68: {  	_ =	shalt  }
0x69: {  	_ =	shalt  }
0x6a: {  	_ =	shalt  }
0x6b: {  	_ =	shalt  }
0x6c: {  	_ =	shalt  }
0x6d: {  	_ =	shalt  }
0x6e: {  	_ =	shalt  }
0x6f: {  	_ =	shalt  }
0x70: {  	_ =	shalt  }
0x71: {  	_ =	shalt  }
0x72: {  	_ =	shalt  }
0x73: {  	_ =	shalt  }
0x74: {  	_ =	shalt  }
0x75: {  	_ =	shalt  }
0x76: {  	_ =	shalt  }
0x77: {  	_ =	shalt  }
0x78: {  	_ =	shalt  }
0x79: {  	_ =	shalt  }
0x7a: {  	_ =	shalt  }
0x7b: {  	_ =	shalt  }
0x7c: {  	_ =	shalt  }
0x7d: {  	_ =	shalt  }
0x7e: {  	_ =	shalt  }
0x7f: {  	_ =	shalt  }
0x80: {  	_ =	shalt  }
0x81: {  	_ =	shalt  }
0x82: {  	_ =	shalt  }
0x83: {  	_ =	shalt  }
0x84: {  	_ =	shalt  }
0x85: {  	_ =	shalt  }
0x86: {  	_ =	shalt  }
0x87: {  	_ =	shalt  }
.Lfunc_end0:
.L_simem_size_0:
called_computation_lowered:
.L_overlay_start_0:
0x88: {  	s2 =	sld [smem:$0x3FD9]  }
0x89: {  	s3 =	sld [smem:$0x3FFE];
	_ =	sdelay $0x1  }
0x8a: {  	s1 =	srdreg.scid  }
0x8b: {  	s0 =	sand.u32 $0x1, s1  }
0x8c: {  	s17 =	sshll.u32 s0, $0xA;
	s2 =	sadd.s32 s3, s2  }
0x8d: {  	s2 =	sadd.s32 s2, s17  }
0x8e: {  	[smem:$0x3FC5] =	sst s2  }
0x8f: {  	_ = 	snop  }
0x90: {  	s2 =	sld [smem:$0x3FC8];
	(tm) =	ssettm $0x1  }
0x91: {  	s18 =	sld [smem:$0x3FFB];
	_ =	sdelay $0x3  }
0x92: {  	_ =	strace s18  }
0x93: {  	s3 =	sld [smem:$0x3FFC];
	_ =	sdelay $0x3  }
0x94: {  	_ =	strace s3  }
0x95: {  	s3 =	sld [smem:$0x3FFD];
	_ =	sdelay $0x3  }
0x96: {  	_ =	strace s3  }
0x97: {  	_ =	strace $0x8FFFFFFF  }
0x98: {  	s19 =	sld [smem:$0x3FDB];
	_ =	sdelay $0x1  }
0x99: {  	s4 =	simm.s32 $_scs_section_size  }
0x9a: {  	s5 =	simm.s32 $_size__tile_overlayer_lowered;
	s6 =	simm.s32 $_tile_overlayer_lowered  }
0x9b: {  	s22 =	simm.s32 $0x1BFF;
	s21 =	sshll.u32 s6, $0x1;
	s3 =	sadd.s32 s4, s19  }
0x9c: {  	s7 =	simm.s32 $0x0;
	s20 =	sshll.u32 s5, $0x1;
	s5 =	sadd.s32 s21, s3  }
0x9d: {  	[timem:s7], [sflag:s22] =	dma.local [hbm:s5], s20  }
0x9e: {  	_ =	swait.ge [sflag:s22], s20  }
0x9f: {  	s4 =	ssub.s32 $0x0, s20;
	[sflag:s22] =	ssyncset.done $0x0  }
0xa0: {  	[sflag:s22] =	ssyncadd.s32 s4;
	_ =	sdelay $0x1  }
0xa1: {  	s23 =	simm.s32 $0x1B8B  }
0xa2: {  	_ =	swait.ge [sflag:s23], $0x1  }
0xa3: {  	[sflag:s23] =	ssyncset.done $0x0  }
0xa4: {  	s25 =	simm.s32 $0x1B8E;
	s24 =	sld [smem:$0x3FFE];
	[sflag:s23] =	ssyncadd.s32 $0xFFFFFFFF  }
0xa5: {  	s26 =	simm.s32 $execute0_lowered;
	[smem:$0x3FD2] =	sst s25  }
0xa6: {  	s5 =	sshll.u32 s26, $0x1;
	_ =	strace $0x80000046;
	[dreg:$0x1] =	wrdreg $0xFFFFFFFF  }
0xa7: {  	s28 =	simm.s32 $_size_execute0_lowered;
	s3 =	sadd.s32 s3, s5;
	[dreg:$0x0] =	wrdreg $0x0  }
0xa8: {  	s5 =	sshll.u32 s28, $0x1;
	[dreg:$0x2] =	wrdreg s3  }
0xa9: {  	[dreg:$0x3] =	wrdreg s5  }
0xaa: {  	[dreg:$0x4] =	wrdreg $0xC0  }
0xab: {  	_ =	task [dreg:s7], $0x5FFFF  }
0xac: {  	[dreg:$0x1] =	wrdreg $0xFFFFFFFF  }
0xad: {  	[dreg:$0x0] =	wrdreg $0x60  }
0xae: {  	[dreg:$0x2] =	wrdreg s24  }
0xaf: {  	[dreg:$0x3] =	wrdreg s2  }
0xb0: {  	[dreg:$0x4] =	wrdreg $0x1C8000  }
0xb1: {  	[dreg:$0x5] =	wrdreg $0x9  }
0xb2: {  	_ =	task.clear_ibuf [dreg:s7], $0x6FFFF;
	_ =	strace $0x90000046  }
0xb3: {  	s29 =	simm.s32 $0x9;
	_ =	strace $0x80000048  }
0xb4: {  	_ =	swait.ge [sflag:s29], $0x1  }
0xb5: {  	[sflag:s29] =	ssyncadd.s32 $0xFFFFFFFF  }
0xb6: {  	_ =	strace $0x90000048  }
0xb7: {  	_ =	sfence  }
0xb8: {  	s30 =	sld [smem:$0x0];
	_ =	sdelay $0x2  }
0xb9: {  	s31 =	sshll.u32 s1, $0xD;
	s1 =	sshrl.u32 s1, $0x2  }
0xba: {  	s3 =	sand.u32 $0x4000, s31;
	s1 =	sadd.s32 s1, s30  }
0xbb: {  	s0 =	sor.u32 s3, s0;
	s1 =	sshll.u32 s1, $0x11  }
0xbc: {  	s0 =	sor.u32 s1, s0  }
0xbd: {  	s0 =	sadd.s32 $0x8F2B, s0  }
0xbe: {  	[sflag:s0] =	ssyncadd.remote.s32 $0x1  }
0xbf: {  	_ =	sfence.sel $0xFFFF  }
0xc0: {  	[dreg:$0x0] =	wrdreg $0xFFFFFFFF;
	(pc) =	sbr.abs _section_cstart, $3  }
0xc1: {  	[dreg:$0x1] =	wrdreg $0xFFFFFFFF  }
0xc2: {  	_ =	task.clear_ibuf [dreg:s7], $0x2FFFF;
	_ =	strace $0x9FFFFFFF  }
0xc3: {  	(tm) =	ssettm $0x7FFFFFFF  }
tec
execute0_lowered:
.L_overlay_start_1:
0x0: {  	(tag) =	ssettag $0x1  }
0x1: {  	v2 =	vlaneseq.u32  }
0x2: {  	v17 =	vand.u32 $0x1, v2  }
0x3: {  	v0 =	vimm.s32 $0x2;
	vm0 =	vcmask $0x1F00;
	v47 =	vmul.u32 $0x40, v17  }
0x4: {  	s5 =	rddreg [dreg:$0x0];
	v0 =	vsel vm0, $0x0, v0;
	vm0 =	vcmask $0x2F20  }
0x5: {  	s6 =	rddreg [dreg:$0x1];
	s2 =	simm.s32 $0x0;
	v13 =	vsel vm0, $0x1, v0;
	v0 =	vor.u32 $0x5, v47  }
0x6: {  	[smem:$0x7FF] =	sst s2;
	v20 =	vor.u32 $0x14, v47;
	[tilespmem:$0x1FD70] =	vst v0  }
0x7: {  	s25 =	rddreg [dreg:$0x2];
	v21 =	vor.u32 $0x15, v47;
	_ =	strace $0x80000047;
	[tilespmem:$0x1FD80] =	vst v20  }
0x8: {  	v22 =	vor.u32 $0x18, v47;
	[tilespmem:$0x1FD90] =	vst v21  }
0x9: {  	v23 =	vor.u32 $0x19, v47;
	[tilespmem:$0x1FDA0] =	vst v22  }
0xa: {  	v24 =	vor.u32 $0x1A, v47;
	[tilespmem:$0x1FDB0] =	vst v23  }
0xb: {  	v25 =	vor.u32 $0x1B, v47;
	[tilespmem:$0x1FDC0] =	vst v24  }
0xc: {  	v26 =	vor.u32 $0x1C, v47;
	[tilespmem:$0x1FDD0] =	vst v25  }
0xd: {  	v27 =	vor.u32 $0x1F, v47;
	[tilespmem:$0x1FDE0] =	vst v26  }
0xe: {  	v28 =	vor.u32 $0x20, v47;
	[tilespmem:$0x1FDF0] =	vst v27  }
0xf: {  	v29 =	vor.u32 $0x21, v47;
	[tilespmem:$0x1FE00] =	vst v28  }
0x10: {  	v30 =	vor.u32 $0x22, v47;
	[tilespmem:$0x1FE10] =	vst v29  }
0x11: {  	v31 =	vor.u32 $0x23, v47;
	[tilespmem:$0x1FE20] =	vst v30  }
0x12: {  	v32 =	vor.u32 $0x24, v47;
	[tilespmem:$0x1FE30] =	vst v31  }
0x13: {  	v33 =	vor.u32 $0x25, v47;
	[tilespmem:$0x1FE40] =	vst v32  }
0x14: {  	v34 =	vor.u32 $0x27, v47;
	[tilespmem:$0x1FE50] =	vst v33  }
0x15: {  	v35 =	vor.u32 $0x28, v47;
	[tilespmem:$0x1FE60] =	vst v34  }
0x16: {  	v36 =	vor.u32 $0x29, v47;
	[tilespmem:$0x1FE70] =	vst v35  }
0x17: {  	v37 =	vor.u32 $0x2A, v47;
	[tilespmem:$0x1FE80] =	vst v36  }
0x18: {  	v45 =	vor.u32 $0x2B, v47;
	[tilespmem:$0x1FE90] =	vst v37  }
0x19: {  	v46 =	vor.u32 $0x2C, v47;
	[tilespmem:$0x1FEA0] =	vst v45  }
0x1a: {  	s0 =	srdreg.scid;
	v40 =	vor.u32 $0x1D, v47;
	[tilespmem:$0x1FEB0] =	vst v46  }
0x1b: {  	s4 =	sand.u32 $0x1, s0;
	v39 =	vor.u32 $0x1E, v47;
	[tilespmem:$0x1FEC0] =	vst v40  }
0x1c: {  	s0 =	sshll.u32 s4, $0x2;
	v38 =	vor.u32 $0x26, v47;
	[tilespmem:$0x1FED0] =	vst v39  }
0x1d: {  	v1 =	vand.u32 $0x3, v2;
	v11 =	vmul.u32 $0x20, v2;
	v10 =	vmov s0;
	[tilespmem:$0x1FEE0] =	vst v38  }
0x1e: {  	v12 =	vmul.u32 $0x20, v1;
	[tilespmem:$0x1FEF0] =	vst v10  }
0x1f: {  	[tilespmem:$0x1FF00] =	vst v11  }
0x20: {  	[tilespmem:$0x1FF10] =	vst v12  }
0x21: {  	vm15 =	vmmov $0x1;
	v51 =	vimm.s32 $0x0;
	v14 =	vshrl.u32 v2, $0x2;
	[tilespmem:$0x1FF20] =	vst v13  }
0x22: {  	s13 =	stileid.u32;
	v0 =	vsel vm15, $0xFFFFFFFF, v51;
	[tilespmem:$0x1FF30] =	vst v14  }
0x23: {  	vm2 =	vcmask $0x308;
	s7 =	simm.s32 $0x1;
	s12 =	simm.s32 $0x8400;
	s3 =	sshll.u32 s13, $0x1;
	v18 =	vor.u32 $0xC, v47;
	[tilespmem:$0x1FF40] =	vst v0  }
0x24: {  	vm4 =	vcmask $0xB10;
	vm5 =	vcmask $0xF14;
	s14 =	simm.s32 $0x0;
	s29 =	sshll.u32 s13, $0xA;
	s3 =	sor.u32 s4, s3;
	v19 =	vor.u32 $0xD, v47;
	[tilespmem:$0x1FF60] =	vst v18  }
0x25: {  	vm6 =	vcmask $0x1318;
	vm7 =	vcmask $0x171C;
	p1 =	seq.s32 s4, $0x1;
	s9 =	sshll.u32 s4, $0x7;
	s4 =	ssub.s32 $0x2, s4;
	v58 =	vor.u32 $0xE, v47;
	[tilespmem:$0x1FF70] =	vst v19  }
0x26: {  	vm8 =	vcmask $0x1F24;
	vm11 =	vcmask $0x272C;
	p0 =	seq.s32 s3, $0x0;
	s3 =	sshll.u32 s3, $0xC;
	s9 =	sadd.s32 s9, s5;
	v56 =	vor.u32 $0xF, v47;
	[tilespmem:$0x1FF80] =	vst v58  }
0x27: {  	vm12 =	vcmask $0x2B30;
	vm13 =	vcmask $0x2F34;
	s26 =	sshrl.u32 s4, $0x1;
	s0 =	sadd.s32 s29, s25;
	p0 =	por !p0, !p1;
	v60 =	vor.u32 $0x10, v47;
	[tilespmem:$0x1FF90] =	vst v56  }
0x28: {  	vm14 =	vcmask $0x3338;
	vm9 =	vmmov $0x7fff;
	v61 =	vor.u32 $0x11, v47;
	s8 =	sadd.s32 s3, s5;
	s3 =	sadd.s32 $0x20600, s5;
	p0 =	por !p0, !p0;
	[tilespmem:$0x1FFA0] =	vst v60  }
0x29: {  	v55 =	vimm.s32 $0x0;
	vm10 =	vcmask $0x2328;
	v44 =	vor.u32 $0x12, v47;
	s10 =	ssub.s32 s4, s26;
	s1 =	sadd.s32 $0x600, s8;
	s7 =	simm.s32 @!p0 $0x0;
	[tilespmem:$0x1FFB0] =	vst v61  }
0x2a: {  	vm0 =	vcmask $0x373C;
	v49 =	vor.u32 $0x1, v47;
	v62 =	vor.u32 $0x13, v47;
	s5 =	simm.s32 $0x1;
	[dreg:$0x4] =	wrdreg s1;
	[tilespmem:$0x1FFC0] =	vst v44;
	s7 =	ssub.s32 s13, s7  }
0x2b: {  	v50 =	vor.u32 $0x2, v47;
	v52 =	vor.u32 $0x3, v47;
	v41 =	vor.u32 $0x16, v47;
	s30 =	sadd.s32 $0xF62A00, s9;
	[dreg:$0x6] =	wrdreg s0;
	[tilespmem:$0x1FFD0] =	vst v62;
	s7 =	sshll.u32 s7, $0x7  }
0x2c: {  	v54 =	vor.u32 $0x4, v47;
	v57 =	vor.u32 $0x6, v47;
	v42 =	vor.u32 $0x17, v47;
	s31 =	smax.u32 s10, $0x1;
	[dreg:$0x7] =	wrdreg s30;
	[tilespmem:$0x1FFE0] =	vst v41;
	s7 =	sand.u32 $0x1FFFFF80, s7  }
0x2d: {  	v59 =	vor.u32 $0x7, v47;
	v43 =	vor.u32 $0x8, v47;
	s10 =	simm.s32 $0x400;
	[dreg:$0x8] =	wrdreg s31;
	v0 =	vsel vm9, $0xFFFFFFFF, v55;
	[tilespmem:$0x1FFF0] =	vst v42;
	s28 =	sadd.s32 s6, s7  }
0x2e: {  	v48 =	vor.u32 $0x9, v47;
	v63 =	vor.u32 $0xA, v47;
	v53 =	vor.u32 $0xB, v47;
	p0 =	sne.s32 s13, $0x0;
	[tilespmem:$0x1FF50] =	vst v0;
	s7 =	simm.s32 $0x2;
	[dreg:$0x5] =	wrdreg s28  }
.LBB2_1:
0x2f: {  	v0 =	vmov s2  }
0x30: {  	vm1 =	veq.s32 v0, v11  }
0x31: {  	s0 =	rddreg [dreg:$0x4];
	v0 =	vsel vm1, v13, v14  }
0x32: {  	[tilespmem:s10], [sflag:$0x2] =	stream.linear.gather [hbm4b:s0+s2], $0x8000, $0x38;
	v0 =	vor.u32 v10, v0;
	[tilespmem:$0x1CC00] =	vst v63  }
0x33: {  	_ =	swait.ge [sflag:s7], $0x8000;
	v0 =	vshll.u32 v0, $0x7  }
0x34: {  	[sflag:s7] =	ssyncset.done $0x0;
	v0 =	vadd.s32 s2, v0  }
0x35: {  	s24 =	rddreg [dreg:$0x5];
	[sflag:s7] =	ssyncadd.s32 $0xFFFF8000;
	v0 =	vadd.s32 v12, v0  }
0x36: {  	[tilespmem:s2], [sflag:$0x2] =	stream.linear.gather [hbm4b:s24+s2], $0x400, $0x38;
	[tilespmem:$0x1CC00] =	vst v63  }
0x37: {  	_ =	swait.ge [sflag:s7], $0x400  }
0x38: {  	[sflag:s7] =	ssyncset.done $0x0  }
0x39: {  	[sflag:s7] =	ssyncadd.s32 $0xFFFFFC00  }
0x3a: {  	v0 =	vld.idx.msk [tilespmem:v0+s2+$0x0], $0xffff;
	_ =	sdelay $0x4  }
0x3b: {  	v1 =	vsel vm5, $0x0, v0  }
0x3c: {  	v2 =	vsel vm6, $0x0, v0;
	(xrf0) =	vadd.scan.msk.s32 $0xffff, v1  }
0x3d: {  	vm3 =	vcmask $0x70C;
	v1 =	vsel vm4, $0x0, v0;
	(xrf0) =	vadd.scan.msk.s32 $0xffff, v2  }
0x3e: {  	v2 =	vsel vm3, $0x0, v0;
	(xrf0) =	vadd.scan.msk.s32 $0xffff, v1  }
0x3f: {  	v1 =	vsel vm2, $0x0, v0;
	(xrf0) =	vadd.scan.msk.s32 $0xffff, v2  }
0x40: {  	v2 =	vnsel vm15, $0x0, v0;
	(xrf0) =	vadd.scan.msk.s32 $0xffff, v1  }
0x41: {  	(xrf0) =	vadd.scan.msk.s32 $0xffff, v2  }
0x42: {  	v1, _, _ =	vpop (xrf0)  }
0x43: {  	(v2sf) =	vpush v1, $0xF;
	v1, _, _ =	vpop (xrf0)  }
0x44: {  	v2, _, _ =	vpop (xrf0);
	(v2sf) =	vpush v1, $0xF  }
0x45: {  	v1, _, _ =	vpop (xrf0);
	(v2sf) =	vpush v2, $0xF  }
0x46: {  	v2, _, _ =	vpop (xrf0);
	(v2sf) =	vpush v1, $0xF  }
0x47: {  	v1, _, _ =	vpop (xrf0);
	(v2sf) =	vpush v2, $0xF  }
0x48: {  	(v2sf) =	vpush v1, $0xF;
	_ =	sdelay $0x1  }
0x49: {  	v1 =	vsel vm12, $0x0, v0  }
0x4a: {  	v2 =	vsel vm13, $0x0, v0;
	(xrf0) =	vadd.scan.msk.s32 $0xffff, v1  }
0x4b: {  	v1 =	vsel vm14, $0x0, v0;
	(xrf0) =	vadd.scan.msk.s32 $0xffff, v2  }
0x4c: {  	v2 =	vsel vm0, $0x0, v0;
	(xrf0) =	vadd.scan.msk.s32 $0xffff, v1  }
0x4d: {  	v1 =	vsel vm9, $0x0, v0;
	(xrf0) =	vadd.scan.msk.s32 $0xffff, v2  }
0x4e: {  	v2 =	vsel vm7, $0x0, v0;
	(xrf0) =	vadd.scan.msk.s32 $0xffff, v1  }
0x4f: {  	(xrf0) =	vadd.scan.msk.s32 $0xffff, v2  }
0x50: {  	v1, _, _ =	vpop (xrf0)  }
0x51: {  	vm3 =	vmmov vm9;
	vm9 =	vmmov vm8;
	vm8 =	vcmask $0x1B20;
	v2, _, _ =	vpop (xrf0);
	s15 =	spop (v2sf)  }
0x52: {  	v3 =	vsel vm8, $0x0, v0;
	(v2sf) =	vpush v1, $0xF;
	v1, _, _ =	vpop (xrf0);
	s16 =	spop (v2sf)  }
0x53: {  	v4, _, _ =	vpop (xrf0);
	s17 =	spop (v2sf)  }
0x54: {  	(xrf0) =	vadd.scan.msk.s32 $0xffff, v3;
	(v2sf) =	vpush v2, $0xF;
	v2, _, _ =	vpop (xrf0);
	s18 =	spop (v2sf)  }
0x55: {  	v3, _, _ =	vpop (xrf0);
	s19 =	spop (v2sf)  }
0x56: {  	s21 =	simm.s32 $0x8400;
	s25 =	simm.s32 $0x9400;
	(v2sf) =	vpush v3, $0xF;
	s20 =	spop (v2sf)  }
0x57: {  	s26 =	simm.s32 $0xA400;
	s28 =	simm.s32 $0xB400;
	v3 =	vsel vm9, $0x0, v0;
	s20 =	sshll.u32 s20, $0x4  }
0x58: {  	s29 =	simm.s32 $0xC400;
	s19 =	sshll.u32 s19, $0x4;
	s20 =	sand.u32 $0x1FFFFFF0, s20  }
0x59: {  	s18 =	sshll.u32 s18, $0x4;
	(xrf0) =	vadd.scan.msk.s32 $0xffff, v3;
	s19 =	sand.u32 $0x1FFFFFF0, s19;
	s20 =	sadd.s32 s3, s20  }
0x5a: {  	v3, _, _ =	vpop (xrf0);
	[tilespmem:s21], [sflag:$0x1] =	stream.linear.gather [hbm4b:s20+s2], $0x80, $0x38;
	[tilespmem:$0x1CC00] =	vst v63  }
0x5b: {  	s17 =	sshll.u32 s17, $0x4;
	s18 =	sand.u32 $0x1FFFFFF0, s18;
	s19 =	sadd.s32 s3, s19;
	(v2sf) =	vpush v3, $0xF  }
0x5c: {  	v3 =	vsel vm10, $0x0, v0;
	[tilespmem:s25], [sflag:$0x1] =	stream.linear.gather [hbm4b:s19+s2], $0x80, $0x38;
	[tilespmem:$0x1CC00] =	vst v63  }
0x5d: {  	s15 =	sshll.u32 s15, $0x4;
	s17 =	sand.u32 $0x1FFFFFF0, s17;
	s18 =	sadd.s32 s3, s18;
	(xrf0) =	vadd.scan.msk.s32 $0xffff, v3  }
0x5e: {  	[tilespmem:s26], [sflag:$0x1] =	stream.linear.gather [hbm4b:s18+s2], $0x80, $0x38;
	[tilespmem:$0x1CC00] =	vst v63  }
0x5f: {  	s15 =	sand.u32 $0x1FFFFFF0, s15;
	s16 =	sshll.u32 s16, $0x4;
	s17 =	sadd.s32 s3, s17;
	v3, _, _ =	vpop (xrf0)  }
0x60: {  	v0 =	vsel vm11, $0x0, v0;
	(v2sf) =	vpush v3, $0xF;
	[tilespmem:s28], [sflag:$0x1] =	stream.linear.gather [hbm4b:s17+s2], $0x80, $0x38;
	[tilespmem:$0x1CC00] =	vst v63  }
0x61: {  	s16 =	sand.u32 $0x1FFFFFF0, s16;
	s15 =	sadd.s32 s3, s15;
	(xrf0) =	vadd.scan.msk.s32 $0xffff, v0;
	s30 =	spop (v2sf)  }
0x62: {  	[tilespmem:s29], [sflag:$0x1] =	stream.linear.gather [hbm4b:s15+s2], $0x80, $0x38;
	[tilespmem:$0x1CC00] =	vst v63  }
0x63: {  	s31 =	simm.s32 $0xD400;
	s16 =	sadd.s32 s3, s16;
	s0 =	spop (v2sf)  }
0x64: {  	v0, _, _ =	vpop (xrf0);
	[tilespmem:s31], [sflag:$0x1] =	stream.linear.gather [hbm4b:s16+s2], $0x80, $0x38;
	[tilespmem:$0x1CC00] =	vst v63  }
0x65: {  	(v2sf) =	vpush v0, $0xF;
	s1 =	spop (v2sf)  }
0x66: {  	s15 =	sshll.u32 s1, $0x4  }
0x67: {  	v0, _, _ =	vpop (xrf0);
	s15 =	sand.u32 $0x1FFFFFF0, s15  }
0x68: {  	s4 =	simm.s32 $0xE400;
	(v2sf) =	vpush v0, $0xF;
	s15 =	sadd.s32 s3, s15  }
0x69: {  	[tilespmem:s4], [sflag:$0x1] =	stream.linear.gather [hbm4b:s15+s2], $0x80, $0x38;
	[tilespmem:$0x1CC00] =	vst v63  }
0x6a: {  	s6 =	spop (v2sf)  }
0x6b: {  	s15 =	sshll.u32 s6, $0x4  }
0x6c: {  	s15 =	sand.u32 $0x1FFFFFF0, s15  }
0x6d: {  	s7 =	simm.s32 $0xF400;
	s15 =	sadd.s32 s3, s15  }
0x6e: {  	[tilespmem:s7], [sflag:$0x1] =	stream.linear.gather [hbm4b:s15+s2], $0x80, $0x38;
	[tilespmem:$0x1CC00] =	vst v63  }
0x6f: {  	(v2sf) =	vpush v1, $0xF;
	s8 =	spop (v2sf)  }
0x70: {  	s15 =	sshll.u32 s8, $0x4  }
0x71: {  	s15 =	sand.u32 $0x1FFFFFF0, s15  }
0x72: {  	s9 =	simm.s32 $0x10400;
	s15 =	sadd.s32 s3, s15  }
0x73: {  	[tilespmem:s9], [sflag:$0x1] =	stream.linear.gather [hbm4b:s15+s2], $0x80, $0x38;
	[tilespmem:$0x1CC00] =	vst v63  }
0x74: {  	s11 =	spop (v2sf)  }
0x75: {  	s15 =	sshll.u32 s11, $0x4  }
0x76: {  	(v2sf) =	vpush v4, $0xF;
	s15 =	sand.u32 $0x1FFFFFF0, s15  }
0x77: {  	s13 =	simm.s32 $0x11400;
	(v2sf) =	vpush v2, $0xF;
	s19 =	spop (v2sf);
	s15 =	sadd.s32 s3, s15  }
0x78: {  	[tilespmem:s13], [sflag:$0x1] =	stream.linear.gather [hbm4b:s15+s2], $0x80, $0x38;
	[tilespmem:$0x1CC00] =	vst v63  }
0x79: {  	s15 =	sshll.u32 s19, $0x4  }
0x7a: {  	s15 =	sand.u32 $0x1FFFFFF0, s15  }
0x7b: {  	s20 =	simm.s32 $0x12400;
	s21 =	sshll.u32 s30, $0x4;
	s15 =	sadd.s32 s3, s15  }
0x7c: {  	[tilespmem:s20], [sflag:$0x1] =	stream.linear.gather [hbm4b:s15+s2], $0x80, $0x38;
	[tilespmem:$0x1CC00] =	vst v63  }
0x7d: {  	s22 =	simm.s32 $0x13400;
	s15 =	sand.u32 $0x1FFFFFF0, s21  }
0x7e: {  	s23 =	sshll.u32 s0, $0x4;
	s24 =	spop (v2sf);
	s15 =	sadd.s32 s3, s15  }
0x7f: {  	[tilespmem:s22], [sflag:$0x1] =	stream.linear.gather [hbm4b:s15+s2], $0x80, $0x38;
	[tilespmem:$0x1CC00] =	vst v63  }
0x80: {  	s16 =	sshll.u32 s24, $0x4;
	s15 =	sand.u32 $0x1FFFFFF0, s23  }
0x81: {  	s25 =	simm.s32 $0x14400;
	s16 =	sand.u32 $0x1FFFFFF0, s16;
	s15 =	sadd.s32 s3, s15  }
0x82: {  	[tilespmem:s25], [sflag:$0x1] =	stream.linear.gather [hbm4b:s15+s2], $0x80, $0x38;
	[tilespmem:$0x1CC00] =	vst v63  }
0x83: {  	s28 =	simm.s32 $0x15400;
	s16 =	sadd.s32 s3, s16  }
0x84: {  	[tilespmem:s28], [sflag:$0x1] =	stream.linear.gather [hbm4b:s16+s2], $0x80, $0x38;
	[tilespmem:$0x1CC00] =	vst v63  }
0x85: {  	s26 =	spop (v2sf)  }
0x86: {  	s15 =	sshll.u32 s26, $0x4;
	s29 =	spop (v2sf)  }
0x87: {  	s15 =	sand.u32 $0x1FFFFFF0, s15;
	s16 =	sshll.u32 s29, $0x4  }
0x88: {  	s30 =	simm.s32 $0x16400;
	s15 =	sadd.s32 s3, s15;
	s16 =	sand.u32 $0x1FFFFFF0, s16  }
0x89: {  	[tilespmem:s30], [sflag:$0x1] =	stream.linear.gather [hbm4b:s15+s2], $0x80, $0x38;
	[tilespmem:$0x1CC00] =	vst v63  }
0x8a: {  	s31 =	simm.s32 $0x17400;
	s16 =	sadd.s32 s3, s16  }
0x8b: {  	[tilespmem:s31], [sflag:$0x1] =	stream.linear.gather [hbm4b:s16+s2], $0x80, $0x38;
	[tilespmem:$0x1CC00] =	vst v63  }
0x8c: {  	_ =	swait.ge [sflag:s5], $0x80  }
0x8d: {  	[sflag:s5] =	ssyncset.done $0x0  }
0x8e: {  	[sflag:s5] =	ssyncadd.s32 $0xFFFFFF80  }
0x8f: {  	_ =	swait.ge [sflag:s5], $0x80  }
0x90: {  	[sflag:s5] =	ssyncset.done $0x0  }
0x91: {  	[sflag:s5] =	ssyncadd.s32 $0xFFFFFF80  }
0x92: {  	_ =	swait.ge [sflag:s5], $0x80  }
0x93: {  	[sflag:s5] =	ssyncset.done $0x0  }
0x94: {  	[sflag:s5] =	ssyncadd.s32 $0xFFFFFF80  }
0x95: {  	_ =	swait.ge [sflag:s5], $0x80  }
0x96: {  	[sflag:s5] =	ssyncset.done $0x0  }
0x97: {  	[sflag:s5] =	ssyncadd.s32 $0xFFFFFF80  }
0x98: {  	_ =	swait.ge [sflag:s5], $0x80  }
0x99: {  	[sflag:s5] =	ssyncset.done $0x0  }
0x9a: {  	[sflag:s5] =	ssyncadd.s32 $0xFFFFFF80  }
0x9b: {  	_ =	swait.ge [sflag:s5], $0x80  }
0x9c: {  	[sflag:s5] =	ssyncset.done $0x0  }
0x9d: {  	[sflag:s5] =	ssyncadd.s32 $0xFFFFFF80  }
0x9e: {  	_ =	swait.ge [sflag:s5], $0x80  }
0x9f: {  	[sflag:s5] =	ssyncset.done $0x0  }
0xa0: {  	[sflag:s5] =	ssyncadd.s32 $0xFFFFFF80  }
0xa1: {  	_ =	swait.ge [sflag:s5], $0x80  }
0xa2: {  	[sflag:s5] =	ssyncset.done $0x0  }
0xa3: {  	[sflag:s5] =	ssyncadd.s32 $0xFFFFFF80  }
0xa4: {  	_ =	swait.ge [sflag:s5], $0x80  }
0xa5: {  	[sflag:s5] =	ssyncset.done $0x0  }
0xa6: {  	[sflag:s5] =	ssyncadd.s32 $0xFFFFFF80  }
0xa7: {  	_ =	swait.ge [sflag:s5], $0x80  }
0xa8: {  	[sflag:s5] =	ssyncset.done $0x0  }
0xa9: {  	[sflag:s5] =	ssyncadd.s32 $0xFFFFFF80  }
0xaa: {  	_ =	swait.ge [sflag:s5], $0x80  }
0xab: {  	s17 =	simm.s32 $0x1;
	[sflag:s5] =	ssyncset.done $0x0  }
0xac: {  	v0 =	vmov s17;
	[sflag:s5] =	ssyncadd.s32 $0xFFFFFF80  }
0xad: {  	vm1 =	veq.s32 v0, v11;
	_ =	swait.ge [sflag:s5], $0x80  }
0xae: {  	v0 =	vsel vm1, v13, v14;
	[sflag:s5] =	ssyncset.done $0x0  }
0xaf: {  	v0 =	vor.u32 v10, v0;
	[sflag:s5] =	ssyncadd.s32 $0xFFFFFF80  }
0xb0: {  	s18 =	simm.s32 $0x400;
	v0 =	vshll.u32 v0, $0x7;
	s16 =	simm.s32 $0x200;
	_ =	swait.ge [sflag:s5], $0x80  }
.LBB2_2:
0xb1: {  	p1 =	sne.s32 s18, $0x3E00  }
0xb2: {  	v0 =	vadd.s32 s17, v0;
	[sflag:s5] =	ssyncset.done $0x0;
	s20 =	smov.u32 s18;
	s18 =	sadd.s32 $0x200, s18  }
0xb3: {  	v0 =	vadd.s32 v12, v0;
	[sflag:s5] =	ssyncadd.s32 $0xFFFFFF80  }
0xb4: {  	_ =	swait.ge [sflag:s5], $0x80  }
0xb5: {  	[sflag:s5] =	ssyncset.done $0x0  }
0xb6: {  	[sflag:s5] =	ssyncadd.s32 $0xFFFFFF80  }
0xb7: {  	s15 =	simm.s32 $0x0;
	_ =	swait.ge [sflag:s5], $0x80  }
0xb8: {  	[sflag:s5] =	ssyncset.done $0x0  }
0xb9: {  	[sflag:s5] =	ssyncadd.s32 $0xFFFFFF80  }
0xba: {  	_ =	swait.ge [sflag:s5], $0x80  }
0xbb: {  	[sflag:s5] =	ssyncset.done $0x0  }
0xbc: {  	[sflag:s5] =	ssyncadd.s32 $0xFFFFFF80  }
0xbd: {  	v0 =	vld.idx.msk [tilespmem:v0+s15+$0x0], $0xffff;
	_ =	sdelay $0x4  }
0xbe: {  	vm1 =	vcmask $0x70C  }
0xbf: {  	v1 =	vsel vm5, $0x0, v0;
	v2 =	vsel vm6, $0x0, v0;
	v3 =	vsel vm3, $0x0, v0  }
0xc0: {  	v4 =	vsel vm2, $0x0, v0;
	v5 =	vsel vm1, $0x0, v0;
	v6 =	vsel vm4, $0x0, v0;
	(xrf0) =	vadd.scan.msk.s32 $0xffff, v1  }
0xc1: {  	v1 =	vsel vm8, $0x0, v0;
	(xrf0) =	vadd.scan.msk.s32 $0xffff, v2  }
0xc2: {  	v2 =	vsel vm9, $0x0, v0;
	(xrf0) =	vadd.scan.msk.s32 $0xffff, v6  }
0xc3: {  	v6 =	vsel vm10, $0x0, v0;
	(xrf0) =	vadd.scan.msk.s32 $0xffff, v5  }
0xc4: {  	v7 =	vsel vm11, $0x0, v0;
	v5 =	vnsel vm15, $0x0, v0;
	(xrf0) =	vadd.scan.msk.s32 $0xffff, v4  }
0xc5: {  	v4 =	vsel vm12, $0x0, v0;
	(xrf0) =	vadd.scan.msk.s32 $0xffff, v5  }
0xc6: {  	v5 =	vsel vm13, $0x0, v0;
	v8, _, _ =	vpop (xrf0);
	(xrf0) =	vadd.scan.msk.s32 $0xffff, v4  }
0xc7: {  	v15 =	vsel vm14, $0x0, v0;
	(v2sf) =	vpush v8, $0xF;
	v8, _, _ =	vpop (xrf0);
	(xrf0) =	vadd.scan.msk.s32 $0xffff, v5  }
0xc8: {  	v16 =	vsel vm0, $0x0, v0;
	v9, _, _ =	vpop (xrf0);
	(v2sf) =	vpush v8, $0xF;
	(xrf0) =	vadd.scan.msk.s32 $0xffff, v15  }
0xc9: {  	v4, _, _ =	vpop (xrf0);
	(v2sf) =	vpush v9, $0xF;
	(xrf0) =	vadd.scan.msk.s32 $0xffff, v16  }
0xca: {  	v8 =	vsel vm7, $0x0, v0;
	v5, _, _ =	vpop (xrf0);
	(v2sf) =	vpush v4, $0xF;
	(xrf0) =	vadd.scan.msk.s32 $0xffff, v3  }
0xcb: {  	v3, _, _ =	vpop (xrf0);
	(v2sf) =	vpush v5, $0xF;
	(xrf0) =	vadd.scan.msk.s32 $0xffff, v8  }
0xcc: {  	(v2sf) =	vpush v3, $0xF;
	(xrf0) =	vadd.scan.msk.s32 $0xffff, v1;
	v0, _, _ =	vpop (xrf0)  }
0xcd: {  	(xrf0) =	vadd.scan.msk.s32 $0xffff, v2;
	(v2sf) =	vpush v0, $0xF;
	v0, _, _ =	vpop (xrf0)  }
0xce: {  	(xrf0) =	vadd.scan.msk.s32 $0xffff, v6;
	(v2sf) =	vpush v0, $0xF;
	v0, _, _ =	vpop (xrf0)  }
0xcf: {  	(xrf0) =	vadd.scan.msk.s32 $0xffff, v7;
	v1, _, _ =	vpop (xrf0)  }
0xd0: {  	v2, _, _ =	vpop (xrf0)  }
0xd1: {  	v3, _, _ =	vpop (xrf0)  }
0xd2: {  	s19 =	sshra.s32 s16, $0x2;
	s16 =	smov.u32 s20;
	v4, _, _ =	vpop (xrf0)  }
0xd3: {  	s26 =	sadd.s32 $0xD400, s19;
	s25 =	sadd.s32 $0xF400, s19;
	s22 =	sadd.s32 $0x10400, s19;
	(v2sf) =	vpush v3, $0xF;
	v3, _, _ =	vpop (xrf0)  }
0xd4: {  	s29 =	sadd.s32 $0xC400, s19;
	s28 =	sadd.s32 $0xE400, s19;
	s23 =	sadd.s32 $0x11400, s19;
	v5, _, _ =	vpop (xrf0)  }
0xd5: {  	s31 =	sadd.s32 $0x8400, s19;
	s21 =	sadd.s32 $0x12400, s19;
	s20 =	sadd.s32 $0x14400, s19;
	(v2sf) =	vpush v4, $0xF;
	v4, _, _ =	vpop (xrf0)  }
0xd6: {  	s0 =	sadd.s32 $0x9400, s19;
	s13 =	sadd.s32 $0xA400, s19;
	s24 =	spop (v2sf)  }
0xd7: {  	s30 =	sshll.u32 s24, $0x4;
	s24 =	sadd.s32 $0x13400, s19;
	s1 =	spop (v2sf);
	(v2sf) =	vpush v3, $0xF  }
0xd8: {  	s4 =	sand.u32 $0x1FFFFFF0, s30;
	s1 =	sshll.u32 s1, $0x4;
	s30 =	spop (v2sf)  }
0xd9: {  	s30 =	sshll.u32 s30, $0x4;
	s1 =	sand.u32 $0x1FFFFFF0, s1;
	s6 =	spop (v2sf);
	(v2sf) =	vpush v5, $0xF  }
0xda: {  	s6 =	sshll.u32 s6, $0x4;
	s7 =	sand.u32 $0x1FFFFFF0, s30;
	s30 =	spop (v2sf)  }
0xdb: {  	s30 =	sshll.u32 s30, $0x4;
	s6 =	sand.u32 $0x1FFFFFF0, s6;
	s8 =	spop (v2sf)  }
0xdc: {  	s8 =	sshll.u32 s8, $0x4;
	s9 =	sand.u32 $0x1FFFFFF0, s30;
	s30 =	spop (v2sf)  }
0xdd: {  	s8 =	sand.u32 $0x1FFFFFF0, s8;
	s30 =	sshll.u32 s30, $0x4;
	(v2sf) =	vpush v4, $0xF;
	s11 =	spop (v2sf)  }
0xde: {  	s8 =	sadd.s32 s3, s8;
	s30 =	sand.u32 $0x1FFFFFF0, s30;
	s11 =	sshll.u32 s11, $0x4  }
0xdf: {  	[tilespmem:s31], [sflag:$0x1] =	stream.linear.gather [hbm4b:s8+s15], $0x80, $0x38;
	[tilespmem:$0x1CC00] =	vst v63  }
0xe0: {  	s1 =	sadd.s32 s3, s1;
	s8 =	sadd.s32 s3, s9;
	s9 =	sadd.s32 $0xB400, s19  }
0xe1: {  	[tilespmem:s0], [sflag:$0x1] =	stream.linear.gather [hbm4b:s8+s15], $0x80, $0x38;
	(v2sf) =	vpush v0, $0xF;
	[tilespmem:$0x1CC00] =	vst v63  }
0xe2: {  	s4 =	sadd.s32 s3, s4;
	s0 =	sadd.s32 s3, s6;
	s6 =	spop (v2sf)  }
0xe3: {  	[tilespmem:s13], [sflag:$0x1] =	stream.linear.gather [hbm4b:s0+s15], $0x80, $0x38;
	(v2sf) =	vpush v1, $0xF;
	[tilespmem:$0x1CC00] =	vst v63  }
0xe4: {  	s0 =	sadd.s32 s3, s7;
	s6 =	sshll.u32 s6, $0x4;
	s7 =	spop (v2sf)  }
0xe5: {  	[tilespmem:s9], [sflag:$0x1] =	stream.linear.gather [hbm4b:s0+s15], $0x80, $0x38;
	[tilespmem:$0x1CC00] =	vst v63  }
0xe6: {  	s0 =	sand.u32 $0x1FFFFFF0, s6;
	s6 =	sshll.u32 s7, $0x4;
	s7 =	spop (v2sf)  }
0xe7: {  	[tilespmem:s29], [sflag:$0x1] =	stream.linear.gather [hbm4b:s4+s15], $0x80, $0x38;
	(v2sf) =	vpush v2, $0xF;
	[tilespmem:$0x1CC00] =	vst v63  }
0xe8: {  	s4 =	sand.u32 $0x1FFFFFF0, s6;
	s6 =	sshll.u32 s7, $0x4;
	s7 =	spop (v2sf)  }
0xe9: {  	[tilespmem:s26], [sflag:$0x1] =	stream.linear.gather [hbm4b:s1+s15], $0x80, $0x38;
	[tilespmem:$0x1CC00] =	vst v63  }
0xea: {  	s0 =	sadd.s32 s3, s0;
	s1 =	sand.u32 $0x1FFFFFF0, s6;
	s6 =	sshll.u32 s7, $0x4  }
0xeb: {  	[tilespmem:s28], [sflag:$0x1] =	stream.linear.gather [hbm4b:s0+s15], $0x80, $0x38;
	[tilespmem:$0x1CC00] =	vst v63  }
0xec: {  	s0 =	sadd.s32 s3, s4;
	s4 =	sand.u32 $0x1FFFFFF0, s6;
	s6 =	spop (v2sf)  }
0xed: {  	[tilespmem:s25], [sflag:$0x1] =	stream.linear.gather [hbm4b:s0+s15], $0x80, $0x38;
	[tilespmem:$0x1CC00] =	vst v63  }
0xee: {  	s0 =	sadd.s32 s3, s1;
	s1 =	sshll.u32 s6, $0x4;
	s6 =	sand.u32 $0x1FFFFFF0, s11  }
0xef: {  	[tilespmem:s22], [sflag:$0x1] =	stream.linear.gather [hbm4b:s0+s15], $0x80, $0x38;
	[tilespmem:$0x1CC00] =	vst v63  }
0xf0: {  	s1 =	sand.u32 $0x1FFFFFF0, s1;
	s0 =	sadd.s32 s3, s4;
	s4 =	spop (v2sf)  }
0xf1: {  	[tilespmem:s23], [sflag:$0x1] =	stream.linear.gather [hbm4b:s0+s15], $0x80, $0x38;
	[tilespmem:$0x1CC00] =	vst v63  }
0xf2: {  	s0 =	sadd.s32 s3, s1;
	s1 =	sshll.u32 s4, $0x4;
	s4 =	spop (v2sf)  }
0xf3: {  	[tilespmem:s21], [sflag:$0x1] =	stream.linear.gather [hbm4b:s0+s15], $0x80, $0x38;
	[tilespmem:$0x1CC00] =	vst v63  }
0xf4: {  	s1 =	sand.u32 $0x1FFFFFF0, s1;
	s0 =	sadd.s32 s3, s30;
	s4 =	sshll.u32 s4, $0x4  }
0xf5: {  	[tilespmem:s24], [sflag:$0x1] =	stream.linear.gather [hbm4b:s0+s15], $0x80, $0x38;
	[tilespmem:$0x1CC00] =	vst v63  }
0xf6: {  	s4 =	sand.u32 $0x1FFFFFF0, s4;
	s0 =	sadd.s32 s3, s6;
	s6 =	spop (v2sf)  }
0xf7: {  	[tilespmem:s20], [sflag:$0x1] =	stream.linear.gather [hbm4b:s0+s15], $0x80, $0x38;
	[tilespmem:$0x1CC00] =	vst v63  }
0xf8: {  	s1 =	sadd.s32 s3, s1;
	s0 =	sadd.s32 $0x15400, s19;
	s6 =	sshll.u32 s6, $0x4  }
0xf9: {  	[tilespmem:s0], [sflag:$0x1] =	stream.linear.gather [hbm4b:s1+s15], $0x80, $0x38;
	[tilespmem:$0x1CC00] =	vst v63  }
0xfa: {  	s0 =	sadd.s32 $0x16400, s19;
	s1 =	sadd.s32 s3, s4;
	s4 =	sand.u32 $0x1FFFFFF0, s6  }
0xfb: {  	[tilespmem:s0], [sflag:$0x1] =	stream.linear.gather [hbm4b:s1+s15], $0x80, $0x38;
	[tilespmem:$0x1CC00] =	vst v63  }
0xfc: {  	s0 =	sadd.s32 $0x17400, s19;
	s1 =	sadd.s32 s3, s4  }
0xfd: {  	[tilespmem:s0], [sflag:$0x1] =	stream.linear.gather [hbm4b:s1+s15], $0x80, $0x38;
	[tilespmem:$0x1CC00] =	vst v63  }
0xfe: {  	_ =	swait.ge [sflag:s5], $0x80  }
0xff: {  	[sflag:s5] =	ssyncset.done $0x0  }
0x100: {  	[sflag:s5] =	ssyncadd.s32 $0xFFFFFF80  }
0x101: {  	_ =	swait.ge [sflag:s5], $0x80  }
0x102: {  	[sflag:s5] =	ssyncset.done $0x0  }
0x103: {  	[sflag:s5] =	ssyncadd.s32 $0xFFFFFF80  }
0x104: {  	_ =	swait.ge [sflag:s5], $0x80  }
0x105: {  	[sflag:s5] =	ssyncset.done $0x0  }
0x106: {  	[sflag:s5] =	ssyncadd.s32 $0xFFFFFF80  }
0x107: {  	_ =	swait.ge [sflag:s5], $0x80  }
0x108: {  	[sflag:s5] =	ssyncset.done $0x0  }
0x109: {  	[sflag:s5] =	ssyncadd.s32 $0xFFFFFF80  }
0x10a: {  	_ =	swait.ge [sflag:s5], $0x80  }
0x10b: {  	[sflag:s5] =	ssyncset.done $0x0  }
0x10c: {  	[sflag:s5] =	ssyncadd.s32 $0xFFFFFF80  }
0x10d: {  	_ =	swait.ge [sflag:s5], $0x80  }
0x10e: {  	[sflag:s5] =	ssyncset.done $0x0  }
0x10f: {  	[sflag:s5] =	ssyncadd.s32 $0xFFFFFF80  }
0x110: {  	_ =	swait.ge [sflag:s5], $0x80  }
0x111: {  	[sflag:s5] =	ssyncset.done $0x0  }
0x112: {  	[sflag:s5] =	ssyncadd.s32 $0xFFFFFF80  }
0x113: {  	_ =	swait.ge [sflag:s5], $0x80  }
0x114: {  	[sflag:s5] =	ssyncset.done $0x0  }
0x115: {  	[sflag:s5] =	ssyncadd.s32 $0xFFFFFF80  }
0x116: {  	_ =	swait.ge [sflag:s5], $0x80  }
0x117: {  	[sflag:s5] =	ssyncset.done $0x0  }
0x118: {  	[sflag:s5] =	ssyncadd.s32 $0xFFFFFF80  }
0x119: {  	_ =	swait.ge [sflag:s5], $0x80  }
0x11a: {  	[sflag:s5] =	ssyncset.done $0x0  }
0x11b: {  	[sflag:s5] =	ssyncadd.s32 $0xFFFFFF80  }
0x11c: {  	_ =	swait.ge [sflag:s5], $0x80  }
0x11d: {  	s17 =	sadd.s32 $0x1, s17;
	[sflag:s5] =	ssyncset.done $0x0  }
.Ltmp0:
0x11e: {  	v0 =	vmov s17;
	[sflag:s5] =	ssyncadd.s32 $0xFFFFFF80;
	(pc) =	sbr.rel @p1 .LBB2_2-.Ltmp0, $4  }
0x11f: {  	vm1 =	veq.s32 v0, v11;
	_ =	swait.ge [sflag:s5], $0x80  }
0x120: {  	v0 =	vsel vm1, v13, v14;
	[sflag:s5] =	ssyncset.done $0x0  }
0x121: {  	v0 =	vor.u32 v10, v0;
	[sflag:s5] =	ssyncadd.s32 $0xFFFFFF80  }
0x122: {  	v0 =	vshll.u32 v0, $0x7;
	_ =	swait.ge [sflag:s5], $0x80  }
0x123: {  	[sflag:s5] =	ssyncset.done $0x0  }
0x124: {  	[sflag:s5] =	ssyncadd.s32 $0xFFFFFF80  }
0x125: {  	_ =	swait.ge [sflag:s5], $0x80  }
0x126: {  	[sflag:s5] =	ssyncset.done $0x0  }
0x127: {  	[sflag:s5] =	ssyncadd.s32 $0xFFFFFF80  }
0x128: {  	v0 =	vadd.s32 s17, v0;
	_ =	swait.ge [sflag:s5], $0x80  }
0x129: {  	v0 =	vadd.s32 v12, v0;
	[sflag:s5] =	ssyncset.done $0x0  }
0x12a: {  	[sflag:s5] =	ssyncadd.s32 $0xFFFFFF80  }
0x12b: {  	_ =	swait.ge [sflag:s5], $0x80  }
0x12c: {  	[sflag:s5] =	ssyncset.done $0x0  }
0x12d: {  	[sflag:s5] =	ssyncadd.s32 $0xFFFFFF80  }
0x12e: {  	v0 =	vld.idx.msk [tilespmem:v0+s15+$0x0], $0xffff;
	_ =	sdelay $0x4  }
0x12f: {  	v1 =	vsel vm5, $0x0, v0  }
0x130: {  	v2 =	vsel vm6, $0x0, v0;
	(xrf0) =	vadd.scan.msk.s32 $0xffff, v1  }
0x131: {  	vm1 =	vcmask $0x70C;
	v1 =	vsel vm4, $0x0, v0;
	(xrf0) =	vadd.scan.msk.s32 $0xffff, v2  }
0x132: {  	v2 =	vsel vm1, $0x0, v0;
	(xrf0) =	vadd.scan.msk.s32 $0xffff, v1  }
0x133: {  	v1 =	vsel vm2, $0x0, v0;
	(xrf0) =	vadd.scan.msk.s32 $0xffff, v2  }
0x134: {  	v2 =	vnsel vm15, $0x0, v0;
	(xrf0) =	vadd.scan.msk.s32 $0xffff, v1;
	v1 =	vsel vm12, $0x0, v0  }
0x135: {  	(xrf0) =	vadd.scan.msk.s32 $0xffff, v2  }
0x136: {  	v2 =	vsel vm13, $0x0, v0;
	v3, _, _ =	vpop (xrf0);
	(xrf0) =	vadd.scan.msk.s32 $0xffff, v1  }
0x137: {  	(v2sf) =	vpush v3, $0xF;
	v1, _, _ =	vpop (xrf0);
	(xrf0) =	vadd.scan.msk.s32 $0xffff, v2;
	v2 =	vsel vm14, $0x0, v0  }
0x138: {  	v3, _, _ =	vpop (xrf0);
	(v2sf) =	vpush v1, $0xF;
	v1 =	vsel vm0, $0x0, v0  }
0x139: {  	(v2sf) =	vpush v3, $0xF;
	v3 =	vsel vm3, $0x0, v0  }
0x13a: {  	(xrf0) =	vadd.scan.msk.s32 $0xffff, v2;
	v2, _, _ =	vpop (xrf0)  }
0x13b: {  	(xrf0) =	vadd.scan.msk.s32 $0xffff, v1;
	v1, _, _ =	vpop (xrf0);
	(v2sf) =	vpush v2, $0xF  }
0x13c: {  	(xrf0) =	vadd.scan.msk.s32 $0xffff, v3;
	v3, _, _ =	vpop (xrf0);
	(v2sf) =	vpush v1, $0xF  }
0x13d: {  	v2 =	vsel vm7, $0x0, v0;
	(v2sf) =	vpush v3, $0xF;
	v1, _, _ =	vpop (xrf0)  }
0x13e: {  	(xrf0) =	vadd.scan.msk.s32 $0xffff, v2;
	v2 =	vsel vm8, $0x0, v0;
	(v2sf) =	vpush v1, $0xF;
	v1, _, _ =	vpop (xrf0)  }
0x13f: {  	(v2sf) =	vpush v1, $0xF;
	v1 =	vsel vm9, $0x0, v0  }
0x140: {  	(xrf0) =	vadd.scan.msk.s32 $0xffff, v2  }
0x141: {  	v3 =	vsel vm10, $0x0, v0;
	v2, _, _ =	vpop (xrf0)  }
0x142: {  	(xrf0) =	vadd.scan.msk.s32 $0xffff, v1;
	v1, _, _ =	vpop (xrf0)  }
0x143: {  	v4, _, _ =	vpop (xrf0)  }
0x144: {  	s16 =	sshra.s32 s16, $0x2;
	(xrf0) =	vadd.scan.msk.s32 $0xffff, v3;
	v3, _, _ =	vpop (xrf0)  }
0x145: {  	s23 =	sadd.s32 $0xD400, s16;
	s21 =	sadd.s32 $0xF400, s16;
	s18 =	sadd.s32 $0x10400, s16;
	v0 =	vsel vm11, $0x0, v0;
	(v2sf) =	vpush v3, $0xF  }
0x146: {  	s0 =	sadd.s32 $0xC400, s16;
	s24 =	sadd.s32 $0xE400, s16;
	s20 =	sadd.s32 $0x11400, s16;
	v3, _, _ =	vpop (xrf0)  }
0x147: {  	s1 =	sadd.s32 $0x8400, s16;
	s19 =	sadd.s32 $0x12400, s16;
	s17 =	sadd.s32 $0x14400, s16;
	(v2sf) =	vpush v3, $0xF  }
0x148: {  	s4 =	sadd.s32 $0x9400, s16;
	s6 =	sadd.s32 $0xA400, s16;
	(xrf0) =	vadd.scan.msk.s32 $0xffff, v0;
	v0, _, _ =	vpop (xrf0);
	s7 =	spop (v2sf)  }
0x149: {  	s22 =	sadd.s32 $0x13400, s16;
	s7 =	sshll.u32 s7, $0x4;
	s8 =	spop (v2sf);
	(v2sf) =	vpush v0, $0xF  }
0x14a: {  	s7 =	sand.u32 $0x1FFFFFF0, s7;
	s8 =	sshll.u32 s8, $0x4;
	s9 =	spop (v2sf)  }
0x14b: {  	s9 =	sshll.u32 s9, $0x4;
	s8 =	sand.u32 $0x1FFFFFF0, s8;
	s11 =	spop (v2sf)  }
0x14c: {  	v0, _, _ =	vpop (xrf0);
	s9 =	sand.u32 $0x1FFFFFF0, s9;
	s8 =	sadd.s32 s3, s8;
	s13 =	spop (v2sf)  }
0x14d: {  	(v2sf) =	vpush v0, $0xF;
	s11 =	sshll.u32 s11, $0x4;
	s13 =	sshll.u32 s13, $0x4;
	s25 =	spop (v2sf)  }
0x14e: {  	v0, _, _ =	vpop (xrf0);
	s11 =	sand.u32 $0x1FFFFFF0, s11;
	s25 =	sshll.u32 s25, $0x4;
	s13 =	sand.u32 $0x1FFFFFF0, s13  }
0x14f: {  	(v2sf) =	vpush v0, $0xF;
	s26 =	spop (v2sf);
	s31 =	sadd.s32 s3, s11;
	s25 =	sand.u32 $0x1FFFFFF0, s25  }
0x150: {  	s26 =	sshll.u32 s26, $0x4;
	s28 =	spop (v2sf);
	s25 =	sadd.s32 s3, s25  }
0x151: {  	[tilespmem:s1], [sflag:$0x1] =	stream.linear.gather [hbm4b:s25+s15], $0x80, $0x38;
	[tilespmem:$0x1CC00] =	vst v63  }
0x152: {  	s30 =	sadd.s32 s3, s13;
	s13 =	sadd.s32 $0xB400, s16;
	s26 =	sand.u32 $0x1FFFFFF0, s26  }
0x153: {  	[tilespmem:s4], [sflag:$0x1] =	stream.linear.gather [hbm4b:s30+s15], $0x80, $0x38;
	[tilespmem:$0x1CC00] =	vst v63  }
0x154: {  	s28 =	sshll.u32 s28, $0x4;
	s25 =	sadd.s32 s3, s9;
	s11 =	spop (v2sf)  }
0x155: {  	(v2sf) =	vpush v2, $0xF;
	[tilespmem:s6], [sflag:$0x1] =	stream.linear.gather [hbm4b:s31+s15], $0x80, $0x38;
	[tilespmem:$0x1CC00] =	vst v63  }
0x156: {  	s4 =	sadd.s32 s3, s7;
	s7 =	sand.u32 $0x1FFFFFF0, s28;
	s30 =	spop (v2sf)  }
0x157: {  	(v2sf) =	vpush v1, $0xF;
	[tilespmem:s13], [sflag:$0x1] =	stream.linear.gather [hbm4b:s25+s15], $0x80, $0x38;
	[tilespmem:$0x1CC00] =	vst v63  }
0x158: {  	s29 =	sshll.u32 s11, $0x4;
	s9 =	sshll.u32 s30, $0x4;
	s11 =	spop (v2sf)  }
0x159: {  	(v2sf) =	vpush v4, $0xF;
	[tilespmem:s0], [sflag:$0x1] =	stream.linear.gather [hbm4b:s4+s15], $0x80, $0x38;
	[tilespmem:$0x1CC00] =	vst v63  }
0x15a: {  	s31 =	sand.u32 $0x1FFFFFF0, s29;
	s13 =	sand.u32 $0x1FFFFFF0, s9;
	s25 =	sshll.u32 s11, $0x4  }
0x15b: {  	[tilespmem:s23], [sflag:$0x1] =	stream.linear.gather [hbm4b:s8+s15], $0x80, $0x38;
	[tilespmem:$0x1CC00] =	vst v63  }
0x15c: {  	s29 =	spop (v2sf);
	s1 =	sadd.s32 s3, s31;
	s4 =	sand.u32 $0x1FFFFFF0, s25  }
0x15d: {  	[tilespmem:s24], [sflag:$0x1] =	stream.linear.gather [hbm4b:s1+s15], $0x80, $0x38;
	[tilespmem:$0x1CC00] =	vst v63  }
0x15e: {  	s6 =	sshll.u32 s29, $0x4;
	s0 =	sadd.s32 s3, s13;
	s31 =	spop (v2sf)  }
0x15f: {  	[tilespmem:s21], [sflag:$0x1] =	stream.linear.gather [hbm4b:s0+s15], $0x80, $0x38;
	[tilespmem:$0x1CC00] =	vst v63  }
0x160: {  	s30 =	sand.u32 $0x1FFFFFF0, s6;
	s4 =	sadd.s32 s3, s4;
	s6 =	sshll.u32 s31, $0x4  }
0x161: {  	[tilespmem:s18], [sflag:$0x1] =	stream.linear.gather [hbm4b:s4+s15], $0x80, $0x38;
	[tilespmem:$0x1CC00] =	vst v63  }
0x162: {  	s25 =	sadd.s32 $0x15400, s16;
	s8 =	sadd.s32 s3, s30;
	s9 =	sand.u32 $0x1FFFFFF0, s6  }
0x163: {  	[tilespmem:s20], [sflag:$0x1] =	stream.linear.gather [hbm4b:s8+s15], $0x80, $0x38;
	[tilespmem:$0x1CC00] =	vst v63  }
0x164: {  	s23 =	sadd.s32 s3, s7;
	s11 =	spop (v2sf);
	s13 =	sadd.s32 s3, s9  }
0x165: {  	[tilespmem:s19], [sflag:$0x1] =	stream.linear.gather [hbm4b:s13+s15], $0x80, $0x38;
	[tilespmem:$0x1CC00] =	vst v63  }
0x166: {  	s21 =	sadd.s32 s3, s26;
	s18 =	sshll.u32 s11, $0x4;
	s20 =	spop (v2sf)  }
0x167: {  	[tilespmem:s22], [sflag:$0x1] =	stream.linear.gather [hbm4b:s21+s15], $0x80, $0x38;
	[tilespmem:$0x1CC00] =	vst v63  }
0x168: {  	s1 =	sand.u32 $0x1FFFFFF0, s18;
	s4 =	sshll.u32 s20, $0x4;
	s24 =	spop (v2sf)  }
0x169: {  	[tilespmem:s17], [sflag:$0x1] =	stream.linear.gather [hbm4b:s23+s15], $0x80, $0x38;
	[tilespmem:$0x1CC00] =	vst v63  }
0x16a: {  	s1 =	sadd.s32 s3, s1;
	s4 =	sand.u32 $0x1FFFFFF0, s4;
	s6 =	sshll.u32 s24, $0x4  }
0x16b: {  	[tilespmem:s25], [sflag:$0x1] =	stream.linear.gather [hbm4b:s1+s15], $0x80, $0x38;
	[tilespmem:$0x1CC00] =	vst v63  }
0x16c: {  	s26 =	sadd.s32 $0x16400, s16;
	s28 =	sadd.s32 s3, s4;
	s29 =	sand.u32 $0x1FFFFFF0, s6  }
0x16d: {  	[tilespmem:s26], [sflag:$0x1] =	stream.linear.gather [hbm4b:s28+s15], $0x80, $0x38;
	[tilespmem:$0x1CC00] =	vst v63  }
0x16e: {  	s30 =	sadd.s32 $0x17400, s16;
	s31 =	sadd.s32 s3, s29  }
0x16f: {  	[tilespmem:s30], [sflag:$0x1] =	stream.linear.gather [hbm4b:s31+s15], $0x80, $0x38;
	[tilespmem:$0x1CC00] =	vst v63  }
0x170: {  	_ =	swait.ge [sflag:s5], $0x80  }
0x171: {  	[sflag:s5] =	ssyncset.done $0x0  }
0x172: {  	[sflag:s5] =	ssyncadd.s32 $0xFFFFFF80  }
0x173: {  	_ =	swait.ge [sflag:s5], $0x80  }
0x174: {  	[sflag:s5] =	ssyncset.done $0x0  }
0x175: {  	[sflag:s5] =	ssyncadd.s32 $0xFFFFFF80  }
0x176: {  	_ =	swait.ge [sflag:s5], $0x80  }
0x177: {  	[sflag:s5] =	ssyncset.done $0x0  }
0x178: {  	[sflag:s5] =	ssyncadd.s32 $0xFFFFFF80  }
0x179: {  	_ =	swait.ge [sflag:s5], $0x80  }
0x17a: {  	[sflag:s5] =	ssyncset.done $0x0  }
0x17b: {  	[sflag:s5] =	ssyncadd.s32 $0xFFFFFF80  }
0x17c: {  	_ =	swait.ge [sflag:s5], $0x80  }
0x17d: {  	[sflag:s5] =	ssyncset.done $0x0  }
0x17e: {  	[sflag:s5] =	ssyncadd.s32 $0xFFFFFF80  }
0x17f: {  	_ =	swait.ge [sflag:s5], $0x80  }
0x180: {  	[sflag:s5] =	ssyncset.done $0x0  }
0x181: {  	[sflag:s5] =	ssyncadd.s32 $0xFFFFFF80  }
0x182: {  	_ =	swait.ge [sflag:s5], $0x80  }
0x183: {  	[sflag:s5] =	ssyncset.done $0x0  }
0x184: {  	[sflag:s5] =	ssyncadd.s32 $0xFFFFFF80  }
0x185: {  	_ =	swait.ge [sflag:s5], $0x80  }
0x186: {  	[sflag:s5] =	ssyncset.done $0x0  }
0x187: {  	[sflag:s5] =	ssyncadd.s32 $0xFFFFFF80  }
0x188: {  	v0 =	vlaneseq.u32;
	_ =	swait.ge [sflag:s5], $0x80  }
0x189: {  	v1 =	vor.u32 s15, v0;
	[sflag:s5] =	ssyncset.done $0x0  }
0x18a: {  	v0 =	vshll.u32 v1, $0x7;
	[sflag:s5] =	ssyncadd.s32 $0xFFFFFF80  }
0x18b: {  	v3 =	vor.u32 $0x37, v0;
	_ =	swait.ge [sflag:s5], $0x80  }
0x18c: {  	[sflag:s5] =	ssyncset.done $0x0;
	[tilespmem:$0x1F9E0] =	vst v3;
	v3 =	vor.u32 $0x35, v0  }
0x18d: {  	[sflag:s5] =	ssyncadd.s32 $0xFFFFFF80;
	[tilespmem:$0x1F9F0] =	vst v3  }
0x18e: {  	v3 =	vor.u32 $0x36, v0;
	_ =	swait.ge [sflag:s5], $0x80  }
0x18f: {  	[tilespmem:$0x1FA00] =	vst v3;
	v3 =	vor.u32 $0x32, v0  }
0x190: {  	[tilespmem:$0x1FA10] =	vst v3;
	v3 =	vor.u32 $0x33, v0  }
0x191: {  	[tilespmem:$0x1FA20] =	vst v3;
	v3 =	vor.u32 $0x34, v0  }
0x192: {  	[tilespmem:$0x1FA30] =	vst v3;
	v3 =	vor.u32 $0x30, v0  }
0x193: {  	[tilespmem:$0x1FA40] =	vst v3;
	v3 =	vor.u32 $0x31, v0  }
0x194: {  	[tilespmem:$0x1FA50] =	vst v3;
	v3 =	vor.u32 $0x2E, v0  }
0x195: {  	[tilespmem:$0x1FA60] =	vst v3;
	v3 =	vor.u32 $0x2F, v0  }
0x196: {  	[sflag:s5] =	ssyncset.done $0x0;
	[tilespmem:$0x1FA70] =	vst v3;
	v3 =	vor.u32 $0x2C, v0  }
0x197: {  	[sflag:s5] =	ssyncadd.s32 $0xFFFFFF80;
	[tilespmem:$0x1FA80] =	vst v3  }
0x198: {  	v3 =	vor.u32 $0x2D, v0;
	_ =	swait.ge [sflag:s5], $0x80  }
0x199: {  	[tilespmem:$0x1FA90] =	vst v3;
	v3 =	vor.u32 $0x29, v0  }
0x19a: {  	[tilespmem:$0x1FAA0] =	vst v3;
	v3 =	vor.u32 $0x2A, v0  }
0x19b: {  	[tilespmem:$0x1FAB0] =	vst v3;
	v3 =	vor.u32 $0x2B, v0  }
0x19c: {  	[tilespmem:$0x1FAC0] =	vst v3;
	v3 =	vor.u32 $0x27, v0  }
0x19d: {  	[tilespmem:$0x1FAD0] =	vst v3;
	v3 =	vor.u32 $0x28, v0  }
0x19e: {  	[tilespmem:$0x1FAE0] =	vst v3;
	v3 =	vor.u32 $0x24, v0  }
0x19f: {  	[tilespmem:$0x1FAF0] =	vst v3;
	v3 =	vor.u32 $0x25, v0  }
0x1a0: {  	[sflag:s5] =	ssyncset.done $0x0;
	[tilespmem:$0x1FB00] =	vst v3;
	v3 =	vor.u32 $0x26, v0  }
0x1a1: {  	[sflag:s5] =	ssyncadd.s32 $0xFFFFFF80;
	[tilespmem:$0x1FB10] =	vst v3  }
0x1a2: {  	v3 =	vor.u32 $0x21, v0;
	_ =	swait.ge [sflag:s5], $0x80  }
0x1a3: {  	[tilespmem:$0x1FB20] =	vst v3;
	v3 =	vor.u32 $0x22, v0  }
0x1a4: {  	[tilespmem:$0x1FB30] =	vst v3;
	v3 =	vor.u32 $0x23, v0  }
0x1a5: {  	[tilespmem:$0x1FB40] =	vst v3;
	v3 =	vor.u32 $0x1E, v0  }
0x1a6: {  	[tilespmem:$0x1FB50] =	vst v3;
	v3 =	vor.u32 $0x1F, v0  }
0x1a7: {  	[tilespmem:$0x1FB60] =	vst v3;
	v3 =	vor.u32 $0x20, v0  }
0x1a8: {  	[tilespmem:$0x1FB70] =	vst v3;
	v3 =	vor.u32 $0x1B, v0  }
0x1a9: {  	[tilespmem:$0x1FB80] =	vst v3;
	v3 =	vor.u32 $0x1C, v0  }
0x1aa: {  	[sflag:s5] =	ssyncset.done $0x0;
	[tilespmem:$0x1FB90] =	vst v3;
	v3 =	vor.u32 $0x1D, v0  }
0x1ab: {  	[sflag:s5] =	ssyncadd.s32 $0xFFFFFF80;
	[tilespmem:$0x1FBA0] =	vst v3  }
0x1ac: {  	v1 =	vshll.u32 v1, $0x6;
	v3 =	vor.u32 $0x18, v0;
	_ =	swait.ge [sflag:s5], $0x80  }
0x1ad: {  	v37 =	vand.u32 $0x7F80, v1;
	v1 =	vor.u32 $0x17, v0;
	[tilespmem:$0x1FBB0] =	vst v3  }
0x1ae: {  	v3 =	vor.u32 $0x19, v0;
	[tilespmem:$0x1FC00] =	vst v1  }
0x1af: {  	v1 =	vor.u32 $0x12, v0;
	[tilespmem:$0x1FBC0] =	vst v3  }
0x1b0: {  	v3 =	vor.u32 $0x1A, v0;
	[tilespmem:$0x1FC10] =	vst v1  }
0x1b1: {  	[tilespmem:$0x1FBD0] =	vst v3;
	v3 =	vor.u32 $0x15, v0  }
0x1b2: {  	[sflag:s5] =	ssyncset.done $0x0;
	[tilespmem:$0x1FBE0] =	vst v3;
	v3 =	vor.u32 $0x16, v0  }
0x1b3: {  	[sflag:s5] =	ssyncadd.s32 $0xFFFFFF80;
	[tilespmem:$0x1FBF0] =	vst v3  }
0x1b4: {  	v1 =	vor.u32 $0x14, v0;
	_ =	swait.ge [sflag:s5], $0x80  }
0x1b5: {  	[tilespmem:$0x1FC20] =	vst v1;
	[sflag:s5] =	ssyncset.done $0x0;
	v1 =	vor.u32 $0x11, v0  }
0x1b6: {  	[tilespmem:$0x1FC30] =	vst v1;
	[sflag:s5] =	ssyncadd.s32 $0xFFFFFF80  }
0x1b7: {  	v8 =	vor.u32 $0x3F, v47;
	_ =	swait.ge [sflag:s5], $0x80  }
0x1b8: {  	v11 =	vor.u32 $0x3D, v47;
	[tilespmem:$0x1FC40] =	vst v8  }
0x1b9: {  	v12 =	vor.u32 $0x3C, v47;
	[tilespmem:$0x1FC50] =	vst v11  }
0x1ba: {  	v13 =	vor.u32 $0x3B, v47;
	[tilespmem:$0x1FC60] =	vst v12  }
0x1bb: {  	v14 =	vor.u32 $0x3A, v47;
	[tilespmem:$0x1FC70] =	vst v13  }
0x1bc: {  	v15 =	vor.u32 $0x39, v47;
	[tilespmem:$0x1FC80] =	vst v14  }
0x1bd: {  	v17 =	vor.u32 $0x38, v47;
	[tilespmem:$0x1FC90] =	vst v15  }
0x1be: {  	v46 =	vor.u32 $0x3E, v47;
	v19 =	vor.u32 $0x37, v47;
	v26 =	vor.u32 $0x35, v47;
	[tilespmem:$0x1FCA0] =	vst v17  }
0x1bf: {  	v21 =	vor.u32 $0x36, v47;
	v28 =	vor.u32 $0x33, v47;
	v27 =	vor.u32 $0x34, v47;
	[tilespmem:$0x1FCB0] =	vst v19  }
0x1c0: {  	v31 =	vor.u32 $0x31, v47;
	v29 =	vor.u32 $0x32, v47;
	v33 =	vor.u32 $0x2F, v47;
	[tilespmem:$0x1FCC0] =	vst v21  }
0x1c1: {  	v32 =	vor.u32 $0x30, v47;
	v35 =	vor.u32 $0x2E, v47;
	v41 =	vor.u32 $0x2D, v47;
	[tilespmem:$0x1FCD0] =	vst v26  }
0x1c2: {  	vm8 =	vmmov vm9;
	v2 =	vimm.f32 $0.0e+00;
	v30 =	vor.u32 $0x3E, v0;
	[tilespmem:$0x1FCE0] =	vst v27  }
0x1c3: {  	v25 =	vor.u32 $0x3F, v0;
	v42 =	vor.u32 $0x3B, v0;
	v36 =	vor.u32 $0x3C, v0;
	[tilespmem:$0x1FCF0] =	vst v28  }
0x1c4: {  	v34 =	vor.u32 $0x3D, v0;
	v44 =	vor.u32 $0x3A, v0;
	v62 =	vor.u32 $0x38, v0;
	[tilespmem:$0x1FD00] =	vst v29  }
0x1c5: {  	p1 =	por $0x1, $0x1;
	v5 =	vor.u32 $0x39, v0;
	v39 =	vor.u32 $0x13, v0;
	v16 =	vor.u32 $0xF, v0;
	[tilespmem:$0x1FD10] =	vst v31  }
.Ltmp1:
0x1c6: {  	v45 =	vor.u32 $0x10, v0;
	v56 =	vor.u32 $0xC, v0;
	v18 =	vor.u32 $0xE, v0;
	[tilespmem:$0x1FD20] =	vst v32;
	(pc) =	sbr.rel @!p1 .LBB2_4-.Ltmp1, $4  }
0x1c7: {  	v23 =	vor.u32 $0x9, v0;
	v60 =	vor.u32 $0xA, v0;
	v58 =	vor.u32 $0xB, v0;
	v20 =	vld [tilespmem:$0x1FDA0];
	[tilespmem:$0x1FD30] =	vst v33  }
0x1c8: {  	v51 =	vor.u32 $0x6, v0;
	v24 =	vor.u32 $0x7, v0;
	v61 =	vor.u32 $0x8, v0;
	v22 =	vld [tilespmem:$0x1FDB0];
	[tilespmem:$0x1FD40] =	vst v35  }
0x1c9: {  	v9 =	vor.u32 $0x3, v0;
	v7 =	vor.u32 $0x4, v0;
	v6 =	vor.u32 $0x5, v0;
	[sflag:s5] =	ssyncset.done $0x0;
	v40 =	vld [tilespmem:$0x1FED0];
	[tilespmem:$0x1FD50] =	vst v41  }
0x1ca: {  	v10 =	vor.u32 $0x2, v0;
	v4 =	vor.u32 $0xD, v0;
	s15 =	simm.s32 $0x10;
	v3 =	vor.u32 $0x1, v0;
	v55 =	vld [tilespmem:$0x1FEC0];
	[tilespmem:$0x1FD60] =	vst v46;
	[sflag:s5] =	ssyncadd.s32 $0xFFFFFF80  }
.LBB2_5:
0x1cb: {  	[tilespmem:$0x1F9C0] =	vst v25;
	v25 =	vld.idx.msk [tilespmem:v0+s12+$0x0], $0xffff;
	v0 =	vor.u32 v27, v37  }
0x1cc: {  	[tilespmem:$0x1F880] =	vst v0;
	v0 =	vor.u32 v26, v37  }
0x1cd: {  	[tilespmem:$0x1F890] =	vst v0;
	v0 =	vor.u32 v31, v37  }
0x1ce: {  	[tilespmem:$0x1F850] =	vst v0;
	v0 =	vor.u32 v29, v37  }
0x1cf: {  	[tilespmem:$0x1F860] =	vst v0;
	v0 =	vor.u32 v28, v37  }
0x1d0: {  	[tilespmem:$0x1F870] =	vst v0;
	v0 =	vor.u32 v33, v37  }
0x1d1: {  	[tilespmem:$0x1F830] =	vst v0;
	v0 =	vor.u32 v32, v37  }
0x1d2: {  	[tilespmem:$0x1F840] =	vst v0;
	v0 =	vld [tilespmem:$0x1FEB0];
	_ =	sdelay $0x4  }
0x1d3: {  	v0 =	vor.u32 v0, v37  }
0x1d4: {  	[tilespmem:$0x1F800] =	vst v0;
	v0 =	vor.u32 v41, v37  }
0x1d5: {  	[tilespmem:$0x1F810] =	vst v0;
	v0 =	vor.u32 v35, v37  }
0x1d6: {  	[tilespmem:$0x1F820] =	vst v0;
	v0 =	vld [tilespmem:$0x1FE90];
	_ =	sdelay $0x4  }
0x1d7: {  	v0 =	vor.u32 v0, v37  }
0x1d8: {  	[tilespmem:$0x1F7E0] =	vst v0;
	v0 =	vld [tilespmem:$0x1FEA0];
	_ =	sdelay $0x4  }
0x1d9: {  	v0 =	vor.u32 v0, v37  }
0x1da: {  	[tilespmem:$0x1F7F0] =	vst v0;
	v0 =	vld [tilespmem:$0x1FE60];
	_ =	sdelay $0x4  }
0x1db: {  	v0 =	vor.u32 v0, v37  }
0x1dc: {  	[tilespmem:$0x1F7B0] =	vst v0;
	v0 =	vld [tilespmem:$0x1FE70];
	_ =	sdelay $0x4  }
0x1dd: {  	v0 =	vor.u32 v0, v37  }
0x1de: {  	[tilespmem:$0x1F7C0] =	vst v0;
	v0 =	vld [tilespmem:$0x1FE80];
	_ =	sdelay $0x4  }
0x1df: {  	v0 =	vor.u32 v0, v37  }
0x1e0: {  	[tilespmem:$0x1F7D0] =	vst v0;
	v0 =	vld [tilespmem:$0x1FD70];
	_ =	sdelay $0x3  }
0x1e1: {  	v31 =	vld.idx.msk [tilespmem:v10+s12+$0x0], $0xffff  }
0x1e2: {  	v10 =	vor.u32 v0, v37;
	v0 =	vld [tilespmem:$0x1FE50];
	_ =	sdelay $0x4  }
0x1e3: {  	v0 =	vor.u32 v0, v37  }
0x1e4: {  	[tilespmem:$0x1F790] =	vst v0;
	v0 =	vor.u32 v38, v37  }
0x1e5: {  	[tilespmem:$0x1F7A0] =	vst v0;
	v0 =	vld [tilespmem:$0x1FE20];
	_ =	sdelay $0x4  }
0x1e6: {  	v0 =	vor.u32 v0, v37  }
0x1e7: {  	[tilespmem:$0x1F760] =	vst v0;
	v0 =	vld [tilespmem:$0x1FE30];
	_ =	sdelay $0x4  }
0x1e8: {  	v0 =	vor.u32 v0, v37  }
0x1e9: {  	[tilespmem:$0x1F770] =	vst v0;
	v0 =	vld [tilespmem:$0x1FE40];
	_ =	sdelay $0x4  }
0x1ea: {  	v0 =	vor.u32 v0, v37  }
0x1eb: {  	[tilespmem:$0x1F780] =	vst v0;
	v0 =	vld [tilespmem:$0x1FE00];
	_ =	sdelay $0x4  }
0x1ec: {  	v0 =	vor.u32 v0, v37  }
0x1ed: {  	[tilespmem:$0x1F740] =	vst v0;
	v0 =	vld [tilespmem:$0x1FE10];
	_ =	sdelay $0x4  }
0x1ee: {  	v0 =	vor.u32 v0, v37  }
0x1ef: {  	[tilespmem:$0x1F750] =	vst v0;
	v0 =	vld [tilespmem:$0x1FDF0];
	_ =	sdelay $0x4  }
0x1f0: {  	[tilespmem:$0x1F980] =	vst v42;
	v0 =	vor.u32 v0, v37  }
0x1f1: {  	[tilespmem:$0x1F730] =	vst v0;
	v0 =	vor.u32 v40, v37  }
0x1f2: {  	[tilespmem:$0x1F720] =	vst v0;
	v0 =	vor.u32 v55, v37  }
0x1f3: {  	[tilespmem:$0x1F710] =	vst v0;
	v0 =	vld [tilespmem:$0x1FDE0]  }
0x1f4: {  	[tilespmem:$0x1F960] =	vst v5;
	v1 =	vor.u32 v11, v37  }
0x1f5: {  	v5 =	vmov v39;
	v39 =	vld.idx.msk [tilespmem:v4+s12+$0x0], $0xffff;
	[tilespmem:$0x1F910] =	vst v1;
	v1 =	vor.u32 v46, v37  }
0x1f6: {  	v4 =	vor.u32 v52, v37;
	v3 =	vld.idx.msk [tilespmem:v3+s12+$0x0], $0xffff;
	[tilespmem:$0x1F920] =	vst v1;
	v1 =	vor.u32 v8, v37  }
0x1f7: {  	v42 =	vld.idx.msk [tilespmem:v7+s12+$0x0], $0xffff;
	v11 =	vor.u32 v47, v37;
	[tilespmem:$0x1F930] =	vst v1;
	v1 =	vor.u32 v13, v37  }
0x1f8: {  	[tilespmem:$0x1F8F0] =	vst v1;
	v1 =	vor.u32 v12, v37;
	v12 =	vor.u32 v49, v37;
	v0 =	vor.u32 v0, v37  }
0x1f9: {  	[tilespmem:$0x1F700] =	vst v0;
	v0 =	vld [tilespmem:$0x1FDD0]  }
0x1fa: {  	[tilespmem:$0x1F9A0] =	vst v34;
	v34 =	vld.idx.msk [tilespmem:v51+s12+$0x0], $0xffff  }
0x1fb: {  	v27 =	vld.idx.msk [tilespmem:v4+s10+$0x0], $0xffff;
	v13 =	vor.u32 v50, v37  }
0x1fc: {  	[tilespmem:$0x1F950] =	vst v62;
	v62 =	vld.idx.msk [tilespmem:v11+s10+$0x0], $0xffff  }
0x1fd: {  	v46 =	vld.idx.msk [tilespmem:v12+s10+$0x0], $0xffff  }
0x1fe: {  	v51 =	vor.u32 v0, v37;
	v0 =	vld [tilespmem:$0x1FDC0]  }
0x1ff: {  	v11 =	vor.u32 v54, v37;
	v33 =	vld.idx.msk [tilespmem:v6+s12+$0x0], $0xffff  }
0x200: {  	v26 =	vld.idx.msk [tilespmem:v13+s10+$0x0], $0xffff  }
0x201: {  	v32 =	vld.idx.msk [tilespmem:v9+s12+$0x0], $0xffff  }
0x202: {  	v9 =	vor.u32 v57, v37;
	v12 =	vmul.f32 v62, v62;
	v13 =	vmul.f32 v46, v46;
	v35 =	vld.idx.msk [tilespmem:v61+s12+$0x0], $0xffff  }
0x203: {  	[tilespmem:$0x1F900] =	vst v1;
	v1 =	vor.u32 v15, v37;
	v61 =	vor.u32 v0, v37;
	v0 =	vld [tilespmem:$0x1FF60]  }
0x204: {  	v4 =	vld.idx.msk [tilespmem:v11+s10+$0x0], $0xffff;
	v11 =	vmul.f32 v25, v25;
	v7 =	vadd.f32 v13, v12;
	v12 =	vmul.f32 v3, v3  }
0x205: {  	[tilespmem:$0x1F8D0] =	vst v1;
	v1 =	vor.u32 v14, v37;
	v14 =	vor.u32 v59, v37;
	v13 =	vmul.f32 v26, v26  }
0x206: {  	v11 =	vadd.f32 v12, v11;
	v28 =	vld.idx.msk [tilespmem:v10+s10+$0x0], $0xffff;
	v10 =	vmul.f32 v31, v31  }
0x207: {  	v6 =	vor.u32 v43, v37;
	v12 =	vadd.f32 v13, v7;
	v13 =	vmul.f32 v27, v27;
	v7 =	vld.idx.msk [tilespmem:v9+s10+$0x0], $0xffff  }
0x208: {  	v9 =	vmul.f32 v32, v32;
	v10 =	vadd.f32 v10, v11;
	v40 =	vor.u32 v0, v37;
	v0 =	vld [tilespmem:$0x1FF70]  }
0x209: {  	[tilespmem:$0x1F970] =	vst v44;
	v11 =	vadd.f32 v13, v12;
	v13 =	vmul.f32 v4, v4  }
0x20a: {  	v44 =	vor.u32 v63, v37;
	v29 =	vld.idx.msk [tilespmem:v14+s10+$0x0], $0xffff;
	v14 =	vmul.f32 v42, v42;
	v10 =	vadd.f32 v9, v10  }
0x20b: {  	v11 =	vadd.f32 v13, v11;
	v13 =	vmul.f32 v28, v28  }
0x20c: {  	v9 =	vld.idx.msk [tilespmem:v6+s10+$0x0], $0xffff;
	v6 =	vmul.f32 v33, v33;
	v10 =	vadd.f32 v14, v10;
	v55 =	vor.u32 v53, v37  }
0x20d: {  	v14 =	vmul.f32 v7, v7;
	v11 =	vadd.f32 v13, v11;
	v41 =	vor.u32 v0, v37;
	v0 =	vld [tilespmem:$0x1FF80];
	_ =	sdelay $0x1  }
0x20e: {  	v6 =	vadd.f32 v6, v10;
	v10 =	vadd.f32 v14, v11;
	v11 =	vld.idx.msk [tilespmem:v44+s10+$0x0], $0xffff  }
0x20f: {  	v44 =	vld.idx.msk [tilespmem:v60+s12+$0x0], $0xffff  }
0x210: {  	v60 =	vld.idx.msk [tilespmem:v55+s10+$0x0], $0xffff  }
0x211: {  	v55 =	vor.u32 v0, v37;
	v0 =	vld [tilespmem:$0x1FFF0];
	_ =	sdelay $0x4  }
0x212: {  	[tilespmem:$0x1F8E0] =	vst v1;
	v1 =	vor.u32 v21, v37;
	v21 =	vor.u32 v0, v37;
	v0 =	vld [tilespmem:$0x1FF90];
	_ =	sdelay $0x1  }
0x213: {  	[tilespmem:$0x1F990] =	vst v36;
	v36 =	vld.idx.msk [tilespmem:v58+s12+$0x0], $0xffff  }
0x214: {  	[tilespmem:$0x1F9B0] =	vst v30;
	v30 =	vor.u32 v48, v37;
	v12 =	vld.idx.msk [tilespmem:v24+s12+$0x0], $0xffff  }
0x215: {  	v58 =	vld.idx.msk [tilespmem:v40+s10+$0x0], $0xffff  }
0x216: {  	v40 =	vor.u32 v0, v37;
	v0 =	vld [tilespmem:$0x1FFE0];
	_ =	sdelay $0x2  }
0x217: {  	v30 =	vld.idx.msk [tilespmem:v30+s10+$0x0], $0xffff;
	v15 =	vmul.f32 v34, v34;
	[tilespmem:$0x1F8A0] =	vst v1;
	v1 =	vor.u32 v19, v37  }
0x218: {  	[tilespmem:$0x1F8B0] =	vst v1;
	v1 =	vor.u32 v17, v37;
	v13 =	vld.idx.msk [tilespmem:v23+s12+$0x0], $0xffff;
	v14 =	vmul.f32 v29, v29  }
0x219: {  	[tilespmem:$0x1F9D0] =	vst v2;
	v17 =	vmul.f32 v12, v12;
	v6 =	vadd.f32 v15, v6;
	v2 =	vor.u32 v0, v37;
	v0 =	vld [tilespmem:$0x1FFA0]  }
0x21a: {  	[tilespmem:$0x1F8C0] =	vst v1;
	v1 =	vld [tilespmem:$0x1FD90];
	v10 =	vadd.f32 v14, v10;
	v14 =	vmul.f32 v9, v9  }
0x21b: {  	v15 =	vmul.f32 v35, v35;
	v6 =	vadd.f32 v17, v6  }
0x21c: {  	v10 =	vadd.f32 v14, v10;
	v14 =	vmul.f32 v30, v30  }
0x21d: {  	v23 =	vor.u32 v20, v37;
	v17 =	vmul.f32 v13, v13;
	v15 =	vadd.f32 v15, v6  }
0x21e: {  	v20 =	vmovc v47;
	v10 =	vadd.f32 v14, v10;
	v14 =	vmul.f32 v11, v11;
	v47 =	vor.u32 v0, v37  }
0x21f: {  	v0 =	vmovc v48;
	v48 =	vmovc v43;
	v43 =	vmov v59;
	v59 =	vmov v49;
	v49 =	vor.u32 v1, v37;
	v1 =	vld [tilespmem:$0x1FFB0]  }
0x220: {  	v15 =	vadd.f32 v17, v15;
	v14 =	vadd.f32 v14, v10;
	v17 =	vmul.f32 v60, v60;
	_ =	sdelay $0x1  }
0x221: {  	v17 =	vadd.f32 v17, v14;
	v14 =	vld.idx.msk [tilespmem:v16+s12+$0x0], $0xffff  }
0x222: {  	v16 =	vld [tilespmem:$0x1FFC0]  }
0x223: {  	v19 =	vor.u32 v1, v37;
	v1 =	vld [tilespmem:$0x1FD80];
	_ =	sdelay $0x3  }
0x224: {  	v24 =	vor.u32 v22, v37  }
0x225: {  	v22 =	vmovc v54;
	v54 =	vor.u32 v1, v37;
	v1 =	vmov v57;
	v57 =	vor.u32 v16, v37;
	_ =	sdelay $0x2  }
0x226: {  	v25 =	vmul.f32 v25, v62;
	v46 =	vmul.f32 v3, v46  }
0x227: {  	v62 =	vld.idx.msk [tilespmem:v19+s10+$0x0], $0xffff  }
0x228: {  	v19 =	vadd.f32 v46, v25;
	v25 =	vld.idx.msk [tilespmem:v57+s10+$0x0], $0xffff  }
0x229: {  	v57 =	vmov v1;
	v1 =	vld [tilespmem:$0x1FC10];
	_ =	sdelay $0x7  }
0x22a: {  	v27 =	vmul.f32 v32, v27;
	v32 =	vld.idx.msk [tilespmem:v1+s12+$0x0], $0xffff  }
0x22b: {  	v1 =	vld [tilespmem:$0x1FC20];
	_ =	sdelay $0x1  }
0x22c: {  	v26 =	vmul.f32 v31, v26;
	_ =	sdelay $0x1  }
0x22d: {  	v19 =	vadd.f32 v26, v19;
	_ =	sdelay $0x1  }
0x22e: {  	v19 =	vadd.f32 v27, v19;
	v27 =	vmul.f32 v42, v4;
	_ =	sdelay $0x1  }
0x22f: {  	v19 =	vadd.f32 v27, v19;
	v27 =	vmul.f32 v33, v28;
	v28 =	vld.idx.msk [tilespmem:v1+s12+$0x0], $0xffff  }
0x230: {  	v1 =	vld.idx.msk [tilespmem:v49+s10+$0x0], $0xffff  }
0x231: {  	v49 =	vmovc v59;
	v59 =	vmov v43;
	v43 =	vmov v48;
	v48 =	vmov v0;
	v0 =	vld [tilespmem:$0x1FBE0];
	_ =	sdelay $0x7  }
0x232: {  	v19 =	vadd.f32 v27, v19;
	v27 =	vmul.f32 v34, v7;
	v7 =	vld.idx.msk [tilespmem:v0+s12+$0x0], $0xffff  }
0x233: {  	v0 =	vld [tilespmem:$0x1FBF0];
	_ =	sdelay $0x5  }
0x234: {  	v8 =	vmov v53  }
0x235: {  	v53 =	vmovc v63;
	v63 =	vmov v50;
	v50 =	vmul.f32 v36, v36;
	v6 =	vld.idx.msk [tilespmem:v41+s10+$0x0], $0xffff;
	v41 =	vmul.f32 v44, v44  }
0x236: {  	v19 =	vadd.f32 v27, v19;
	v27 =	vmul.f32 v12, v29;
	v12 =	vld.idx.msk [tilespmem:v0+s12+$0x0], $0xffff  }
0x237: {  	v15 =	vadd.f32 v41, v15;
	v0 =	vld [tilespmem:$0x1FC00];
	_ =	sdelay $0x1  }
0x238: {  	v15 =	vadd.f32 v50, v15;
	v50 =	vmovc v63;
	v63 =	vmov v53;
	v53 =	vmov v8;
	v8 =	vld [tilespmem:$0x1FFD0];
	_ =	sdelay $0x2  }
0x239: {  	v38 =	vld.idx.msk [tilespmem:v56+s12+$0x0], $0xffff  }
0x23a: {  	v56 =	vld.idx.msk [tilespmem:v55+s10+$0x0], $0xffff  }
0x23b: {  	v37 =	vor.u32 v8, v37;
	v8 =	vld [tilespmem:$0x1FC30]  }
0x23c: {  	v19 =	vadd.f32 v27, v19;
	v27 =	vmul.f32 v35, v9;
	v9 =	vld.idx.msk [tilespmem:v0+s12+$0x0], $0xffff  }
0x23d: {  	v0 =	vld [tilespmem:$0x1FBB0]  }
0x23e: {  	v41 =	vmul.f32 v58, v58  }
0x23f: {  	v10 =	vld.idx.msk [tilespmem:v18+s12+$0x0], $0xffff  }
0x240: {  	v17 =	vadd.f32 v41, v17;
	v41 =	vmul.f32 v6, v6;
	v18 =	vld.idx.msk [tilespmem:v40+s10+$0x0], $0xffff;
	v40 =	vmul.f32 v38, v38  }
0x241: {  	v55 =	vmul.f32 v39, v39  }
0x242: {  	v3 =	vld.idx.msk [tilespmem:v45+s12+$0x0], $0xffff;
	v17 =	vadd.f32 v41, v17;
	v15 =	vadd.f32 v40, v15;
	v40 =	vmul.f32 v56, v56  }
0x243: {  	v16 =	vld.idx.msk [tilespmem:v47+s10+$0x0], $0xffff  }
0x244: {  	v41 =	vmul.f32 v10, v10;
	v15 =	vadd.f32 v55, v15;
	v17 =	vadd.f32 v40, v17;
	v31 =	vld.idx.msk [tilespmem:v8+s12+$0x0], $0xffff  }
0x245: {  	v55 =	vmul.f32 v18, v18;
	v19 =	vadd.f32 v27, v19;
	v27 =	vmul.f32 v13, v30;
	v13 =	vld.idx.msk [tilespmem:v0+s12+$0x0], $0xffff  }
0x246: {  	v15 =	vadd.f32 v41, v15;
	v46 =	vmul.f32 v14, v14;
	v0 =	vld [tilespmem:$0x1FBC0]  }
0x247: {  	v17 =	vadd.f32 v55, v17  }
0x248: {  	v55 =	vmul.f32 v16, v16;
	v26 =	vld.idx.msk [tilespmem:v37+s10+$0x0], $0xffff;
	v37 =	vmul.f32 v3, v3;
	v8 =	vadd.f32 v46, v15;
	_ =	sdelay $0x1  }
0x249: {  	v15 =	vadd.f32 v55, v17;
	v8 =	vadd.f32 v37, v8;
	v55 =	vmul.f32 v31, v31;
	_ =	sdelay $0x1  }
0x24a: {  	v42 =	vld.idx.msk [tilespmem:v5+s12+$0x0], $0xffff;
	v8 =	vadd.f32 v55, v8;
	v37 =	vmul.f32 v32, v32;
	_ =	sdelay $0x1  }
0x24b: {  	v8 =	vadd.f32 v37, v8;
	v37 =	vmul.f32 v44, v11;
	v11 =	vld.idx.msk [tilespmem:v0+s12+$0x0], $0xffff  }
0x24c: {  	v0 =	vld [tilespmem:$0x1FBD0];
	_ =	sdelay $0x1  }
0x24d: {  	v29 =	vmul.f32 v42, v42;
	_ =	sdelay $0x1  }
0x24e: {  	v29 =	vadd.f32 v29, v8;
	v45 =	vmul.f32 v28, v28;
	_ =	sdelay $0x1  }
0x24f: {  	v29 =	vadd.f32 v45, v29;
	v30 =	vmul.f32 v7, v7;
	_ =	sdelay $0x1  }
0x250: {  	v47 =	vmov v20;
	v20 =	vadd.f32 v30, v29;
	v29 =	vld.idx.msk [tilespmem:v0+s12+$0x0], $0xffff  }
0x251: {  	v0 =	vld [tilespmem:$0x1FB80];
	_ =	sdelay $0x3  }
0x252: {  	v19 =	vadd.f32 v27, v19;
	_ =	sdelay $0x1  }
0x253: {  	v19 =	vadd.f32 v37, v19;
	v30 =	vmul.f32 v36, v60;
	_ =	sdelay $0x1  }
0x254: {  	v19 =	vadd.f32 v30, v19;
	v30 =	vld.idx.msk [tilespmem:v0+s12+$0x0], $0xffff  }
0x255: {  	v0 =	vld [tilespmem:$0x1F700];
	_ =	sdelay $0x7  }
0x256: {  	v37 =	vld.idx.msk [tilespmem:v0+s10+$0x0], $0xffff  }
0x257: {  	v0 =	vld [tilespmem:$0x1FB90];
	_ =	sdelay $0x3  }
0x258: {  	v44 =	vmul.f32 v12, v12;
	_ =	sdelay $0x1  }
0x259: {  	v20 =	vadd.f32 v44, v20;
	v45 =	vmul.f32 v9, v9;
	_ =	sdelay $0x1  }
0x25a: {  	v20 =	vadd.f32 v45, v20;
	v45 =	vld.idx.msk [tilespmem:v0+s12+$0x0], $0xffff  }
0x25b: {  	v0 =	vld [tilespmem:$0x1F710];
	_ =	sdelay $0x6  }
0x25c: {  	v4 =	vld.idx.msk [tilespmem:v54+s10+$0x0], $0xffff  }
0x25d: {  	v54 =	vmov v22;
	v22 =	vld.idx.msk [tilespmem:v0+s10+$0x0], $0xffff  }
0x25e: {  	v0 =	vld [tilespmem:$0x1FBA0];
	_ =	sdelay $0x4  }
0x25f: {  	v8 =	vld.idx.msk [tilespmem:v23+s10+$0x0], $0xffff  }
0x260: {  	v23 =	vld.idx.msk [tilespmem:v24+s10+$0x0], $0xffff  }
0x261: {  	v24 =	vld.idx.msk [tilespmem:v51+s10+$0x0], $0xffff  }
0x262: {  	v51 =	vld.idx.msk [tilespmem:v0+s12+$0x0], $0xffff  }
0x263: {  	v0 =	vld [tilespmem:$0x1F720];
	_ =	sdelay $0x5  }
0x264: {  	v5 =	vld.idx.msk [tilespmem:v2+s10+$0x0], $0xffff  }
0x265: {  	v2 =	vld.idx.msk [tilespmem:v21+s10+$0x0], $0xffff  }
0x266: {  	v21 =	vld.idx.msk [tilespmem:v0+s10+$0x0], $0xffff  }
0x267: {  	v0 =	vld [tilespmem:$0x1FB50];
	_ =	sdelay $0x1  }
0x268: {  	v60 =	vmul.f32 v38, v58;
	_ =	sdelay $0x1  }
0x269: {  	v6 =	vmul.f32 v39, v6;
	v19 =	vadd.f32 v60, v19;
	_ =	sdelay $0x1  }
0x26a: {  	v10 =	vmul.f32 v10, v56;
	v6 =	vadd.f32 v6, v19;
	_ =	sdelay $0x1  }
0x26b: {  	v6 =	vadd.f32 v10, v6;
	v10 =	vmul.f32 v14, v18;
	v14 =	vld.idx.msk [tilespmem:v0+s12+$0x0], $0xffff  }
0x26c: {  	v0 =	vld [tilespmem:$0x1F730];
	_ =	sdelay $0x6  }
0x26d: {  	v3 =	vmul.f32 v3, v16;
	v6 =	vadd.f32 v10, v6  }
0x26e: {  	v17 =	vmul.f32 v62, v62;
	v18 =	vld.idx.msk [tilespmem:v0+s10+$0x0], $0xffff  }
0x26f: {  	v3 =	vadd.f32 v3, v6;
	v6 =	vmul.f32 v31, v62;
	v0 =	vld [tilespmem:$0x1FB60]  }
0x270: {  	v15 =	vadd.f32 v17, v15;
	v17 =	vmul.f32 v25, v25  }
0x271: {  	v3 =	vadd.f32 v6, v3;
	v6 =	vmul.f32 v32, v25  }
0x272: {  	v15 =	vadd.f32 v17, v15;
	v17 =	vmul.f32 v26, v26  }
0x273: {  	v3 =	vadd.f32 v6, v3;
	v6 =	vmul.f32 v42, v26  }
0x274: {  	v15 =	vadd.f32 v17, v15  }
0x275: {  	v17 =	vmul.f32 v4, v4;
	v3 =	vadd.f32 v6, v3;
	v6 =	vmul.f32 v28, v4;
	v4 =	vld [tilespmem:$0x1FB40];
	_ =	sdelay $0x1  }
0x276: {  	v15 =	vadd.f32 v17, v15;
	v17 =	vmul.f32 v1, v1;
	v58 =	vld.idx.msk [tilespmem:v0+s12+$0x0], $0xffff  }
0x277: {  	v3 =	vadd.f32 v6, v3;
	v6 =	vmul.f32 v7, v1;
	v0 =	vld [tilespmem:$0x1F740]  }
0x278: {  	v27 =	vld.idx.msk [tilespmem:v61+s10+$0x0], $0xffff;
	v15 =	vadd.f32 v17, v15;
	v17 =	vmul.f32 v5, v5;
	v61 =	vmul.f32 v13, v13  }
0x279: {  	v1 =	vld [tilespmem:$0x1FAF0];
	v3 =	vadd.f32 v6, v3;
	v6 =	vmul.f32 v12, v5  }
0x27a: {  	v15 =	vadd.f32 v17, v15;
	v5 =	vld [tilespmem:$0x1FB00];
	v20 =	vadd.f32 v61, v20;
	v44 =	vmul.f32 v11, v11  }
0x27b: {  	v17 =	vmul.f32 v2, v2;
	v3 =	vadd.f32 v6, v3;
	v6 =	vmul.f32 v9, v2;
	v2 =	vld [tilespmem:$0x1FB10]  }
0x27c: {  	v28 =	vld.idx.msk [tilespmem:v4+s12+$0x0], $0xffff;
	v20 =	vadd.f32 v44, v20;
	v19 =	vmul.f32 v29, v29  }
0x27d: {  	v15 =	vadd.f32 v17, v15;
	v17 =	vmul.f32 v8, v8;
	v4 =	vld [tilespmem:$0x1F780];
	v3 =	vadd.f32 v6, v3  }
0x27e: {  	v6 =	vmul.f32 v13, v8;
	v8 =	vld [tilespmem:$0x1FAD0];
	v19 =	vadd.f32 v19, v20;
	v56 =	vmul.f32 v30, v30  }
0x27f: {  	v15 =	vadd.f32 v17, v15;
	v17 =	vmul.f32 v23, v23;
	v16 =	vld.idx.msk [tilespmem:v0+s10+$0x0], $0xffff  }
0x280: {  	v19 =	vadd.f32 v56, v19;
	v10 =	vmul.f32 v45, v45;
	v0 =	vld [tilespmem:$0x1FB70]  }
0x281: {  	v15 =	vadd.f32 v17, v15;
	v17 =	vmul.f32 v27, v27;
	v3 =	vadd.f32 v6, v3;
	v6 =	vld [tilespmem:$0x1FAE0]  }
0x282: {  	v10 =	vadd.f32 v10, v19;
	v19 =	vld [tilespmem:$0x1FB20];
	v20 =	vmul.f32 v51, v51  }
0x283: {  	v15 =	vadd.f32 v17, v15;
	v17 =	vmul.f32 v24, v24;
	v32 =	vld.idx.msk [tilespmem:v5+s12+$0x0], $0xffff  }
0x284: {  	v10 =	vadd.f32 v20, v10;
	v20 =	vld [tilespmem:$0x1FB30]  }
0x285: {  	v15 =	vadd.f32 v17, v15;
	v5 =	vld [tilespmem:$0x1F7A0];
	v17 =	vmul.f32 v37, v37  }
0x286: {  	v36 =	vld.idx.msk [tilespmem:v2+s12+$0x0], $0xffff  }
0x287: {  	v2 =	vld [tilespmem:$0x1F7B0];
	v15 =	vadd.f32 v17, v15;
	v17 =	vmul.f32 v22, v22  }
0x288: {  	v31 =	vld.idx.msk [tilespmem:v0+s12+$0x0], $0xffff  }
0x289: {  	v15 =	vadd.f32 v17, v15;
	v17 =	vmul.f32 v21, v21;
	v0 =	vld [tilespmem:$0x1F750]  }
0x28a: {  	v25 =	vld.idx.msk [tilespmem:v19+s12+$0x0], $0xffff  }
0x28b: {  	v19 =	vld [tilespmem:$0x1F760];
	v15 =	vadd.f32 v17, v15;
	v17 =	vmul.f32 v18, v18  }
0x28c: {  	v26 =	vld.idx.msk [tilespmem:v20+s12+$0x0], $0xffff  }
0x28d: {  	v20 =	vld [tilespmem:$0x1F770];
	v15 =	vadd.f32 v17, v15;
	v17 =	vmul.f32 v16, v16  }
0x28e: {  	v4 =	vld.idx.msk [tilespmem:v4+s10+$0x0], $0xffff  }
0x28f: {  	v15 =	vadd.f32 v17, v15;
	v17 =	vld.idx.msk [tilespmem:v1+s12+$0x0], $0xffff  }
0x290: {  	v11 =	vmul.f32 v11, v23;
	v1 =	vld [tilespmem:$0x1F790]  }
0x291: {  	v60 =	vmul.f32 v14, v14;
	v0 =	vld.idx.msk [tilespmem:v0+s10+$0x0], $0xffff  }
0x292: {  	v3 =	vadd.f32 v11, v3;
	v38 =	vld.idx.msk [tilespmem:v8+s12+$0x0], $0xffff;
	v11 =	vmul.f32 v29, v27  }
0x293: {  	v19 =	vld.idx.msk [tilespmem:v19+s10+$0x0], $0xffff;
	v10 =	vadd.f32 v60, v10;
	v61 =	vmul.f32 v58, v58  }
0x294: {  	v8 =	vld [tilespmem:$0x1F7C0];
	v3 =	vadd.f32 v11, v3  }
0x295: {  	v11 =	vmul.f32 v30, v24;
	v20 =	vld.idx.msk [tilespmem:v20+s10+$0x0], $0xffff;
	v10 =	vadd.f32 v61, v10;
	v62 =	vmul.f32 v31, v31  }
0x296: {  	v23 =	vld.idx.msk [tilespmem:v6+s12+$0x0], $0xffff;
	v42 =	vmul.f32 v0, v0  }
0x297: {  	v11 =	vadd.f32 v11, v3;
	v3 =	vld [tilespmem:$0x1FAC0];
	v7 =	vmul.f32 v25, v25;
	v10 =	vadd.f32 v62, v10  }
0x298: {  	v6 =	vld [tilespmem:$0x1F7D0];
	v44 =	vmul.f32 v19, v19;
	v15 =	vadd.f32 v42, v15  }
0x299: {  	v12 =	vmul.f32 v26, v26;
	v1 =	vld.idx.msk [tilespmem:v1+s10+$0x0], $0xffff;
	v7 =	vadd.f32 v7, v10  }
0x29a: {  	v5 =	vld.idx.msk [tilespmem:v5+s10+$0x0], $0xffff;
	v10 =	vadd.f32 v44, v15;
	v15 =	vmul.f32 v20, v20  }
0x29b: {  	v9 =	vmul.f32 v28, v28;
	v2 =	vld.idx.msk [tilespmem:v2+s10+$0x0], $0xffff;
	v7 =	vadd.f32 v12, v7  }
0x29c: {  	v8 =	vld.idx.msk [tilespmem:v8+s10+$0x0], $0xffff;
	v12 =	vmul.f32 v4, v4;
	v10 =	vadd.f32 v15, v10  }
0x29d: {  	v13 =	vmul.f32 v17, v17;
	v7 =	vadd.f32 v9, v7;
	v15 =	vld [tilespmem:$0x1FAA0]  }
0x29e: {  	v24 =	vld [tilespmem:$0x1FAB0];
	v9 =	vadd.f32 v12, v10;
	v10 =	vmul.f32 v1, v1  }
0x29f: {  	v29 =	vld.idx.msk [tilespmem:v3+s12+$0x0], $0xffff;
	v7 =	vadd.f32 v13, v7  }
0x2a0: {  	v3 =	vld [tilespmem:$0x1F800];
	v12 =	vmul.f32 v32, v32;
	v9 =	vadd.f32 v10, v9;
	v10 =	vmul.f32 v5, v5  }
0x2a1: {  	v14 =	vmul.f32 v14, v21;
	v21 =	vld [tilespmem:$0x1FA90]  }
0x2a2: {  	v7 =	vadd.f32 v12, v7;
	v12 =	vld [tilespmem:$0x1F7E0];
	v9 =	vadd.f32 v10, v9;
	v10 =	vmul.f32 v2, v2  }
0x2a3: {  	v6 =	vld.idx.msk [tilespmem:v6+s10+$0x0], $0xffff;
	v13 =	vmul.f32 v36, v36  }
0x2a4: {  	v9 =	vadd.f32 v10, v9;
	v10 =	vld [tilespmem:$0x1F7F0]  }
0x2a5: {  	v30 =	vmul.f32 v45, v37;
	v7 =	vadd.f32 v13, v7;
	v27 =	vld.idx.msk [tilespmem:v15+s12+$0x0], $0xffff;
	v15 =	vmul.f32 v38, v38  }
0x2a6: {  	v24 =	vld.idx.msk [tilespmem:v24+s12+$0x0], $0xffff  }
0x2a7: {  	v7 =	vadd.f32 v15, v7;
	v15 =	vadd.f32 v30, v11;
	v30 =	vmul.f32 v51, v22;
	v11 =	vld [tilespmem:$0x1FA80]  }
0x2a8: {  	v45 =	vmul.f32 v23, v23;
	v3 =	vld.idx.msk [tilespmem:v3+s10+$0x0], $0xffff  }
0x2a9: {  	v21 =	vld.idx.msk [tilespmem:v21+s12+$0x0], $0xffff;
	v15 =	vadd.f32 v30, v15  }
0x2aa: {  	v12 =	vld.idx.msk [tilespmem:v12+s10+$0x0], $0xffff;
	v7 =	vadd.f32 v45, v7;
	v51 =	vmul.f32 v27, v27  }
0x2ab: {  	v14 =	vadd.f32 v14, v15;
	v15 =	vmul.f32 v58, v18;
	v18 =	vld [tilespmem:$0x1FA60]  }
0x2ac: {  	v13 =	vmul.f32 v8, v8;
	v30 =	vmul.f32 v24, v24;
	v7 =	vadd.f32 v51, v7;
	v10 =	vld.idx.msk [tilespmem:v10+s10+$0x0], $0xffff  }
0x2ad: {  	v14 =	vadd.f32 v15, v14;
	v15 =	vmul.f32 v31, v16;
	v16 =	vld [tilespmem:$0x1FA70]  }
0x2ae: {  	v9 =	vadd.f32 v13, v9;
	v13 =	vmul.f32 v6, v6;
	v30 =	vadd.f32 v30, v7;
	v7 =	vld [tilespmem:$0x1F830]  }
0x2af: {  	v22 =	vld.idx.msk [tilespmem:v11+s12+$0x0], $0xffff  }
0x2b0: {  	v9 =	vadd.f32 v13, v9;
	v13 =	vmul.f32 v12, v12;
	v11 =	vld [tilespmem:$0x1F810]  }
0x2b1: {  	v14 =	vadd.f32 v15, v14;
	v15 =	vmul.f32 v25, v0;
	v0 =	vld [tilespmem:$0x1FA40]  }
0x2b2: {  	v13 =	vadd.f32 v13, v9;
	v9 =	vld [tilespmem:$0x1F820]  }
0x2b3: {  	v26 =	vmul.f32 v26, v19;
	v15 =	vadd.f32 v15, v14;
	v14 =	vld [tilespmem:$0x1FA50]  }
0x2b4: {  	v18 =	vld.idx.msk [tilespmem:v18+s12+$0x0], $0xffff  }
0x2b5: {  	v60 =	vmul.f32 v3, v3;
	v28 =	vmul.f32 v28, v20;
	v26 =	vadd.f32 v26, v15;
	v15 =	vld [tilespmem:$0x1FA10]  }
0x2b6: {  	v31 =	vmul.f32 v22, v22;
	v3 =	vmul.f32 v22, v3;
	v22 =	vld [tilespmem:$0x1F980]  }
0x2b7: {  	v56 =	vmul.f32 v10, v10;
	v16 =	vld.idx.msk [tilespmem:v16+s12+$0x0], $0xffff  }
0x2b8: {  	v26 =	vadd.f32 v28, v26;
	v28 =	vmul.f32 v17, v4;
	v4 =	vld [tilespmem:$0x1FA20]  }
0x2b9: {  	v13 =	vadd.f32 v56, v13;
	v17 =	vld [tilespmem:$0x1F880]  }
0x2ba: {  	v7 =	vld.idx.msk [tilespmem:v7+s10+$0x0], $0xffff  }
0x2bb: {  	v33 =	vadd.f32 v60, v13;
	v13 =	vld [tilespmem:$0x1F840]  }
0x2bc: {  	v11 =	vld.idx.msk [tilespmem:v11+s10+$0x0], $0xffff  }
0x2bd: {  	v58 =	vmul.f32 v29, v29;
	v25 =	vld.idx.msk [tilespmem:v0+s12+$0x0], $0xffff  }
0x2be: {  	v0 =	vld [tilespmem:$0x1F850]  }
0x2bf: {  	v30 =	vadd.f32 v58, v30;
	v58 =	vadd.f32 v28, v26;
	v26 =	vld [tilespmem:$0x1FA30]  }
0x2c0: {  	v9 =	vld.idx.msk [tilespmem:v9+s10+$0x0], $0xffff  }
0x2c1: {  	v1 =	vmul.f32 v32, v1;
	v19 =	vld.idx.msk [tilespmem:v14+s12+$0x0], $0xffff  }
0x2c2: {  	v14 =	vld [tilespmem:$0x1F860]  }
0x2c3: {  	v35 =	vadd.f32 v1, v58;
	v1 =	vld [tilespmem:$0x1F9F0]  }
0x2c4: {  	v58 =	vmul.f32 v23, v8;
	v8 =	vld [tilespmem:$0x1F9E0]  }
0x2c5: {  	v20 =	vld.idx.msk [tilespmem:v15+s12+$0x0], $0xffff  }
0x2c6: {  	v62 =	vmul.f32 v21, v21;
	v30 =	vadd.f32 v31, v30;
	v15 =	vld [tilespmem:$0x1F870];
	v61 =	vmul.f32 v11, v11  }
0x2c7: {  	v39 =	vmul.f32 v18, v18;
	v13 =	vld.idx.msk [tilespmem:v13+s10+$0x0], $0xffff  }
0x2c8: {  	v30 =	vadd.f32 v62, v30;
	v37 =	vmul.f32 v9, v9;
	v4 =	vld.idx.msk [tilespmem:v4+s12+$0x0], $0xffff;
	v31 =	vadd.f32 v61, v33  }
0x2c9: {  	v44 =	vmul.f32 v16, v16;
	v17 =	vld.idx.msk [tilespmem:v17+s10+$0x0], $0xffff  }
0x2ca: {  	v30 =	vadd.f32 v39, v30;
	v42 =	vmul.f32 v7, v7;
	v0 =	vld.idx.msk [tilespmem:v0+s10+$0x0], $0xffff;
	v31 =	vadd.f32 v37, v31  }
0x2cb: {  	v51 =	vmul.f32 v25, v25;
	v28 =	vld.idx.msk [tilespmem:v26+s12+$0x0], $0xffff  }
0x2cc: {  	v30 =	vadd.f32 v44, v30;
	v26 =	vld [tilespmem:$0x1F890];
	v31 =	vadd.f32 v42, v31;
	v45 =	vmul.f32 v13, v13  }
0x2cd: {  	v60 =	vmul.f32 v19, v19;
	v14 =	vld.idx.msk [tilespmem:v14+s10+$0x0], $0xffff  }
0x2ce: {  	v34 =	vadd.f32 v51, v30;
	v31 =	vadd.f32 v45, v31;
	v45 =	vmul.f32 v38, v2;
	v2 =	vld [tilespmem:$0x1FA00]  }
0x2cf: {  	v30 =	vld.idx.msk [tilespmem:v1+s12+$0x0], $0xffff  }
0x2d0: {  	v62 =	vmul.f32 v20, v20;
	v32 =	vadd.f32 v60, v34;
	v1 =	vld [tilespmem:$0x1F8A0]  }
0x2d1: {  	v23 =	vld.idx.msk [tilespmem:v8+s12+$0x0], $0xffff  }
0x2d2: {  	v32 =	vadd.f32 v62, v32;
	v62 =	vmul.f32 v27, v6;
	v6 =	vld [tilespmem:$0x1F950]  }
0x2d3: {  	v15 =	vld.idx.msk [tilespmem:v15+s10+$0x0], $0xffff  }
0x2d4: {  	v5 =	vmul.f32 v36, v5;
	v8 =	vld [tilespmem:$0x1F8C0];
	v56 =	vmul.f32 v0, v0  }
0x2d5: {  	v26 =	vld.idx.msk [tilespmem:v26+s10+$0x0], $0xffff  }
0x2d6: {  	v44 =	vadd.f32 v5, v35;
	v61 =	vmul.f32 v14, v14;
	v31 =	vadd.f32 v56, v31;
	v5 =	vld.idx.msk [tilespmem:v2+s12+$0x0], $0xffff  }
0x2d7: {  	v2 =	vld [tilespmem:$0x1F8B0]  }
0x2d8: {  	v34 =	vadd.f32 v45, v44;
	v45 =	vld [tilespmem:$0x1F960];
	v42 =	vmul.f32 v15, v15;
	v31 =	vadd.f32 v61, v31  }
0x2d9: {  	v1 =	vld.idx.msk [tilespmem:v1+s10+$0x0], $0xffff  }
0x2da: {  	v56 =	vmul.f32 v17, v17;
	v27 =	vld.idx.msk [tilespmem:v6+s12+$0x0], $0xffff;
	v31 =	vadd.f32 v42, v31  }
0x2db: {  	v6 =	vld [tilespmem:$0x1F8D0]  }
0x2dc: {  	v34 =	vadd.f32 v58, v34;
	v58 =	vld [tilespmem:$0x1F970];
	v61 =	vmul.f32 v26, v26;
	v31 =	vadd.f32 v56, v31  }
0x2dd: {  	v51 =	vmul.f32 v4, v4;
	v56 =	vld [tilespmem:$0x1F8E0]  }
0x2de: {  	v12 =	vmul.f32 v24, v12;
	v31 =	vadd.f32 v61, v31;
	v61 =	vld [tilespmem:$0x1F8F0]  }
0x2df: {  	v60 =	vmul.f32 v28, v28;
	v32 =	vadd.f32 v51, v32;
	v34 =	vadd.f32 v62, v34;
	v2 =	vld.idx.msk [tilespmem:v2+s10+$0x0], $0xffff  }
0x2e0: {  	v10 =	vmul.f32 v29, v10;
	v7 =	vmul.f32 v16, v7;
	v8 =	vld.idx.msk [tilespmem:v8+s10+$0x0], $0xffff  }
0x2e1: {  	v16 =	vld [tilespmem:$0x1F9B0];
	v32 =	vadd.f32 v60, v32;
	v42 =	vmul.f32 v30, v30;
	v12 =	vadd.f32 v12, v34  }
0x2e2: {  	v44 =	vmul.f32 v1, v1;
	v35 =	vld.idx.msk [tilespmem:v45+s12+$0x0], $0xffff  }
0x2e3: {  	v32 =	vadd.f32 v42, v32;
	v10 =	vadd.f32 v10, v12;
	v6 =	vld.idx.msk [tilespmem:v6+s10+$0x0], $0xffff  }
0x2e4: {  	v31 =	vadd.f32 v44, v31;
	v34 =	vld.idx.msk [tilespmem:v58+s12+$0x0], $0xffff;
	v24 =	vmul.f32 v5, v5;
	v51 =	vmul.f32 v2, v2  }
0x2e5: {  	v29 =	vmul.f32 v23, v23;
	v60 =	vmul.f32 v8, v8;
	v3 =	vadd.f32 v3, v10;
	v36 =	vld.idx.msk [tilespmem:v56+s10+$0x0], $0xffff  }
0x2e6: {  	v10 =	vmul.f32 v21, v11;
	v21 =	vld [tilespmem:$0x1F990];
	v24 =	vadd.f32 v24, v32;
	v31 =	vadd.f32 v51, v31  }
0x2e7: {  	v12 =	vmul.f32 v27, v27;
	v33 =	vld.idx.msk [tilespmem:v61+s10+$0x0], $0xffff  }
0x2e8: {  	v62 =	vld [tilespmem:$0x1F900];
	v24 =	vadd.f32 v29, v24;
	v29 =	vadd.f32 v60, v31;
	v31 =	vmul.f32 v6, v6  }
0x2e9: {  	v9 =	vmul.f32 v18, v9;
	v18 =	vld [tilespmem:$0x1F9A0];
	v3 =	vadd.f32 v10, v3;
	v11 =	vmul.f32 v35, v35  }
0x2ea: {  	v12 =	vadd.f32 v12, v24;
	v24 =	vadd.f32 v31, v29;
	v29 =	vmul.f32 v36, v36;
	v31 =	vld [tilespmem:$0x1F910]  }
0x2eb: {  	v22 =	vld.idx.msk [tilespmem:v22+s12+$0x0], $0xffff;
	v3 =	vadd.f32 v9, v3;
	v10 =	vmul.f32 v34, v34  }
0x2ec: {  	v11 =	vadd.f32 v11, v12;
	v12 =	vadd.f32 v29, v24;
	v24 =	vmul.f32 v33, v33;
	v29 =	vld [tilespmem:$0x1F920]  }
0x2ed: {  	v3 =	vadd.f32 v7, v3;
	v7 =	vmul.f32 v25, v13;
	v25 =	vld [tilespmem:$0x1F9C0]  }
0x2ee: {  	v10 =	vadd.f32 v10, v11;
	v11 =	vadd.f32 v24, v12;
	v24 =	vld [tilespmem:$0x1F930]  }
0x2ef: {  	v21 =	vld.idx.msk [tilespmem:v21+s12+$0x0], $0xffff  }
0x2f0: {  	v32 =	vld.idx.msk [tilespmem:v62+s10+$0x0], $0xffff  }
0x2f1: {  	v18 =	vld.idx.msk [tilespmem:v18+s12+$0x0], $0xffff  }
0x2f2: {  	v9 =	vmul.f32 v22, v22;
	v31 =	vld.idx.msk [tilespmem:v31+s10+$0x0], $0xffff  }
0x2f3: {  	v16 =	vld.idx.msk [tilespmem:v16+s12+$0x0], $0xffff  }
0x2f4: {  	v13 =	vmul.f32 v21, v21;
	v9 =	vadd.f32 v9, v10;
	v29 =	vld.idx.msk [tilespmem:v29+s10+$0x0], $0xffff  }
0x2f5: {  	v0 =	vmul.f32 v19, v0;
	v25 =	vld.idx.msk [tilespmem:v25+s12+$0x0], $0xffff;
	v12 =	vmul.f32 v32, v32  }
0x2f6: {  	v3 =	vadd.f32 v7, v3;
	v7 =	vmul.f32 v18, v18;
	v9 =	vadd.f32 v13, v9;
	v24 =	vld.idx.msk [tilespmem:v24+s10+$0x0], $0xffff  }
0x2f7: {  	v10 =	vadd.f32 v12, v11;
	v11 =	vmul.f32 v31, v31  }
0x2f8: {  	v0 =	vadd.f32 v0, v3;
	v3 =	vmul.f32 v20, v14;
	v7 =	vadd.f32 v7, v9  }
0x2f9: {  	v12 =	vmul.f32 v16, v16;
	v10 =	vadd.f32 v11, v10;
	v11 =	vmul.f32 v29, v29  }
0x2fa: {  	v0 =	vadd.f32 v3, v0;
	v3 =	vmul.f32 v25, v25  }
0x2fb: {  	v7 =	vadd.f32 v12, v7;
	v9 =	vadd.f32 v11, v10;
	v10 =	vmul.f32 v24, v24;
	_ =	sdelay $0x1  }
0x2fc: {  	v4 =	vmul.f32 v4, v15;
	v3 =	vadd.f32 v3, v7;
	v9 =	vadd.f32 v10, v9;
	_ =	sdelay $0x1  }
0x2fd: {  	v0 =	vadd.f32 v4, v0;
	v3 =	vmax.f32 v3, $1.000000020e-24;
	v4 =	vmax.f32 v9, $1.000000020e-24  }
0x2fe: {  	v10 =	vmul.f32 v28, v17;
	v9 =	vshra.s32 v4, $0x1;
	v4 =	vmul.f32 $5.000000000e-01, v4  }
0x2ff: {  	v7 =	vmul.f32 v30, v26;
	v11 =	vshra.s32 v3, $0x1;
	v9 =	vsub.s32 $0x5F3759DF, v9  }
0x300: {  	v3 =	vmul.f32 $5.000000000e-01, v3;
	v0 =	vadd.f32 v10, v0;
	v10 =	vmul.f32 v9, v4  }
0x301: {  	v1 =	vmul.f32 v5, v1;
	v5 =	vsub.s32 $0x5F3759DF, v11  }
0x302: {  	v0 =	vadd.f32 v7, v0;
	v7 =	vmul.f32 v9, v10;
	v10 =	vmul.f32 v5, v3  }
0x303: {  	v2 =	vmul.f32 v23, v2  }
0x304: {  	v0 =	vadd.f32 v1, v0;
	v1 =	vsub.f32 $1.500000000e+00, v7;
	v7 =	vmul.f32 v5, v10  }
0x305: {  	v8 =	vmul.f32 v27, v8  }
0x306: {  	v0 =	vadd.f32 v2, v0;
	v1 =	vmul.f32 v9, v1;
	v2 =	vsub.f32 $1.500000000e+00, v7  }
0x307: {  	v6 =	vmul.f32 v35, v6  }
0x308: {  	v0 =	vadd.f32 v8, v0;
	v7 =	vmul.f32 v1, v4;
	v2 =	vmul.f32 v5, v2  }
0x309: {  	v5 =	vmul.f32 v34, v36  }
0x30a: {  	v0 =	vadd.f32 v6, v0;
	v6 =	vmul.f32 v7, v1;
	v7 =	vmul.f32 v2, v3;
	_ =	sdelay $0x1  }
0x30b: {  	v0 =	vadd.f32 v5, v0;
	v5 =	vsub.f32 $1.500000000e+00, v6;
	v6 =	vmul.f32 v7, v2  }
0x30c: {  	v8 =	vmul.f32 v22, v33  }
0x30d: {  	v1 =	vmul.f32 v5, v1;
	v5 =	vsub.f32 $1.500000000e+00, v6  }
0x30e: {  	v7 =	vmul.f32 v21, v32;
	v0 =	vadd.f32 v8, v0  }
0x30f: {  	v2 =	vmul.f32 v5, v2  }
0x310: {  	v6 =	vmul.f32 v18, v31;
	v0 =	vadd.f32 v7, v0;
	v4 =	vmul.f32 v1, v4  }
0x311: {  	v3 =	vmul.f32 v2, v3  }
0x312: {  	v7 =	vmul.f32 v16, v29;
	v6 =	vadd.f32 v6, v0;
	v4 =	vmul.f32 v4, v1  }
0x313: {  	v8 =	vmul.f32 v25, v24;
	v5 =	vlaneseq.u32;
	v3 =	vmul.f32 v3, v2  }
0x314: {  	v5 =	vor.u32 s15, v5;
	v6 =	vadd.f32 v7, v6;
	v4 =	vsub.f32 $1.500000000e+00, v4  }
0x315: {  	v0 =	vshll.u32 v5, $0x7;
	v3 =	vsub.f32 $1.500000000e+00, v3  }
0x316: {  	v10 =	vshll.u32 v5, $0x6;
	v5 =	vadd.f32 v8, v6;
	v1 =	vmul.f32 v4, v1  }
0x317: {  	v2 =	vmul.f32 v3, v2;
	v3 =	vor.u32 $0x37, v0  }
0x318: {  	v1 =	vmul.f32 v1, v5;
	[tilespmem:$0x1F9E0] =	vst v3;
	v3 =	vor.u32 $0x35, v0  }
0x319: {  	[tilespmem:$0x1F9F0] =	vst v3;
	v3 =	vor.u32 $0x36, v0  }
0x31a: {  	v1 =	vmul.f32 v2, v1;
	[tilespmem:$0x1FA00] =	vst v3;
	v3 =	vor.u32 $0x32, v0  }
0x31b: {  	v2 =	vld [tilespmem:$0x1F9D0];
	[tilespmem:$0x1FA10] =	vst v3;
	v3 =	vor.u32 $0x33, v0  }
0x31c: {  	v1 =	vmax.f32 v1, $-1.000000000e+00;
	[tilespmem:$0x1FA20] =	vst v3;
	v3 =	vor.u32 $0x34, v0  }
0x31d: {  	v1 =	vmin.f32 v1, $1.000000000e+00;
	[tilespmem:$0x1FA30] =	vst v3;
	v3 =	vor.u32 $0x30, v0  }
0x31e: {  	v1 =	vsub.f32 $1.000000000e+00, v1;
	[tilespmem:$0x1FA40] =	vst v3;
	v3 =	vor.u32 $0x31, v0  }
0x31f: {  	[tilespmem:$0x1FA50] =	vst v3;
	v3 =	vor.u32 $0x2E, v0  }
0x320: {  	v2 =	vadd.f32 v1, v2;
	v1 =	vor.u32 $0x24, v0;
	[tilespmem:$0x1FA60] =	vst v3  }
0x321: {  	v3 =	vor.u32 $0x2F, v0;
	[tilespmem:$0x1FAF0] =	vst v1  }
0x322: {  	v1 =	vor.u32 $0x25, v0;
	[tilespmem:$0x1FA70] =	vst v3  }
0x323: {  	v3 =	vor.u32 $0x2C, v0;
	[tilespmem:$0x1FB00] =	vst v1  }
0x324: {  	v1 =	vor.u32 $0x26, v0;
	[tilespmem:$0x1FA80] =	vst v3  }
0x325: {  	v3 =	vor.u32 $0x2D, v0;
	[tilespmem:$0x1FB10] =	vst v1  }
0x326: {  	v40 =	vld [tilespmem:$0x1FED0];
	v1 =	vor.u32 $0x21, v0;
	[tilespmem:$0x1FA90] =	vst v3  }
0x327: {  	v41 =	vld [tilespmem:$0x1FD50];
	v3 =	vor.u32 $0x29, v0;
	[tilespmem:$0x1FB20] =	vst v1  }
0x328: {  	v46 =	vld [tilespmem:$0x1FD60];
	v1 =	vor.u32 $0x22, v0;
	[tilespmem:$0x1FAA0] =	vst v3  }
0x329: {  	v55 =	vld [tilespmem:$0x1FEC0];
	v3 =	vor.u32 $0x2A, v0;
	[tilespmem:$0x1FB30] =	vst v1  }
0x32a: {  	v19 =	vld [tilespmem:$0x1FCB0];
	v1 =	vor.u32 $0x23, v0;
	[tilespmem:$0x1FAB0] =	vst v3  }
0x32b: {  	v38 =	vld [tilespmem:$0x1FEE0];
	v3 =	vor.u32 $0x2B, v0;
	[tilespmem:$0x1FB40] =	vst v1  }
0x32c: {  	v15 =	vld [tilespmem:$0x1FC90];
	v1 =	vor.u32 $0x1E, v0;
	[tilespmem:$0x1FAC0] =	vst v3  }
0x32d: {  	v27 =	vld [tilespmem:$0x1FCE0];
	v3 =	vor.u32 $0x27, v0;
	[tilespmem:$0x1FB50] =	vst v1  }
0x32e: {  	v14 =	vld [tilespmem:$0x1FC80];
	v1 =	vor.u32 $0x1F, v0;
	[tilespmem:$0x1FAD0] =	vst v3  }
0x32f: {  	v20 =	vld [tilespmem:$0x1FDA0];
	v3 =	vor.u32 $0x28, v0;
	[tilespmem:$0x1FB60] =	vst v1  }
0x330: {  	v35 =	vld [tilespmem:$0x1FD40];
	v1 =	vor.u32 $0x20, v0;
	[tilespmem:$0x1FAE0] =	vst v3  }
0x331: {  	v13 =	vld [tilespmem:$0x1FC70];
	v30 =	vor.u32 $0x3E, v0;
	[tilespmem:$0x1FB70] =	vst v1;
	v1 =	vor.u32 $0x1B, v0  }
0x332: {  	v12 =	vld [tilespmem:$0x1FC60];
	v25 =	vor.u32 $0x3F, v0;
	v42 =	vor.u32 $0x3B, v0;
	[tilespmem:$0x1FB80] =	vst v1;
	v1 =	vor.u32 $0x1C, v0  }
0x333: {  	v26 =	vld [tilespmem:$0x1FCD0];
	v36 =	vor.u32 $0x3C, v0;
	v34 =	vor.u32 $0x3D, v0;
	[tilespmem:$0x1FB90] =	vst v1;
	v1 =	vor.u32 $0x1D, v0  }
0x334: {  	v11 =	vld [tilespmem:$0x1FC50];
	v44 =	vor.u32 $0x3A, v0;
	v62 =	vor.u32 $0x38, v0;
	[tilespmem:$0x1FBA0] =	vst v1;
	v1 =	vor.u32 $0x18, v0  }
0x335: {  	v28 =	vld [tilespmem:$0x1FCF0];
	v39 =	vor.u32 $0x13, v0;
	v16 =	vor.u32 $0xF, v0;
	[tilespmem:$0x1FBB0] =	vst v1;
	v1 =	vor.u32 $0x19, v0  }
0x336: {  	v17 =	vld [tilespmem:$0x1FCA0];
	v45 =	vor.u32 $0x10, v0;
	v56 =	vor.u32 $0xC, v0;
	[tilespmem:$0x1FBC0] =	vst v1;
	v1 =	vor.u32 $0x1A, v0  }
0x337: {  	v33 =	vld [tilespmem:$0x1FD30];
	v18 =	vor.u32 $0xE, v0;
	v23 =	vor.u32 $0x9, v0;
	[tilespmem:$0x1FBD0] =	vst v1;
	v1 =	vor.u32 $0x15, v0  }
0x338: {  	p1 =	sne.s32 s15, $0x1F0;
	v22 =	vld [tilespmem:$0x1FDB0];
	v60 =	vor.u32 $0xA, v0;
	v58 =	vor.u32 $0xB, v0;
	[tilespmem:$0x1FBE0] =	vst v1;
	v1 =	vor.u32 $0x16, v0  }
.Ltmp2:
0x339: {  	v32 =	vld [tilespmem:$0x1FD20];
	v51 =	vor.u32 $0x6, v0;
	v24 =	vor.u32 $0x7, v0;
	[tilespmem:$0x1FBF0] =	vst v1;
	v1 =	vor.u32 $0x17, v0;
	(pc) =	sbr.rel @p1 .LBB2_5-.Ltmp2, $4  }
0x33a: {  	v21 =	vld [tilespmem:$0x1FCC0];
	v61 =	vor.u32 $0x8, v0;
	v9 =	vor.u32 $0x3, v0;
	[tilespmem:$0x1FC00] =	vst v1;
	v1 =	vor.u32 $0x12, v0  }
0x33b: {  	v31 =	vld [tilespmem:$0x1FD10];
	v7 =	vor.u32 $0x4, v0;
	v37 =	vand.u32 $0x7F80, v10;
	[tilespmem:$0x1FC10] =	vst v1;
	v1 =	vor.u32 $0x14, v0  }
0x33c: {  	v29 =	vld [tilespmem:$0x1FD00];
	v10 =	vor.u32 $0x2, v0;
	v6 =	vor.u32 $0x5, v0;
	[tilespmem:$0x1FC20] =	vst v1;
	v1 =	vor.u32 $0x11, v0  }
0x33d: {  	s15 =	sadd.s32 $0x10, s15;
	v8 =	vld [tilespmem:$0x1FC40];
	v4 =	vor.u32 $0xD, v0;
	v5 =	vor.u32 $0x39, v0;
	v3 =	vor.u32 $0x1, v0;
	[tilespmem:$0x1FC30] =	vst v1  }
0x33e: {  	[tilespmem:$0x1F940] =	vst v39  }
0x33f: {  	[tilespmem:$0x1F950] =	vst v62  }
0x340: {  	[tilespmem:$0x1F960] =	vst v5  }
0x341: {  	[tilespmem:$0x1F970] =	vst v44  }
0x342: {  	[tilespmem:$0x1F980] =	vst v42  }
0x343: {  	[tilespmem:$0x1F990] =	vst v36  }
0x344: {  	[tilespmem:$0x1F9A0] =	vst v34  }
0x345: {  	v55 =	vld [tilespmem:$0x1FC10];
	[tilespmem:$0x1F9B0] =	vst v30  }
0x346: {  	[tilespmem:$0x1F9C0] =	vst v25;
	v1 =	vld [tilespmem:$0x1FD80]  }
0x347: {  	[tilespmem:$0x1F9D0] =	vst v2;
	v5 =	vld [tilespmem:$0x1FD90];
	s7 =	simm.s32 $0x2  }
.LBB2_7:
0x348: {  	_ =	sdelay $0x3  }
0x349: {  	v0 =	vld.idx.msk [tilespmem:v0+s12+$0x0], $0xffff  }
0x34a: {  	v11 =	vor.u32 v47, v37;
	v3 =	vld.idx.msk [tilespmem:v3+s12+$0x0], $0xffff  }
0x34b: {  	v12 =	vor.u32 v49, v37;
	v10 =	vld.idx.msk [tilespmem:v10+s12+$0x0], $0xffff  }
0x34c: {  	v2 =	vld [tilespmem:$0x1FD70]  }
0x34d: {  	v13 =	vor.u32 v50, v37;
	v9 =	vld.idx.msk [tilespmem:v9+s12+$0x0], $0xffff  }
0x34e: {  	v7 =	vld.idx.msk [tilespmem:v7+s12+$0x0], $0xffff  }
0x34f: {  	v14 =	vor.u32 v52, v37;
	v11 =	vld.idx.msk [tilespmem:v11+s10+$0x0], $0xffff  }
0x350: {  	v12 =	vld.idx.msk [tilespmem:v12+s10+$0x0], $0xffff  }
0x351: {  	v15 =	vor.u32 v54, v37;
	v24 =	vld.idx.msk [tilespmem:v24+s12+$0x0], $0xffff  }
0x352: {  	v19 =	vor.u32 v57, v37;
	v13 =	vld.idx.msk [tilespmem:v13+s10+$0x0], $0xffff  }
0x353: {  	v23 =	vld.idx.msk [tilespmem:v23+s12+$0x0], $0xffff;
	v17 =	vor.u32 v2, v37  }
0x354: {  	v14 =	vld.idx.msk [tilespmem:v14+s10+$0x0], $0xffff  }
0x355: {  	v35 =	vor.u32 v59, v37;
	v8 =	vld [tilespmem:$0x1FF60];
	v21 =	vmul.f32 v11, v11;
	v34 =	vmul.f32 v12, v12  }
0x356: {  	v38 =	vor.u32 v43, v37;
	v15 =	vld.idx.msk [tilespmem:v15+s10+$0x0], $0xffff;
	v25 =	vmul.f32 v0, v0;
	v26 =	vmul.f32 v3, v3  }
0x357: {  	v19 =	vld.idx.msk [tilespmem:v19+s10+$0x0], $0xffff;
	v27 =	vmul.f32 v13, v13;
	v21 =	vadd.f32 v34, v21  }
0x358: {  	v36 =	vmul.f32 v10, v10;
	v25 =	vadd.f32 v26, v25;
	v17 =	vld.idx.msk [tilespmem:v17+s10+$0x0], $0xffff  }
0x359: {  	v32 =	vor.u32 v53, v37;
	v28 =	vmul.f32 v14, v14;
	v21 =	vadd.f32 v27, v21;
	v27 =	vld.idx.msk [tilespmem:v6+s12+$0x0], $0xffff  }
0x35a: {  	v39 =	vmul.f32 v9, v9;
	v2 =	vld.idx.msk [tilespmem:v35+s10+$0x0], $0xffff;
	v25 =	vadd.f32 v36, v25  }
0x35b: {  	v29 =	vor.u32 v48, v37;
	v26 =	vld.idx.msk [tilespmem:v38+s10+$0x0], $0xffff;
	v30 =	vmul.f32 v15, v15;
	v21 =	vadd.f32 v28, v21  }
0x35c: {  	v41 =	vor.u32 v63, v37;
	v40 =	vmul.f32 v7, v7;
	v25 =	vadd.f32 v39, v25;
	v28 =	vld.idx.msk [tilespmem:v51+s12+$0x0], $0xffff  }
0x35d: {  	v31 =	vmul.f32 v17, v17;
	v51 =	vor.u32 v8, v37;
	v8 =	vld [tilespmem:$0x1FF70];
	v21 =	vadd.f32 v30, v21  }
0x35e: {  	v25 =	vadd.f32 v40, v25;
	v30 =	vld.idx.msk [tilespmem:v32+s10+$0x0], $0xffff;
	v42 =	vmul.f32 v27, v27  }
0x35f: {  	v21 =	vadd.f32 v31, v21;
	v31 =	vld.idx.msk [tilespmem:v61+s12+$0x0], $0xffff  }
0x360: {  	v6 =	vadd.f32 v42, v25;
	v25 =	vld.idx.msk [tilespmem:v29+s10+$0x0], $0xffff  }
0x361: {  	v33 =	vmul.f32 v19, v19;
	v29 =	vld.idx.msk [tilespmem:v41+s10+$0x0], $0xffff  }
0x362: {  	v34 =	vmul.f32 v2, v2;
	v42 =	vld [tilespmem:$0x1FF80]  }
0x363: {  	v44 =	vmul.f32 v28, v28;
	v35 =	vor.u32 v8, v37;
	v32 =	vld.idx.msk [tilespmem:v51+s10+$0x0], $0xffff;
	v21 =	vadd.f32 v33, v21  }
0x364: {  	v36 =	vmul.f32 v26, v26;
	v51 =	vld [tilespmem:$0x1FF90]  }
0x365: {  	v61 =	vmul.f32 v24, v24;
	v8 =	vld [tilespmem:$0x1FC30];
	v6 =	vadd.f32 v44, v6;
	v21 =	vadd.f32 v34, v21  }
0x366: {  	v34 =	vld.idx.msk [tilespmem:v60+s12+$0x0], $0xffff  }
0x367: {  	v6 =	vadd.f32 v61, v6;
	v21 =	vadd.f32 v36, v21;
	v36 =	vld.idx.msk [tilespmem:v58+s12+$0x0], $0xffff  }
0x368: {  	v62 =	vmul.f32 v31, v31;
	v38 =	vor.u32 v42, v37;
	v39 =	vmul.f32 v25, v25;
	v33 =	vld.idx.msk [tilespmem:v35+s10+$0x0], $0xffff  }
0x369: {  	v44 =	vmul.f32 v23, v23;
	v40 =	vmul.f32 v29, v29;
	v58 =	vld [tilespmem:$0x1FFA0]  }
0x36a: {  	v35 =	vor.u32 v51, v37;
	v51 =	vld.idx.msk [tilespmem:v4+s12+$0x0], $0xffff;
	v6 =	vadd.f32 v62, v6;
	v21 =	vadd.f32 v39, v21  }
0x36b: {  	v39 =	vld.idx.msk [tilespmem:v56+s12+$0x0], $0xffff  }
0x36c: {  	v6 =	vadd.f32 v44, v6;
	v41 =	vmul.f32 v34, v34;
	v21 =	vadd.f32 v40, v21;
	v40 =	vld [tilespmem:$0x1FFC0]  }
0x36d: {  	v42 =	vmul.f32 v30, v30;
	v4 =	vld.idx.msk [tilespmem:v38+s10+$0x0], $0xffff  }
0x36e: {  	v6 =	vadd.f32 v41, v6;
	v38 =	vor.u32 v58, v37;
	v62 =	vmul.f32 v36, v36;
	v58 =	vld [tilespmem:$0x1FFB0]  }
0x36f: {  	v18 =	vld.idx.msk [tilespmem:v18+s12+$0x0], $0xffff;
	v0 =	vmul.f32 v0, v11;
	v56 =	vmul.f32 v32, v32;
	v21 =	vadd.f32 v42, v21  }
0x370: {  	v3 =	vmul.f32 v3, v12;
	v11 =	vld.idx.msk [tilespmem:v35+s10+$0x0], $0xffff;
	v6 =	vadd.f32 v62, v6;
	v44 =	vmul.f32 v39, v39  }
0x371: {  	v16 =	vld.idx.msk [tilespmem:v16+s12+$0x0], $0xffff;
	v10 =	vmul.f32 v10, v13;
	v61 =	vmul.f32 v33, v33;
	v21 =	vadd.f32 v56, v21  }
0x372: {  	v13 =	vld.idx.msk [tilespmem:v45+s12+$0x0], $0xffff;
	v3 =	vadd.f32 v3, v0;
	v12 =	vadd.f32 v44, v6;
	v35 =	vor.u32 v40, v37  }
0x373: {  	v44 =	vld [tilespmem:$0x1F940];
	v60 =	vor.u32 v58, v37;
	v21 =	vadd.f32 v61, v21;
	v56 =	vmul.f32 v4, v4  }
0x374: {  	v9 =	vmul.f32 v9, v14;
	v14 =	vld.idx.msk [tilespmem:v8+s12+$0x0], $0xffff;
	v62 =	vmul.f32 v51, v51;
	v61 =	vor.u32 v1, v37  }
0x375: {  	v3 =	vadd.f32 v10, v3;
	v6 =	vld.idx.msk [tilespmem:v38+s10+$0x0], $0xffff;
	v10 =	vmul.f32 v11, v11;
	v21 =	vadd.f32 v56, v21  }
0x376: {  	v12 =	vadd.f32 v62, v12;
	v62 =	vld [tilespmem:$0x1FFD0]  }
0x377: {  	v15 =	vmul.f32 v7, v15;
	v3 =	vadd.f32 v9, v3;
	v10 =	vadd.f32 v10, v21;
	v21 =	vld.idx.msk [tilespmem:v35+s10+$0x0], $0xffff  }
0x378: {  	v0 =	vld.idx.msk [tilespmem:v60+s10+$0x0], $0xffff  }
0x379: {  	v15 =	vadd.f32 v15, v3;
	v3 =	vld.idx.msk [tilespmem:v61+s10+$0x0], $0xffff  }
0x37a: {  	v60 =	vmul.f32 v18, v18;
	v61 =	vld [tilespmem:$0x1FFF0]  }
0x37b: {  	v17 =	vmul.f32 v27, v17;
	v9 =	vmul.f32 v6, v6;
	v27 =	vld.idx.msk [tilespmem:v44+s12+$0x0], $0xffff  }
0x37c: {  	v58 =	vor.u32 v62, v37;
	v12 =	vadd.f32 v60, v12;
	v60 =	vld [tilespmem:$0x1FC20]  }
0x37d: {  	v9 =	vadd.f32 v9, v10;
	v10 =	vor.u32 v5, v37;
	v44 =	vld [tilespmem:$0x1FBE0]  }
0x37e: {  	v45 =	vld [tilespmem:$0x1FFE0];
	v62 =	vmul.f32 v16, v16  }
0x37f: {  	v15 =	vadd.f32 v17, v15;
	v40 =	vmul.f32 v0, v0  }
0x380: {  	v1 =	vmul.f32 v13, v13;
	v56 =	vmul.f32 v28, v19;
	v35 =	vld.idx.msk [tilespmem:v55+s12+$0x0], $0xffff;
	v12 =	vadd.f32 v62, v12  }
0x381: {  	v62 =	vor.u32 v61, v37;
	v7 =	vld.idx.msk [tilespmem:v58+s10+$0x0], $0xffff;
	v58 =	vmul.f32 v21, v21;
	v8 =	vadd.f32 v40, v9  }
0x382: {  	v42 =	vmul.f32 v24, v2;
	v55 =	vmul.f32 v14, v14;
	v15 =	vadd.f32 v56, v15;
	v10 =	vld.idx.msk [tilespmem:v10+s10+$0x0], $0xffff  }
0x383: {  	v12 =	vadd.f32 v1, v12;
	v9 =	vor.u32 v45, v37;
	v8 =	vadd.f32 v58, v8;
	v58 =	vld [tilespmem:$0x1FBF0]  }
0x384: {  	v56 =	vmul.f32 v31, v26;
	v15 =	vadd.f32 v42, v15;
	v28 =	vld.idx.msk [tilespmem:v60+s12+$0x0], $0xffff  }
0x385: {  	v40 =	vmul.f32 v35, v35;
	v12 =	vadd.f32 v55, v12;
	v38 =	vld.idx.msk [tilespmem:v44+s12+$0x0], $0xffff  }
0x386: {  	v15 =	vadd.f32 v56, v15;
	v1 =	vld.idx.msk [tilespmem:v62+s10+$0x0], $0xffff  }
0x387: {  	v45 =	vmul.f32 v27, v27;
	v12 =	vadd.f32 v40, v12;
	v62 =	vmul.f32 v23, v25;
	v40 =	vld [tilespmem:$0x1FC00]  }
0x388: {  	v41 =	vmul.f32 v7, v7;
	v5 =	vld.idx.msk [tilespmem:v9+s10+$0x0], $0xffff  }
0x389: {  	v12 =	vadd.f32 v45, v12;
	v15 =	vadd.f32 v62, v15;
	v45 =	vmul.f32 v34, v29;
	v34 =	vld [tilespmem:$0x1FDE0]  }
0x38a: {  	v55 =	vmul.f32 v3, v3;
	v9 =	vor.u32 v20, v37;
	v8 =	vadd.f32 v41, v8;
	v41 =	vld [tilespmem:$0x1FDC0]  }
0x38b: {  	v15 =	vadd.f32 v45, v15;
	v45 =	vmul.f32 v39, v32;
	v39 =	vld [tilespmem:$0x1FBA0]  }
0x38c: {  	v31 =	vmul.f32 v10, v10;
	v60 =	vadd.f32 v55, v8;
	v55 =	vld [tilespmem:$0x1FBB0]  }
0x38d: {  	v44 =	vmul.f32 v38, v38;
	v10 =	vmul.f32 v38, v10;
	v38 =	vld [tilespmem:$0x1FEE0]  }
0x38e: {  	v61 =	vmul.f32 v28, v28;
	v24 =	vld.idx.msk [tilespmem:v58+s12+$0x0], $0xffff  }
0x38f: {  	v8 =	vor.u32 v22, v37;
	v19 =	vld.idx.msk [tilespmem:v9+s10+$0x0], $0xffff  }
0x390: {  	v12 =	vadd.f32 v61, v12;
	v61 =	vld [tilespmem:$0x1FBC0]  }
0x391: {  	v2 =	vadd.f32 v31, v60;
	v9 =	vmul.f32 v5, v5;
	v17 =	vld.idx.msk [tilespmem:v40+s12+$0x0], $0xffff  }
0x392: {  	v60 =	vmul.f32 v36, v30;
	v40 =	vld [tilespmem:$0x1FE00]  }
0x393: {  	v58 =	vmul.f32 v1, v1;
	v42 =	vor.u32 v41, v37;
	v2 =	vadd.f32 v9, v2;
	v9 =	vld [tilespmem:$0x1FDD0]  }
0x394: {  	v15 =	vadd.f32 v60, v15;
	v8 =	vld.idx.msk [tilespmem:v8+s10+$0x0], $0xffff  }
0x395: {  	v62 =	vadd.f32 v58, v2;
	v58 =	vld [tilespmem:$0x1FEC0]  }
0x396: {  	v15 =	vadd.f32 v45, v15;
	v45 =	vld [tilespmem:$0x1FED0]  }
0x397: {  	v26 =	vld.idx.msk [tilespmem:v55+s12+$0x0], $0xffff  }
0x398: {  	v12 =	vadd.f32 v44, v12;
	v56 =	vmul.f32 v24, v24;
	v2 =	vld.idx.msk [tilespmem:v42+s10+$0x0], $0xffff  }
0x399: {  	v55 =	vmul.f32 v19, v19;
	v42 =	vld [tilespmem:$0x1FB80];
	v9 =	vor.u32 v9, v37  }
0x39a: {  	v12 =	vadd.f32 v56, v12;
	v56 =	vld [tilespmem:$0x1FBD0]  }
0x39b: {  	v20 =	vld.idx.msk [tilespmem:v61+s12+$0x0], $0xffff;
	v29 =	vadd.f32 v55, v62;
	v62 =	vmul.f32 v51, v33  }
0x39c: {  	v18 =	vmul.f32 v18, v4;
	v60 =	vor.u32 v58, v37;
	v58 =	vld [tilespmem:$0x1FDF0]  }
0x39d: {  	v36 =	vor.u32 v34, v37;
	v51 =	vor.u32 v45, v37;
	v45 =	vld [tilespmem:$0x1FB50];
	v15 =	vadd.f32 v62, v15  }
0x39e: {  	v44 =	vmul.f32 v17, v17;
	v23 =	vld.idx.msk [tilespmem:v9+s10+$0x0], $0xffff  }
0x39f: {  	v9 =	vmul.f32 v8, v8;
	v15 =	vadd.f32 v18, v15;
	v18 =	vld.idx.msk [tilespmem:v39+s12+$0x0], $0xffff  }
0x3a0: {  	v12 =	vadd.f32 v44, v12;
	v44 =	vmul.f32 v20, v20;
	v20 =	vmul.f32 v20, v8;
	v8 =	vld [tilespmem:$0x1FAD0]  }
0x3a1: {  	v33 =	vld.idx.msk [tilespmem:v42+s12+$0x0], $0xffff  }
0x3a2: {  	v41 =	vor.u32 v40, v37;
	v29 =	vadd.f32 v9, v29;
	v9 =	vld.idx.msk [tilespmem:v36+s10+$0x0], $0xffff  }
0x3a3: {  	v11 =	vmul.f32 v16, v11;
	v4 =	vld.idx.msk [tilespmem:v60+s10+$0x0], $0xffff  }
0x3a4: {  	v55 =	vmul.f32 v2, v2;
	v60 =	vor.u32 v58, v37;
	v30 =	vld.idx.msk [tilespmem:v56+s12+$0x0], $0xffff  }
0x3a5: {  	v13 =	vmul.f32 v13, v6;
	v11 =	vadd.f32 v11, v15;
	v56 =	vld [tilespmem:$0x1FB90]  }
0x3a6: {  	v61 =	vmul.f32 v26, v26;
	v29 =	vadd.f32 v55, v29;
	v55 =	vld [tilespmem:$0x1FE10]  }
0x3a7: {  	v11 =	vadd.f32 v13, v11;
	v13 =	vmul.f32 v14, v0;
	v0 =	vld.idx.msk [tilespmem:v41+s10+$0x0], $0xffff  }
0x3a8: {  	v12 =	vadd.f32 v61, v12;
	v41 =	vld [tilespmem:$0x1FB70]  }
0x3a9: {  	v6 =	vld.idx.msk [tilespmem:v60+s10+$0x0], $0xffff  }
0x3aa: {  	v12 =	vadd.f32 v44, v12;
	v60 =	vld [tilespmem:$0x1FB60];
	v61 =	vmul.f32 v30, v30  }
0x3ab: {  	v15 =	vld.idx.msk [tilespmem:v51+s10+$0x0], $0xffff  }
0x3ac: {  	v62 =	vmul.f32 v23, v23;
	v12 =	vadd.f32 v61, v12;
	v61 =	vld [tilespmem:$0x1FE20]  }
0x3ad: {  	v36 =	vld [tilespmem:$0x1FB30]  }
0x3ae: {  	v42 =	vmul.f32 v33, v33;
	v16 =	vadd.f32 v62, v29;
	v29 =	vld.idx.msk [tilespmem:v45+s12+$0x0], $0xffff  }
0x3af: {  	v31 =	vld.idx.msk [tilespmem:v56+s12+$0x0], $0xffff;
	v56 =	vor.u32 v55, v37  }
0x3b0: {  	v12 =	vadd.f32 v42, v12;
	v42 =	vld [tilespmem:$0x1FE30]  }
0x3b1: {  	v34 =	vld.idx.msk [tilespmem:v41+s12+$0x0], $0xffff;
	v62 =	vor.u32 v61, v37  }
0x3b2: {  	v11 =	vadd.f32 v13, v11;
	v13 =	vmul.f32 v35, v21;
	v44 =	vmul.f32 v9, v9;
	v14 =	vld.idx.msk [tilespmem:v60+s12+$0x0], $0xffff  }
0x3b3: {  	v58 =	vmul.f32 v4, v4;
	v60 =	vld [tilespmem:$0x1FE40]  }
0x3b4: {  	v11 =	vadd.f32 v13, v11;
	v16 =	vadd.f32 v44, v16;
	v51 =	vmul.f32 v31, v31;
	v13 =	vld.idx.msk [tilespmem:v56+s10+$0x0], $0xffff  }
0x3b5: {  	v39 =	vmul.f32 v18, v18;
	v40 =	vmul.f32 v15, v15;
	v56 =	vld [tilespmem:$0x1FB20];
	v44 =	vor.u32 v42, v37  }
0x3b6: {  	v16 =	vadd.f32 v58, v16;
	v55 =	vmul.f32 v27, v7;
	v12 =	vadd.f32 v51, v12;
	v7 =	vld.idx.msk [tilespmem:v62+s10+$0x0], $0xffff  }
0x3b7: {  	v62 =	vmul.f32 v28, v3;
	v28 =	vld.idx.msk [tilespmem:v36+s12+$0x0], $0xffff  }
0x3b8: {  	v16 =	vadd.f32 v40, v16;
	v51 =	vmul.f32 v6, v6;
	v12 =	vadd.f32 v39, v12;
	v39 =	vld [tilespmem:$0x1FE50]  }
0x3b9: {  	v45 =	vmul.f32 v29, v29;
	v36 =	vld [tilespmem:$0x1FAC0]  }
0x3ba: {  	v61 =	vmul.f32 v0, v0;
	v16 =	vadd.f32 v51, v16;
	v21 =	vor.u32 v60, v37;
	v3 =	vld.idx.msk [tilespmem:v44+s10+$0x0], $0xffff  }
0x3bb: {  	v11 =	vadd.f32 v55, v11;
	v58 =	vmul.f32 v14, v14;
	v44 =	vld [tilespmem:$0x1FB40]  }
0x3bc: {  	v12 =	vadd.f32 v45, v12;
	v16 =	vadd.f32 v61, v16;
	v45 =	vor.u32 v38, v37;
	v61 =	vld [tilespmem:$0x1FE60]  }
0x3bd: {  	v11 =	vadd.f32 v62, v11;
	v27 =	vld.idx.msk [tilespmem:v56+s12+$0x0], $0xffff  }
0x3be: {  	v12 =	vadd.f32 v58, v12;
	v58 =	vld [tilespmem:$0x1FAF0]  }
0x3bf: {  	v10 =	vadd.f32 v10, v11;
	v40 =	vor.u32 v39, v37;
	v11 =	vld.idx.msk [tilespmem:v21+s10+$0x0], $0xffff  }
0x3c0: {  	v56 =	vmul.f32 v24, v5;
	v39 =	vld [tilespmem:$0x1FB00]  }
0x3c1: {  	v17 =	vmul.f32 v17, v1;
	v1 =	vld.idx.msk [tilespmem:v45+s10+$0x0], $0xffff  }
0x3c2: {  	v42 =	vmul.f32 v13, v13;
	v10 =	vadd.f32 v56, v10;
	v45 =	vld [tilespmem:$0x1FB10]  }
0x3c3: {  	v41 =	vmul.f32 v34, v34;
	v25 =	vld.idx.msk [tilespmem:v44+s12+$0x0], $0xffff  }
0x3c4: {  	v16 =	vadd.f32 v42, v16;
	v42 =	vmul.f32 v26, v19;
	v10 =	vadd.f32 v17, v10;
	v5 =	vld.idx.msk [tilespmem:v40+s10+$0x0], $0xffff  }
0x3c5: {  	v12 =	vadd.f32 v41, v12;
	v21 =	vor.u32 v61, v37;
	v40 =	vld [tilespmem:$0x1FE70]  }
0x3c6: {  	v51 =	vmul.f32 v27, v27;
	v10 =	vadd.f32 v42, v10;
	v42 =	vmul.f32 v33, v23;
	v23 =	vld.idx.msk [tilespmem:v36+s12+$0x0], $0xffff  }
0x3c7: {  	v36 =	vld [tilespmem:$0x1FA60]  }
0x3c8: {  	v12 =	vadd.f32 v51, v12;
	v51 =	vld [tilespmem:$0x1FE80]  }
0x3c9: {  	v24 =	vld.idx.msk [tilespmem:v58+s12+$0x0], $0xffff  }
0x3ca: {  	v17 =	vld.idx.msk [tilespmem:v21+s10+$0x0], $0xffff  }
0x3cb: {  	v55 =	vmul.f32 v7, v7;
	v22 =	vld.idx.msk [tilespmem:v39+s12+$0x0], $0xffff  }
0x3cc: {  	v60 =	vmul.f32 v28, v28;
	v39 =	vld [tilespmem:$0x1FAE0]  }
0x3cd: {  	v16 =	vadd.f32 v55, v16;
	v62 =	vmul.f32 v3, v3;
	v21 =	vld.idx.msk [tilespmem:v8+s12+$0x0], $0xffff  }
0x3ce: {  	v12 =	vadd.f32 v60, v12;
	v60 =	vld [tilespmem:$0x1FE90];
	v32 =	vor.u32 v40, v37  }
0x3cf: {  	v16 =	vadd.f32 v62, v16;
	v44 =	vmul.f32 v11, v11;
	v26 =	vld.idx.msk [tilespmem:v45+s12+$0x0], $0xffff  }
0x3d0: {  	v41 =	vmul.f32 v25, v25;
	v40 =	vld [tilespmem:$0x1FEA0];
	v35 =	vor.u32 v51, v37  }
0x3d1: {  	v16 =	vadd.f32 v44, v16;
	v45 =	vld [tilespmem:$0x1FAA0]  }
0x3d2: {  	v56 =	vmul.f32 v5, v5;
	v51 =	vld [tilespmem:$0x1FEB0];
	v12 =	vadd.f32 v41, v12;
	v55 =	vmul.f32 v24, v24  }
0x3d3: {  	v62 =	vmul.f32 v30, v2;
	v61 =	vmul.f32 v1, v1;
	v8 =	vld.idx.msk [tilespmem:v32+s10+$0x0], $0xffff  }
0x3d4: {  	v16 =	vadd.f32 v56, v16;
	v58 =	vmul.f32 v22, v22;
	v12 =	vadd.f32 v55, v12;
	v30 =	vld.idx.msk [tilespmem:v39+s12+$0x0], $0xffff  }
0x3d5: {  	v44 =	vmul.f32 v17, v17;
	v19 =	vor.u32 v60, v37;
	v2 =	vld.idx.msk [tilespmem:v35+s10+$0x0], $0xffff  }
0x3d6: {  	v16 =	vadd.f32 v61, v16;
	v12 =	vadd.f32 v58, v12;
	v58 =	vmul.f32 v31, v9;
	v9 =	vld [tilespmem:$0x1FAB0]  }
0x3d7: {  	v10 =	vadd.f32 v20, v10;
	v35 =	vor.u32 v51, v37;
	v39 =	vld [tilespmem:$0x1FD40]  }
0x3d8: {  	v16 =	vadd.f32 v44, v16;
	v44 =	vld [tilespmem:$0x1FD30]  }
0x3d9: {  	v10 =	vadd.f32 v62, v10;
	v33 =	vld.idx.msk [tilespmem:v45+s12+$0x0], $0xffff  }
0x3da: {  	v41 =	vmul.f32 v26, v26;
	v19 =	vld.idx.msk [tilespmem:v19+s10+$0x0], $0xffff  }
0x3db: {  	v18 =	vmul.f32 v18, v4;
	v15 =	vmul.f32 v29, v15;
	v10 =	vadd.f32 v42, v10;
	v45 =	vld [tilespmem:$0x1FA80]  }
0x3dc: {  	v55 =	vmul.f32 v21, v21;
	v32 =	vor.u32 v40, v37;
	v12 =	vadd.f32 v41, v12;
	v4 =	vld.idx.msk [tilespmem:v35+s10+$0x0], $0xffff  }
0x3dd: {  	v10 =	vadd.f32 v58, v10;
	v56 =	vmul.f32 v8, v8;
	v40 =	vor.u32 v39, v37;
	v39 =	vld [tilespmem:$0x1FD10]  }
0x3de: {  	v12 =	vadd.f32 v55, v12;
	v60 =	vmul.f32 v30, v30;
	v29 =	vor.u32 v44, v37;
	v44 =	vld [tilespmem:$0x1FA70]  }
0x3df: {  	v10 =	vadd.f32 v18, v10;
	v16 =	vadd.f32 v56, v16;
	v56 =	vld [tilespmem:$0x1FA90]  }
0x3e0: {  	v12 =	vadd.f32 v60, v12;
	v60 =	vld [tilespmem:$0x1FD20]  }
0x3e1: {  	v14 =	vmul.f32 v14, v6;
	v10 =	vadd.f32 v15, v10;
	v31 =	vld.idx.msk [tilespmem:v9+s12+$0x0], $0xffff  }
0x3e2: {  	v9 =	vld [tilespmem:$0x1FD50]  }
0x3e3: {  	v62 =	vmul.f32 v2, v2;
	v10 =	vadd.f32 v14, v10;
	v14 =	vmul.f32 v34, v0;
	v34 =	vld.idx.msk [tilespmem:v36+s12+$0x0], $0xffff  }
0x3e4: {  	v35 =	vld.idx.msk [tilespmem:v45+s12+$0x0], $0xffff  }
0x3e5: {  	v42 =	vmul.f32 v19, v19;
	v16 =	vadd.f32 v62, v16;
	v6 =	vld.idx.msk [tilespmem:v40+s10+$0x0], $0xffff  }
0x3e6: {  	v0 =	vld.idx.msk [tilespmem:v29+s10+$0x0], $0xffff  }
0x3e7: {  	v16 =	vadd.f32 v42, v16;
	v40 =	vor.u32 v39, v37;
	v42 =	vld [tilespmem:$0x1FD00]  }
0x3e8: {  	v13 =	vmul.f32 v27, v13;
	v41 =	vmul.f32 v33, v33;
	v10 =	vadd.f32 v14, v10;
	v39 =	vld [tilespmem:$0x1FCA0]  }
0x3e9: {  	v7 =	vmul.f32 v28, v7;
	v61 =	vor.u32 v9, v37;
	v9 =	vld.idx.msk [tilespmem:v32+s10+$0x0], $0xffff  }
0x3ea: {  	v12 =	vadd.f32 v41, v12;
	v10 =	vadd.f32 v13, v10;
	v51 =	vmul.f32 v31, v31;
	v29 =	vld.idx.msk [tilespmem:v44+s12+$0x0], $0xffff  }
0x3eb: {  	v3 =	vmul.f32 v25, v3;
	v20 =	vld.idx.msk [tilespmem:v56+s12+$0x0], $0xffff  }
0x3ec: {  	v58 =	vmul.f32 v23, v23;
	v7 =	vadd.f32 v7, v10;
	v12 =	vadd.f32 v51, v12;
	v32 =	vld.idx.msk [tilespmem:v40+s10+$0x0], $0xffff  }
0x3ed: {  	v41 =	vmul.f32 v35, v35;
	v27 =	vor.u32 v42, v37;
	v42 =	vld [tilespmem:$0x1FA10]  }
0x3ee: {  	v40 =	vmul.f32 v24, v11;
	v3 =	vadd.f32 v3, v7;
	v12 =	vadd.f32 v58, v12;
	v58 =	vld [tilespmem:$0x1FCF0]  }
0x3ef: {  	v15 =	vld.idx.msk [tilespmem:v61+s10+$0x0], $0xffff;
	v55 =	vmul.f32 v9, v9;
	v61 =	vor.u32 v60, v37  }
0x3f0: {  	v3 =	vadd.f32 v40, v3;
	v40 =	vld [tilespmem:$0x1F9F0];
	v12 =	vadd.f32 v41, v12;
	v45 =	vmul.f32 v20, v20  }
0x3f1: {  	v41 =	vld [tilespmem:$0x1FCD0]  }
0x3f2: {  	v56 =	vmul.f32 v34, v34;
	v16 =	vadd.f32 v55, v16;
	v55 =	vld [tilespmem:$0x1FA40];
	v12 =	vadd.f32 v45, v12  }
0x3f3: {  	v27 =	vld.idx.msk [tilespmem:v27+s10+$0x0], $0xffff  }
0x3f4: {  	v10 =	vadd.f32 v56, v12;
	v12 =	vld [tilespmem:$0x1FA50]  }
0x3f5: {  	v13 =	vld.idx.msk [tilespmem:v61+s10+$0x0], $0xffff  }
0x3f6: {  	v61 =	vld [tilespmem:$0x1FCE0]  }
0x3f7: {  	v62 =	vmul.f32 v4, v4;
	v36 =	vld.idx.msk [tilespmem:v42+s12+$0x0], $0xffff  }
0x3f8: {  	v5 =	vmul.f32 v22, v5;
	v56 =	vld [tilespmem:$0x1FCC0]  }
0x3f9: {  	v16 =	vadd.f32 v62, v16;
	v14 =	vmul.f32 v15, v15;
	v42 =	vld [tilespmem:$0x1FA00]  }
0x3fa: {  	v1 =	vmul.f32 v26, v1;
	v51 =	vmul.f32 v6, v6;
	v3 =	vadd.f32 v5, v3;
	v18 =	vld.idx.msk [tilespmem:v55+s12+$0x0], $0xffff  }
0x3fb: {  	v62 =	vmul.f32 v29, v29;
	v24 =	vor.u32 v41, v37;
	v14 =	vadd.f32 v14, v16;
	v26 =	vld.idx.msk [tilespmem:v40+s12+$0x0], $0xffff  }
0x3fc: {  	v1 =	vadd.f32 v1, v3;
	v16 =	vor.u32 v58, v37;
	v12 =	vld.idx.msk [tilespmem:v12+s12+$0x0], $0xffff  }
0x3fd: {  	v60 =	vmul.f32 v0, v0;
	v10 =	vadd.f32 v62, v10;
	v14 =	vadd.f32 v51, v14;
	v51 =	vld [tilespmem:$0x1FA20]  }
0x3fe: {  	v25 =	vor.u32 v61, v37;
	v61 =	vmul.f32 v21, v17;
	v21 =	vor.u32 v39, v37;
	v39 =	vld [tilespmem:$0x1F960]  }
0x3ff: {  	v11 =	vmul.f32 v13, v13;
	v14 =	vadd.f32 v60, v14;
	v60 =	vld [tilespmem:$0x1FCB0];
	v44 =	vmul.f32 v18, v18  }
0x400: {  	v8 =	vmul.f32 v30, v8;
	v28 =	vor.u32 v56, v37;
	v24 =	vld.idx.msk [tilespmem:v24+s10+$0x0], $0xffff;
	v1 =	vadd.f32 v61, v1  }
0x401: {  	v11 =	vadd.f32 v11, v14;
	v14 =	vld.idx.msk [tilespmem:v16+s10+$0x0], $0xffff;
	v10 =	vadd.f32 v44, v10;
	v55 =	vmul.f32 v12, v12  }
0x402: {  	v1 =	vadd.f32 v8, v1;
	v8 =	vld [tilespmem:$0x1F9E0]  }
0x403: {  	v58 =	vadd.f32 v55, v10;
	v10 =	vld [tilespmem:$0x1FA30]  }
0x404: {  	v25 =	vld.idx.msk [tilespmem:v25+s10+$0x0], $0xffff  }
0x405: {  	v17 =	vld.idx.msk [tilespmem:v28+s10+$0x0], $0xffff  }
0x406: {  	v28 =	vld.idx.msk [tilespmem:v42+s12+$0x0], $0xffff  }
0x407: {  	v45 =	vmul.f32 v32, v32;
	v21 =	vld.idx.msk [tilespmem:v21+s10+$0x0], $0xffff  }
0x408: {  	v22 =	vor.u32 v60, v37;
	v60 =	vld [tilespmem:$0x1F950]  }
0x409: {  	v7 =	vadd.f32 v45, v11;
	v11 =	vmul.f32 v27, v27;
	v16 =	vld.idx.msk [tilespmem:v51+s12+$0x0], $0xffff  }
0x40a: {  	v44 =	vld [tilespmem:$0x1FC90]  }
0x40b: {  	v7 =	vadd.f32 v11, v7;
	v62 =	vmul.f32 v14, v14;
	v10 =	vld.idx.msk [tilespmem:v10+s12+$0x0], $0xffff  }
0x40c: {  	v9 =	vmul.f32 v23, v9;
	v11 =	vmul.f32 v36, v36;
	v23 =	vld.idx.msk [tilespmem:v39+s12+$0x0], $0xffff  }
0x40d: {  	v2 =	vmul.f32 v33, v2;
	v7 =	vadd.f32 v62, v7;
	v22 =	vld.idx.msk [tilespmem:v22+s10+$0x0], $0xffff  }
0x40e: {  	v41 =	vmul.f32 v25, v25;
	v5 =	vadd.f32 v11, v58;
	v11 =	vmul.f32 v16, v16;
	v8 =	vld.idx.msk [tilespmem:v8+s12+$0x0], $0xffff  }
0x40f: {  	v1 =	vadd.f32 v2, v1;
	v55 =	vmul.f32 v31, v19;
	v58 =	vld [tilespmem:$0x1FC70]  }
0x410: {  	v3 =	vadd.f32 v41, v7;
	v41 =	vld [tilespmem:$0x1FC60];
	v5 =	vadd.f32 v11, v5;
	v11 =	vmul.f32 v10, v10  }
0x411: {  	v30 =	vor.u32 v44, v37;
	v44 =	vld [tilespmem:$0x1F970]  }
0x412: {  	v45 =	vmul.f32 v24, v24;
	v1 =	vadd.f32 v55, v1;
	v5 =	vadd.f32 v11, v5;
	v11 =	vld [tilespmem:$0x1FC80]  }
0x413: {  	v33 =	vld.idx.msk [tilespmem:v60+s12+$0x0], $0xffff  }
0x414: {  	v56 =	vmul.f32 v17, v17;
	v3 =	vadd.f32 v45, v3;
	v1 =	vadd.f32 v9, v1;
	v9 =	vld [tilespmem:$0x1FC50]  }
0x415: {  	v51 =	vmul.f32 v26, v26;
	v60 =	vld [tilespmem:$0x1FC40]  }
0x416: {  	v61 =	vmul.f32 v28, v28;
	v3 =	vadd.f32 v56, v3;
	v56 =	vld [tilespmem:$0x1F980]  }
0x417: {  	v62 =	vmul.f32 v22, v22;
	v19 =	vld.idx.msk [tilespmem:v30+s10+$0x0], $0xffff;
	v5 =	vadd.f32 v51, v5;
	v11 =	vor.u32 v11, v37  }
0x418: {  	v31 =	vor.u32 v58, v37;
	v40 =	vmul.f32 v8, v8;
	v30 =	vor.u32 v41, v37;
	v41 =	vld [tilespmem:$0x1F9B0]  }
0x419: {  	v2 =	vadd.f32 v62, v3;
	v62 =	vmul.f32 v34, v6;
	v34 =	vld [tilespmem:$0x1F990];
	v5 =	vadd.f32 v61, v5  }
0x41a: {  	v7 =	vld.idx.msk [tilespmem:v44+s12+$0x0], $0xffff  }
0x41b: {  	v9 =	vor.u32 v9, v37;
	v5 =	vadd.f32 v40, v5;
	v40 =	vld [tilespmem:$0x1F9A0]  }
0x41c: {  	v11 =	vld.idx.msk [tilespmem:v11+s10+$0x0], $0xffff  }
0x41d: {  	v42 =	vmul.f32 v21, v21;
	v31 =	vld.idx.msk [tilespmem:v31+s10+$0x0], $0xffff  }
0x41e: {  	v4 =	vmul.f32 v35, v4;
	v45 =	vmul.f32 v33, v33;
	v30 =	vld.idx.msk [tilespmem:v30+s10+$0x0], $0xffff  }
0x41f: {  	v2 =	vadd.f32 v42, v2;
	v35 =	vld.idx.msk [tilespmem:v56+s12+$0x0], $0xffff;
	v51 =	vmul.f32 v20, v15;
	v15 =	vmul.f32 v19, v19  }
0x420: {  	v55 =	vor.u32 v46, v37;
	v1 =	vadd.f32 v4, v1;
	v58 =	vmul.f32 v23, v23;
	v39 =	vld.idx.msk [tilespmem:v9+s10+$0x0], $0xffff  }
0x421: {  	v2 =	vadd.f32 v15, v2;
	v3 =	vadd.f32 v45, v5;
	v45 =	vld [tilespmem:$0x1F9C0];
	v15 =	vmul.f32 v11, v11  }
0x422: {  	v9 =	vmul.f32 v7, v7;
	v6 =	vld.idx.msk [tilespmem:v34+s12+$0x0], $0xffff;
	v61 =	vor.u32 v60, v37;
	v1 =	vadd.f32 v51, v1  }
0x423: {  	v3 =	vadd.f32 v58, v3;
	v2 =	vadd.f32 v15, v2;
	v15 =	vmul.f32 v31, v31  }
0x424: {  	v0 =	vmul.f32 v29, v0;
	v1 =	vadd.f32 v62, v1;
	v4 =	vld.idx.msk [tilespmem:v40+s12+$0x0], $0xffff  }
0x425: {  	v3 =	vadd.f32 v9, v3;
	v9 =	vld.idx.msk [tilespmem:v55+s10+$0x0], $0xffff;
	v2 =	vadd.f32 v15, v2;
	v15 =	vmul.f32 v35, v35  }
0x426: {  	v13 =	vmul.f32 v18, v13;
	v42 =	vmul.f32 v30, v30;
	v0 =	vadd.f32 v0, v1;
	v1 =	vld.idx.msk [tilespmem:v41+s12+$0x0], $0xffff  }
0x427: {  	v44 =	vld.idx.msk [tilespmem:v61+s10+$0x0], $0xffff;
	v3 =	vadd.f32 v15, v3;
	v15 =	vmul.f32 v6, v6  }
0x428: {  	v0 =	vadd.f32 v13, v0;
	v13 =	vmul.f32 v39, v39;
	v2 =	vadd.f32 v42, v2  }
0x429: {  	v12 =	vmul.f32 v12, v32;
	v18 =	vld.idx.msk [tilespmem:v45+s12+$0x0], $0xffff;
	v3 =	vadd.f32 v15, v3;
	v15 =	vmul.f32 v4, v4  }
0x42a: {  	v2 =	vadd.f32 v13, v2;
	v13 =	vmul.f32 v9, v9  }
0x42b: {  	v0 =	vadd.f32 v12, v0;
	v12 =	vmul.f32 v36, v27;
	v3 =	vadd.f32 v15, v3  }
0x42c: {  	v15 =	vmul.f32 v1, v1;
	v2 =	vadd.f32 v13, v2;
	v13 =	vmul.f32 v44, v44  }
0x42d: {  	v0 =	vadd.f32 v12, v0;
	v12 =	vmul.f32 v16, v14  }
0x42e: {  	v3 =	vadd.f32 v15, v3;
	v2 =	vadd.f32 v13, v2;
	v13 =	vmul.f32 v18, v18  }
0x42f: {  	v10 =	vmul.f32 v10, v25  }
0x430: {  	v0 =	vadd.f32 v12, v0;
	v3 =	vadd.f32 v13, v3;
	v2 =	vmax.f32 v2, $1.000000020e-24  }
0x431: {  	v12 =	vmul.f32 v26, v24;
	v13 =	vshra.s32 v2, $0x1;
	v2 =	vmul.f32 $5.000000000e-01, v2  }
0x432: {  	v0 =	vadd.f32 v10, v0;
	v10 =	vsub.s32 $0x5F3759DF, v13;
	v3 =	vmax.f32 v3, $1.000000020e-24  }
0x433: {  	v13 =	vmul.f32 v10, v2;
	v14 =	vshra.s32 v3, $0x1;
	v3 =	vmul.f32 $5.000000000e-01, v3  }
0x434: {  	v15 =	vmul.f32 v28, v17;
	v14 =	vsub.s32 $0x5F3759DF, v14  }
0x435: {  	v0 =	vadd.f32 v12, v0;
	v12 =	vmul.f32 v10, v13;
	v13 =	vmul.f32 v14, v3  }
0x436: {  	v8 =	vmul.f32 v8, v22  }
0x437: {  	v0 =	vadd.f32 v15, v0;
	v12 =	vsub.f32 $1.500000000e+00, v12;
	v13 =	vmul.f32 v14, v13  }
0x438: {  	v15 =	vmul.f32 v33, v21  }
0x439: {  	v0 =	vadd.f32 v8, v0;
	v8 =	vmul.f32 v10, v12;
	v10 =	vsub.f32 $1.500000000e+00, v13  }
0x43a: {  	v12 =	vmul.f32 v23, v19  }
0x43b: {  	v0 =	vadd.f32 v15, v0;
	v10 =	vmul.f32 v14, v10;
	v13 =	vmul.f32 v8, v2  }
0x43c: {  	v7 =	vmul.f32 v7, v11  }
0x43d: {  	v0 =	vadd.f32 v12, v0;
	v11 =	vmul.f32 v13, v8;
	v12 =	vmul.f32 v10, v3  }
0x43e: {  	v13 =	vmul.f32 v35, v31  }
0x43f: {  	v0 =	vadd.f32 v7, v0;
	v46 =	vsub.f32 $1.500000000e+00, v11;
	v11 =	vmul.f32 v12, v10  }
0x440: {  	v6 =	vmul.f32 v6, v30  }
0x441: {  	v0 =	vadd.f32 v13, v0;
	v7 =	vmul.f32 v46, v8;
	v8 =	vsub.f32 $1.500000000e+00, v11  }
0x442: {  	v4 =	vmul.f32 v4, v39  }
0x443: {  	v0 =	vadd.f32 v6, v0;
	v51 =	vmul.f32 v8, v10;
	v2 =	vmul.f32 v7, v2  }
0x444: {  	v1 =	vmul.f32 v1, v9  }
0x445: {  	v0 =	vadd.f32 v4, v0;
	v2 =	vmul.f32 v2, v7;
	v3 =	vmul.f32 v51, v3  }
0x446: {  	v55 =	vmul.f32 v18, v44  }
0x447: {  	v0 =	vadd.f32 v1, v0;
	v56 =	vsub.f32 $1.500000000e+00, v2;
	v58 =	vmul.f32 v3, v51;
	_ =	sdelay $0x1  }
0x448: {  	v0 =	vadd.f32 v55, v0;
	v1 =	vmul.f32 v56, v7;
	v2 =	vsub.f32 $1.500000000e+00, v58;
	_ =	sdelay $0x1  }
0x449: {  	v2 =	vmul.f32 v2, v51;
	v0 =	vmul.f32 v1, v0;
	_ =	sdelay $0x1  }
0x44a: {  	v0 =	vmul.f32 v2, v0  }
0x44b: {  	v60 =	vld [tilespmem:$0x1F9D0]  }
0x44c: {  	v0 =	vmax.f32 v0, $-1.000000000e+00  }
0x44d: {  	v0 =	vmin.f32 v0, $1.000000000e+00  }
0x44e: {  	v0 =	vsub.f32 $1.000000000e+00, v0;
	_ =	sdelay $0x1  }
0x44f: {  	v0 =	vadd.f32 v0, v60;
	_ =	sdelay $0x1  }
0x450: {  	v0 =	vmul.f32 $6.103515630e-05, v0;
	_ =	sdelay $0x1  }
0x451: {  	s0 =	rddreg [dreg:$0x6];
	s1 =	simm.s32 $0x18400;
	[tilespmem:$0x18400] =	vst v0  }
0x452: {  	[spmem:s0] =	stream.linear.scatter [tilespmem:s1], [sflag:$0x2], $0x400, $0x38;
	[tilespmem:$0x1CC00] =	vst v63  }
0x453: {  	_ =	swait.ge [sflag:s7], $0x400  }
0x454: {  	[sflag:s7] =	ssyncset.done $0x0  }
0x455: {  	[sflag:s7] =	ssyncadd.s32 $0xFFFFFC00  }
0x456: {  	[bflag:$0x0] =	sbarrier.arrive $0xFFFF  }
0x457: {  	s0 =	simm.s32 @!p0 $0x18800;
	s1 =	rddreg [dreg:$0x2]  }
0x458: {  	[tilespmem:s0], [sflag:$0x2] =	stream.linear.gather @!p0 [spmem:s1], $0x4000, $0x38;
	[tilespmem:$0x1CC00] =	vst v63  }
0x459: {  	s0 =	simm.s32 @!p0 $0x2  }
0x45a: {  	_ =	swait.ge @!p0 [sflag:s0], $0x4000  }
0x45b: {  	[sflag:s0] =	ssyncset.done @!p0 $0x0  }
0x45c: {  	[sflag:s0] =	ssyncadd.s32 @!p0 $0xFFFFC000  }
0x45d: {  	v0 =	vld @!p0 [tilespmem:$0x18800]  }
0x45e: {  	v1 =	vld @!p0 [tilespmem:$0x18C00];
	_ =	sdelay $0x1  }
0x45f: {  	v2 =	vld @!p0 [tilespmem:$0x19000];
	_ =	sdelay $0x1  }
0x460: {  	v3 =	vld @!p0 [tilespmem:$0x19400]  }
0x461: {  	v0 =	vadd.f32 @!p0 v1, v0  }
0x462: {  	v1 =	vld @!p0 [tilespmem:$0x19800]  }
0x463: {  	v0 =	vadd.f32 @!p0 v2, v0  }
0x464: {  	v2 =	vld @!p0 [tilespmem:$0x19C00]  }
0x465: {  	v0 =	vadd.f32 @!p0 v3, v0  }
0x466: {  	v3 =	vld @!p0 [tilespmem:$0x1A000]  }
0x467: {  	v0 =	vadd.f32 @!p0 v1, v0  }
0x468: {  	v1 =	vld @!p0 [tilespmem:$0x1A400]  }
0x469: {  	v0 =	vadd.f32 @!p0 v2, v0  }
0x46a: {  	v2 =	vld @!p0 [tilespmem:$0x1A800]  }
0x46b: {  	v0 =	vadd.f32 @!p0 v3, v0  }
0x46c: {  	v3 =	vld @!p0 [tilespmem:$0x1AC00]  }
0x46d: {  	v0 =	vadd.f32 @!p0 v1, v0  }
0x46e: {  	v1 =	vld @!p0 [tilespmem:$0x1B000]  }
0x46f: {  	v0 =	vadd.f32 @!p0 v2, v0  }
0x470: {  	v2 =	vld @!p0 [tilespmem:$0x1B400]  }
0x471: {  	v0 =	vadd.f32 @!p0 v3, v0  }
0x472: {  	v3 =	vld @!p0 [tilespmem:$0x1B800]  }
0x473: {  	v0 =	vadd.f32 @!p0 v1, v0  }
0x474: {  	v1 =	vld @!p0 [tilespmem:$0x1BC00]  }
0x475: {  	v0 =	vadd.f32 @!p0 v2, v0  }
0x476: {  	v2 =	vld @!p0 [tilespmem:$0x1C000]  }
0x477: {  	v0 =	vadd.f32 @!p0 v3, v0  }
0x478: {  	v3 =	vld @!p0 [tilespmem:$0x1C400]  }
0x479: {  	v0 =	vadd.f32 @!p0 v1, v0;
	_ =	sdelay $0x1  }
0x47a: {  	v0 =	vadd.f32 @!p0 v2, v0;
	_ =	sdelay $0x1  }
0x47b: {  	v0 =	vadd.f32 @!p0 v3, v0;
	_ =	sdelay $0x1  }
0x47c: {  	(xrf2) =	vadd.scan.msk.f32 @!p0 $0xffff, v0;
	_ =	sdelay $0x9  }
0x47d: {  	v0, _, _ =	vpop @!p0 (xrf2)  }
0x47e: {  	v0 =	vbroadcast @!p0 v0, $0xF;
	_ =	sdelay $0x1  }
0x47f: {  	s4 =	simm.s32 @!p0 $0x18400;
	s1 =	simm.s32 @!p0 $0x0;
	s6 =	rddreg [dreg:$0x7];
	[tilespmem:$0x18400] =	vst @!p0 v0  }
0x480: {  	[hbm4b:s6+s1] =	stream.linear.scatter @!p0 [tilespmem:s4], [sflag:$0x2], $0x400, $0x38;
	[tilespmem:$0x1CC00] =	vst v63  }
0x481: {  	_ =	swait.ge @!p0 [sflag:s0], $0x400  }
0x482: {  	s14 =	sadd.s32 $0x1, s14;
	s31 =	rddreg [dreg:$0x8];
	v61 =	vld [tilespmem:$0x1FF40]  }
0x483: {  	v62 =	vld [tilespmem:$0x1FF50];
	p1 =	sne.s32 s14, s31  }
.Ltmp3:
0x484: {  	v11 =	vld [tilespmem:$0x1FF00];
	(pc) =	sbr.rel @p1 .LBB2_1-.Ltmp3, $4  }
.Ltmp4:
0x485: {  	v12 =	vld [tilespmem:$0x1FF10];
	(pc) =	sbr.rel @!p1 .LBB2_8-.Ltmp4, $4  }
0x486: {  	vm4 =	vcmask $0xB10;
	vm5 =	vcmask $0xF14;
	vm6 =	vcmask $0x1318;
	v13 =	vld [tilespmem:$0x1FF20]  }
0x487: {  	vm12 =	vcmask $0x2B30;
	vm13 =	vcmask $0x2F34;
	vm14 =	vcmask $0x3338;
	[sflag:s0] =	ssyncset.done @!p0 $0x0;
	v14 =	vld [tilespmem:$0x1FF30]  }
0x488: {  	vm0 =	vcmask $0x373C;
	v10 =	vld [tilespmem:$0x1FEF0];
	[sflag:s0] =	ssyncadd.s32 @!p0 $0xFFFFFC00;
	vm15 =	vnez.u8 v61;
	vm9 =	vnez.u8 v62  }
0x489: {  	_ = 	snop  }
.LBB2_4:
0x48a: {  	[tilespmem:$0x1F940] =	vst v39  }
0x48b: {  	[tilespmem:$0x1F950] =	vst v62  }
0x48c: {  	[tilespmem:$0x1F960] =	vst v5  }
0x48d: {  	[tilespmem:$0x1F970] =	vst v44  }
0x48e: {  	[tilespmem:$0x1F980] =	vst v42  }
.Ltmp5:
0x48f: {  	[tilespmem:$0x1F990] =	vst v36;
	(pc) =	sbr.rel .LBB2_7-.Ltmp5, $4  }
0x490: {  	[tilespmem:$0x1F9A0] =	vst v34  }
0x491: {  	v55 =	vld [tilespmem:$0x1FC10];
	[tilespmem:$0x1F9B0] =	vst v30  }
0x492: {  	[tilespmem:$0x1F9C0] =	vst v25;
	v1 =	vimm.f32 $0.0e+00;
	v5 =	vld [tilespmem:$0x1FD90]  }
0x493: {  	s7 =	simm.s32 $0x2;
	[tilespmem:$0x1F9D0] =	vst v1;
	v1 =	vld [tilespmem:$0x1FD80]  }
.LBB2_8:
0x494: {  	_ =	sfence.sel $0x180000  }
0x495: {  	[bflag:$0x0] =	sbarrier.arrive $0xFFFF  }
0x496: {  	_ =	strace $0x90000047  }
0x497: {  	[bflag:$0x2] =	sbarrier.arrive $0xFFFF  }
0x498: {  	s0 =	rddreg [dreg:$0x3]  }
0x499: {  	s0 =	sadd.s32 @!p0 $0x100000, s0  }
0x49a: {  	[sflag:s0] =	ssyncadd.tile.s32 @!p0 $0x1;
	_ =	shalt  }
.Lfunc_end2:
_tile_overlayer_lowered:
.L_overlay_start_2:
0x49b: {  	(tag) =	ssettag $0x2  }
0x49c: {  	s0 =	rddreg [dreg:$0x0];
	s2 =	stileid.u32  }
0x49d: {  	s1 =	rddreg [dreg:$0x1];
	p0 =	sne.s32 s2, $0x0  }
0x49e: {  	s3 =	rddreg [dreg:$0x2];
	[bflag:$0x3] =	sbarrier.arrive $0xFFFF;
	s2 =	simm.s32 @!p0 $0x1C02  }
0x49f: {  	[timem:s3], [sflag:s2] =	dma.local @!p0 [hbm:s0], s1  }
0x4a0: {  	s0 =	simm.s32 @!p0 $0x2  }
0x4a1: {  	_ =	swait.ge @!p0 [sflag:s0], s1  }
0x4a2: {  	s1 =	ssub.s32 @!p0 $0x0, s1;
	[sflag:s0] =	ssyncset.done @!p0 $0x0  }
0x4a3: {  	[sflag:s0] =	ssyncadd.s32 @!p0 s1  }
0x4a4: {  	[bflag:$0x3] =	sbarrier.arrive $0xFFFF  }
0x4a5: {  	_ =	shalt  }

</sc_bundles>
